<compile_context>
chip_gen: v7x
topology: tpu7x:2x2x1
jax: 0.10.2.dev20260603
libtpu: 0.0.44.dev20260713+nightly
codegen_flags: <defaults>
</compile_context>

<pallas_src>
import functools

import jax
import jax.numpy as jnp
from jax import lax
from jax.experimental import pallas as pl
from jax.experimental.pallas import tpu as pltpu
from jax.experimental.pallas import tpu_sc as plsc

N = 10000
E = 320000
D = 128
G = 100
NPG = 100
K = 30
TL = 97
C1, C2 = 16, 32
KW2 = 5
OUT = 128

NC, NS = 2, 16
NW = NC * NS
CHUNK = 128
RPW = 313
NCHUNK = 86
EPW = NCHUNK * CHUNK
N_PAD = 10240
RPS = N_PAD // NS


def _edge_agg_body(with_deg, d, h_hbm, src_hbm, dst_hbm, zeros_hbm, zeros1_hbm,
                   *refs):
    dacc = None
    if with_deg:
        agg_out, deg_out, src_v, dst_v, rows_v, ones_v, accum, dacc, sem = refs
    else:
        agg_out, src_v, dst_v, rows_v, accum, sem = refs
    c = lax.axis_index("c")
    s = lax.axis_index("s")
    wid = s * NC + c

    if True:
        pltpu.sync_copy(zeros_hbm.at[pl.ds(s * RPS, RPS)],
                        accum.at[pl.ds(s * RPS, RPS)])
        if with_deg:
            pltpu.sync_copy(zeros1_hbm.at[pl.ds(s * RPS, RPS)],
                            dacc.at[pl.ds(s * RPS, RPS)])
            for t in range(CHUNK // 16):
                ones_v[pl.ds(t * 16, 16)] = jnp.full((16,), 1.0, jnp.float32)
        plsc.subcore_barrier()

        pltpu.sync_copy(src_hbm.at[wid], src_v)
        pltpu.sync_copy(dst_hbm.at[wid], dst_v)

        def chunk_body(j, carry):
            pltpu.async_copy(h_hbm.at[src_v.at[j]], rows_v, sem).wait()
            pltpu.sync_copy(rows_v, accum.at[dst_v.at[j]], add=True)
            if with_deg:
                pltpu.sync_copy(ones_v, dacc.at[dst_v.at[j]], add=True)
            return carry

        lax.fori_loop(0, NCHUNK, chunk_body, 0)
        plsc.subcore_barrier()

        pltpu.sync_copy(accum.at[pl.ds(s * RPS, RPS)],
                        agg_out.at[pl.ds(c * N_PAD + s * RPS, RPS)])
        if with_deg:
            pltpu.sync_copy(dacc.at[pl.ds(s * RPS, RPS)],
                            deg_out.at[pl.ds(c * N_PAD + s * RPS, RPS)])


def _edge_agg(h, src_r, dst_r, zeros_pad, zeros1, with_deg):
    d = h.shape[1]
    out_type = [jax.ShapeDtypeStruct((NC * N_PAD, d), jnp.float32)]
    scratch = [
        pltpu.VMEM((NCHUNK, CHUNK), jnp.int32),
        pltpu.VMEM((NCHUNK, CHUNK), jnp.int32),
        pltpu.VMEM((CHUNK, d), jnp.float32),
    ]
    if with_deg:
        out_type.append(jax.ShapeDtypeStruct((NC * N_PAD,), jnp.float32))
        scratch.append(pltpu.VMEM((CHUNK,), jnp.float32))
    scratch.append(pltpu.VMEM_SHARED((N_PAD, d), jnp.float32))
    if with_deg:
        scratch.append(pltpu.VMEM_SHARED((N_PAD,), jnp.float32))
    scratch.append(pltpu.SemaphoreType.DMA)
    mesh = plsc.VectorSubcoreMesh(core_axis_name="c", subcore_axis_name="s")
    fn = pl.kernel(
        functools.partial(_edge_agg_body, with_deg, d),
        compiler_params=pltpu.CompilerParams(use_tc_tiling_on_sc=False),
        out_type=tuple(out_type),
        mesh=mesh,
        scratch_types=tuple(scratch),
    )
    return fn(h, src_r, dst_r, zeros_pad, zeros1)


def _combine0_body(p0, p1, h, w, b, d0, d1, h_out, degs_out):
    degs = d0[...] + d1[...] + 1.0
    degs_out[...] = degs
    agg = p0[...] + p1[...] + h[...]
    lin = jnp.dot(agg, w[...]) + b[...]
    h_out[...] = jnp.tanh(lin / degs)


def _combine_body(p0, p1, h, w, b, degs, h_out):
    agg = p0[...] + p1[...] + h[...]
    lin = jnp.dot(agg, w[...]) + b[...]
    h_out[...] = jnp.tanh(lin / degs[...])


def _combine0(p0, p1, h, w, b, d0, d1):
    return pl.pallas_call(
        _combine0_body,
        out_shape=(
            jax.ShapeDtypeStruct((N, w.shape[1]), jnp.float32),
            jax.ShapeDtypeStruct((N, 1), jnp.float32),
        ),
    )(p0, p1, h, w, b, d0, d1)


def _combine(p0, p1, h, w, b, degs):
    return pl.pallas_call(
        _combine_body,
        out_shape=jax.ShapeDtypeStruct((N, w.shape[1]), jnp.float32),
    )(p0, p1, h, w, b, degs)


def _head_body(p_ref, wc1_ref, bc1_ref, wc2_ref, bc2_ref, wd_ref, bd_ref, out_ref):
    p = p_ref[...]
    y1 = jnp.dot(p, wc1_ref[...], preferred_element_type=jnp.float32)
    y1 = jnp.maximum(y1 + bc1_ref[...], 0.0)
    yp = jnp.max(y1.reshape(G * (K // 2), 2, C1), axis=1)
    yp3 = yp.reshape(G, K // 2, C1)
    npos = K // 2 - KW2 + 1
    acc = jnp.zeros((G * npos, C2), jnp.float32)
    for dk in range(KW2):
        win = yp3[:, dk : dk + npos, :].reshape(G * npos, C1)
        acc = acc + jnp.dot(win, wc2_ref[dk], preferred_element_type=jnp.float32)
    y2 = jnp.maximum(acc + bc2_ref[...], 0.0)
    y23 = y2.reshape(G, npos, C2)
    oacc = jnp.zeros((G, OUT), jnp.float32)
    for j in range(npos):
        oacc = oacc + jnp.dot(
            y23[:, j, :], wd_ref[j * C2 : (j + 1) * C2, :],
            preferred_element_type=jnp.float32,
        )
    out_ref[...] = jnp.maximum(oacc + bd_ref[...], 0.0)


def _head(pooled_flat, Wc1_2d, bc1, Wc2_r, bc2, Wd_perm, bd):
    return pl.pallas_call(
        _head_body,
        out_shape=jax.ShapeDtypeStruct((G, OUT), jnp.float32),
    )(pooled_flat, Wc1_2d, bc1, Wc2_r, bc2, Wd_perm, bd)


def _topk_body(h_ref, out_ref):
    v = h_ref[...]
    lane = jax.lax.broadcasted_iota(jnp.int32, v.shape, 1)
    gbase = jax.lax.broadcasted_iota(jnp.int32, (G, 1), 0) * NPG
    neg = jnp.float32(-jnp.inf)
    for k in range(K):
        m = jnp.max(v, axis=1, keepdims=True)
        is_max = v >= m
        idx = jnp.min(jnp.where(is_max, lane, jnp.int32(2**30)), axis=1, keepdims=True)
        out_ref[:, k : k + 1] = idx + gbase
        v = jnp.where(lane == idx, neg, v)


def _topk_indices(h4):
    h4p = jnp.pad(h4, ((0, 0), (0, 128 - NPG)), constant_values=-jnp.inf)
    return pl.pallas_call(
        _topk_body,
        out_shape=jax.ShapeDtypeStruct((G, K), jnp.int32),
    )(h4p)


def kernel(node_feat, edge_index, W0, b0, W1, b1, W2, b2, W3, b3, Wc1, bc1, Wc2, bc2, Wd, bd):
    src = edge_index[0]
    dst = edge_index[1]
    bucket = dst // RPW
    onehot = (bucket[:, None] == jnp.arange(NW, dtype=jnp.int32)[None, :]).astype(jnp.int32)
    rank = jnp.take_along_axis(jnp.cumsum(onehot, axis=0), bucket[:, None], axis=1)[:, 0] - 1
    pos = bucket * EPW + rank
    fill_src = (jnp.arange(NW * EPW, dtype=jnp.int32) * 997) % N
    src_r = fill_src.at[pos].set(src, unique_indices=True).reshape(NW, NCHUNK, CHUNK)
    dst_r = jnp.full((NW * EPW,), N, jnp.int32).at[pos].set(dst, unique_indices=True).reshape(NW, NCHUNK, CHUNK)
    zeros128 = jnp.zeros((N_PAD, D), jnp.float32)
    zeros1 = jnp.zeros((N_PAD,), jnp.float32)

    h = node_feat
    degs = None
    cats = []
    for i, (W, b) in enumerate(((W0, b0), (W1, b1), (W2, b2), (W3, b3))):
        zp = zeros128[:, : h.shape[1]]
        if i == 0:
            aggp, degp = _edge_agg(h, src_r, dst_r, zp, zeros1, True)
            p0, p1 = aggp[:N], aggp[N_PAD : N_PAD + N]
            d0, d1 = degp[:N, None], degp[N_PAD : N_PAD + N, None]
            h, degs = _combine0(p0, p1, h, W, b, d0, d1)
        else:
            (aggp,) = _edge_agg(h, src_r, dst_r, zp, zeros1, False)
            p0, p1 = aggp[:N], aggp[N_PAD : N_PAD + N]
            h = _combine(p0, p1, h, W, b, degs)
        cats.append(h)

    cm = jnp.concatenate(cats, axis=1)
    idxg = _topk_indices(cats[3][:, 0].reshape(G, NPG))
    pooled = cm[idxg.reshape(-1)]
    Wc1_2d = Wc1[:, 0, :].T
    Wc2_r = jnp.transpose(Wc2, (2, 1, 0))
    Wd_perm = Wd.reshape(C2, 11, OUT).transpose(1, 0, 2).reshape(C2 * 11, OUT)
    out = _head(pooled, Wc1_2d, bc1, Wc2_r, bc2, Wd_perm, bd)
    return jnp.maximum(out, 0.0)

# --- scband reference (transcript-rebuilt; emitter-appended) ---
"""Pipeline reference for scband-dgcnn-6433861010018 (READ-ONLY COPY).

The authoritative reference and input builder live on the scoring server;
editing this copy changes nothing except your own understanding.
"""

import jax, jax.numpy as jnp
import numpy as np

N = 10000      # total nodes
E = 320000     # total edges
D = 128        # num_node_feats
G = 100        # number of graphs
NPG = 100      # nodes per graph (equal-sized graphs)
K = 30         # sortpooling k
LAT = [32, 32, 32, 1]
TL = sum(LAT)  # 97 total_latent_dim
C1, C2 = 16, 32
KW2 = 5
DENSE_IN = ((K - 2) // 2 + 1 - KW2 + 1) * C2  # 352
OUT = 128


def setup_inputs(seed: int = 0) -> dict:
    key = jax.random.key(seed)
    ks = jax.random.split(key, 20)
    s = 0.05
    inp = {}
    inp['node_feat'] = jax.random.normal(ks[0], (N, D), jnp.float32)
    inp['edge_index'] = jax.random.randint(ks[1], (2, E), 0, N, jnp.int32)
    # GCN linear layers
    dims = [D] + LAT
    for i in range(4):
        inp['W%d' % i] = jax.random.normal(ks[2 + 2 * i], (dims[i], dims[i + 1]), jnp.float32) * s
        inp['b%d' % i] = jnp.zeros((dims[i + 1],), jnp.float32)
    # Conv1d layers
    inp['Wc1'] = jax.random.normal(ks[12], (C1, 1, TL), jnp.float32) * s
    inp['bc1'] = jnp.zeros((C1,), jnp.float32)
    inp['Wc2'] = jax.random.normal(ks[13], (C2, C1, KW2), jnp.float32) * s
    inp['bc2'] = jnp.zeros((C2,), jnp.float32)
    # Output dense
    inp['Wd'] = jax.random.normal(ks[14], (DENSE_IN, OUT), jnp.float32) * s
    inp['bd'] = jnp.zeros((OUT,), jnp.float32)
    return inp


def reference(node_feat, edge_index, W0, b0, W1, b1, W2, b2, W3, b3, Wc1, bc1, Wc2, bc2, Wd, bd):
    src = edge_index[0]
    dst = edge_index[1]
    # node_degs = degree + 1 (as in torch: graph degs + 1)
    degs = jnp.zeros((N,), jnp.float32).at[dst].add(1.0) + 1.0
    degs = degs[:, None]
    # graph convolution layers: n2npool = A @ h + h; linear; /degs; tanh
    h = node_feat
    cats = []
    for (W, b) in ((W0, b0), (W1, b1), (W2, b2), (W3, b3)):
        agg = jnp.zeros((N, h.shape[1]), h.dtype).at[dst].add(h[src]) + h
        lin = agg @ W + b
        h = jnp.tanh(lin / degs)
        cats.append(h)
    cm = jnp.concatenate(cats, axis=1)  # [N, 97]
    # sortpooling: top-k per graph on last latent channel (equal graph sizes)
    sort_channel = cm[:, -1].reshape(G, NPG)
    _, topk_idx = jax.lax.top_k(sort_channel, K)  # [G, K]
    feats = cm.reshape(G, NPG, TL)
    pooled = jnp.take_along_axis(feats, topk_idx[:, :, None], axis=1)  # [G, K, 97]
    # 1d conv stack
    x = pooled.reshape(G, 1, K * TL)
    dn = ('NCH', 'OIH', 'NCH')
    y = jax.lax.conv_general_dilated(x, Wc1, (TL,), 'VALID', dimension_numbers=dn) + bc1[None, :, None]
    y = jax.nn.relu(y)
    y = jax.lax.reduce_window(y, -jnp.inf, jax.lax.max, (1, 1, 2), (1, 1, 2), 'VALID')
    y = jax.lax.conv_general_dilated(y, Wc2, (1,), 'VALID', dimension_numbers=dn) + bc2[None, :, None]
    y = jax.nn.relu(y)
    flat = y.reshape(G, -1)  # [G, 352]
    out = jax.nn.relu(flat @ Wd + bd)
    return jax.nn.relu(out)

if __name__ == "__main__":
    import jax
    _d = setup_inputs()
    print(jax.jit(kernel)(*tuple(_d.values())))

</pallas_src>

<mosaic_0001>
#map = affine_map<(d0, d1) -> (0, 0)>
#map1 = affine_map<(d0, d1) -> (0, 0, 0)>
#map2 = affine_map<(d0, d1) -> (0)>
module attributes {stable_mosaic.version = 14 : i64} {
  func.func @_edge_agg_body(%arg0: i32, %arg1: i32, %arg2: memref<10000x128xf32, #tpu.memory_space<hbm>>, %arg3: memref<32x86x128xi32, #tpu.memory_space<hbm>>, %arg4: memref<32x86x128xi32, #tpu.memory_space<hbm>>, %arg5: memref<10240x128xf32, #tpu.memory_space<hbm>>, %arg6: memref<10240xf32, #tpu.memory_space<hbm>>, %arg7: memref<20480x128xf32, #tpu.memory_space<hbm>>, %arg8: memref<20480xf32, #tpu.memory_space<hbm>>, %arg9: memref<86x128xi32, #tpu.memory_space<vmem>>, %arg10: memref<86x128xi32, #tpu.memory_space<vmem>>, %arg11: memref<128x128xf32, #tpu.memory_space<vmem>>, %arg12: memref<128xf32, #tpu.memory_space<vmem>>, %arg13: memref<10240x128xf32, #tpu.memory_space<vmem_shared>>, %arg14: memref<10240xf32, #tpu.memory_space<vmem_shared>>, %arg15: memref<!tpu.dma_semaphore, #tpu.memory_space<semaphore_mem>>) attributes {dimension_semantics = [#tpu.dimension_semantics<core_parallel>, #tpu.dimension_semantics<subcore_parallel>], iteration_bounds = array<i64: 2, 16>, scalar_prefetch = 0 : i64, scratch_operands = 7 : i64, tpu.core_type = #tpu.core_type<sc_vector_subcore>, window_params = [{transform_indices = #map}, {transform_indices = #map1}, {transform_indices = #map1}, {transform_indices = #map}, {transform_indices = #map2}, {transform_indices = #map}, {transform_indices = #map2}]} {
    %mul3A = arith.constant 2 : i32
    %mul3A_0 = arith.muli %arg1, %mul3A : i32
    %add3A = arith.addi %mul3A_0, %arg0 : i32
    %mul3A_1 = arith.constant 640 : i32
    %mul3A_2 = arith.muli %arg1, %mul3A_1 : i32
    %mul3A_3 = arith.constant 640 : i32
    %mul3A_4 = arith.muli %arg1, %mul3A_3 : i32
    "tpu.region"() ({
      %run_scoped3A = tpu.sem_alloc : memref<!tpu.dma_semaphore, #tpu.memory_space<semaphore_mem>>
      %dma_start3A = arith.constant 0 : i32
      %dma_start3A_75 = tpu.memref_slice %arg13[%mul3A_4, %dma_start3A] : memref<10240x128xf32, #tpu.memory_space<vmem_shared>> -> memref<640x128xf32, #tpu.memory_space<vmem_shared>>
      %dma_start3A_76 = arith.constant 0 : i32
      %dma_start3A_77 = tpu.memref_slice %arg5[%mul3A_2, %dma_start3A_76] : memref<10240x128xf32, #tpu.memory_space<hbm>> -> memref<640x128xf32, #tpu.memory_space<hbm>>
      tpu.enqueue_dma source(%dma_start3A_77 : memref<640x128xf32, #tpu.memory_space<hbm>>) target(%dma_start3A_75 : memref<640x128xf32, #tpu.memory_space<vmem_shared>>) target_semaphore(%run_scoped3A : memref<!tpu.dma_semaphore, #tpu.memory_space<semaphore_mem>>)
      %dma_wait3A = arith.constant 0 : i32
      %dma_wait3A_78 = tpu.memref_slice %arg13[%mul3A_4, %dma_wait3A] : memref<10240x128xf32, #tpu.memory_space<vmem_shared>> -> memref<640x128xf32, #tpu.memory_space<vmem_shared>>
      %dma_wait3A_79 = arith.constant 0 : i32
      %dma_wait3A_80 = tpu.memref_slice %arg5[%mul3A_2, %dma_wait3A_79] : memref<10240x128xf32, #tpu.memory_space<hbm>> -> memref<640x128xf32, #tpu.memory_space<hbm>>
      tpu.wait_dma2 semaphore(%run_scoped3A : memref<!tpu.dma_semaphore, #tpu.memory_space<semaphore_mem>>) src(%dma_wait3A_80 : memref<640x128xf32, #tpu.memory_space<hbm>>) dst(%dma_wait3A_78 : memref<640x128xf32, #tpu.memory_space<vmem_shared>>)
      tpu.yield
    }) : () -> ()
    %mul3A_5 = arith.constant 640 : i32
    %mul3A_6 = arith.muli %arg1, %mul3A_5 : i32
    %mul3A_7 = arith.constant 640 : i32
    %mul3A_8 = arith.muli %arg1, %mul3A_7 : i32
    "tpu.region"() ({
      %run_scoped3A = tpu.sem_alloc : memref<!tpu.dma_semaphore, #tpu.memory_space<semaphore_mem>>
      %dma_start3A = tpu.memref_slice %arg14[%mul3A_8] : memref<10240xf32, #tpu.memory_space<vmem_shared>> -> memref<640xf32, #tpu.memory_space<vmem_shared>>
      %dma_start3A_75 = tpu.memref_slice %arg6[%mul3A_6] : memref<10240xf32, #tpu.memory_space<hbm>> -> memref<640xf32, #tpu.memory_space<hbm>>
      tpu.enqueue_dma source(%dma_start3A_75 : memref<640xf32, #tpu.memory_space<hbm>>) target(%dma_start3A : memref<640xf32, #tpu.memory_space<vmem_shared>>) target_semaphore(%run_scoped3A : memref<!tpu.dma_semaphore, #tpu.memory_space<semaphore_mem>>)
      %dma_wait3A = tpu.memref_slice %arg14[%mul3A_8] : memref<10240xf32, #tpu.memory_space<vmem_shared>> -> memref<640xf32, #tpu.memory_space<vmem_shared>>
      %dma_wait3A_76 = tpu.memref_slice %arg6[%mul3A_6] : memref<10240xf32, #tpu.memory_space<hbm>> -> memref<640xf32, #tpu.memory_space<hbm>>
      tpu.wait_dma2 semaphore(%run_scoped3A : memref<!tpu.dma_semaphore, #tpu.memory_space<semaphore_mem>>) src(%dma_wait3A_76 : memref<640xf32, #tpu.memory_space<hbm>>) dst(%dma_wait3A : memref<640xf32, #tpu.memory_space<vmem_shared>>)
      tpu.yield
    }) : () -> ()
    %broadcast_in_dim3A = arith.constant 1.000000e+00 : f32
    %broadcast_in_dim3A_9 = vector.broadcast %broadcast_in_dim3A : f32 to vector<16xf32>
    %swap3A = arith.constant 0 : index
    %swap3A_10 = tpu.vector_load %arg12[%swap3A] {strides = array<i32>} : memref<128xf32, #tpu.memory_space<vmem>>, vector<16xf32>,
    %swap3A_11 = vector.shape_cast %swap3A_10 : vector<16xf32> to vector<16xf32>
    %swap3A_12 = vector.shape_cast %broadcast_in_dim3A_9 : vector<16xf32> to vector<16xf32>
    tpu.vector_store %arg12[%swap3A], %swap3A_12 {strides = array<i32>} : memref<128xf32, #tpu.memory_space<vmem>>, vector<16xf32>,
    %broadcast_in_dim3A_13 = arith.constant 1.000000e+00 : f32
    %broadcast_in_dim3A_14 = vector.broadcast %broadcast_in_dim3A_13 : f32 to vector<16xf32>
    %swap3A_15 = arith.constant 16 : index
    %swap3A_16 = tpu.vector_load %arg12[%swap3A_15] {strides = array<i32>} : memref<128xf32, #tpu.memory_space<vmem>>, vector<16xf32>,
    %swap3A_17 = vector.shape_cast %swap3A_16 : vector<16xf32> to vector<16xf32>
    %swap3A_18 = vector.shape_cast %broadcast_in_dim3A_14 : vector<16xf32> to vector<16xf32>
    tpu.vector_store %arg12[%swap3A_15], %swap3A_18 {strides = array<i32>} : memref<128xf32, #tpu.memory_space<vmem>>, vector<16xf32>,
    %broadcast_in_dim3A_19 = arith.constant 1.000000e+00 : f32
    %broadcast_in_dim3A_20 = vector.broadcast %broadcast_in_dim3A_19 : f32 to vector<16xf32>
    %swap3A_21 = arith.constant 32 : index
    %swap3A_22 = tpu.vector_load %arg12[%swap3A_21] {strides = array<i32>} : memref<128xf32, #tpu.memory_space<vmem>>, vector<16xf32>,
    %swap3A_23 = vector.shape_cast %swap3A_22 : vector<16xf32> to vector<16xf32>
    %swap3A_24 = vector.shape_cast %broadcast_in_dim3A_20 : vector<16xf32> to vector<16xf32>
    tpu.vector_store %arg12[%swap3A_21], %swap3A_24 {strides = array<i32>} : memref<128xf32, #tpu.memory_space<vmem>>, vector<16xf32>,
    %broadcast_in_dim3A_25 = arith.constant 1.000000e+00 : f32
    %broadcast_in_dim3A_26 = vector.broadcast %broadcast_in_dim3A_25 : f32 to vector<16xf32>
    %swap3A_27 = arith.constant 48 : index
    %swap3A_28 = tpu.vector_load %arg12[%swap3A_27] {strides = array<i32>} : memref<128xf32, #tpu.memory_space<vmem>>, vector<16xf32>,
    %swap3A_29 = vector.shape_cast %swap3A_28 : vector<16xf32> to vector<16xf32>
    %swap3A_30 = vector.shape_cast %broadcast_in_dim3A_26 : vector<16xf32> to vector<16xf32>
    tpu.vector_store %arg12[%swap3A_27], %swap3A_30 {strides = array<i32>} : memref<128xf32, #tpu.memory_space<vmem>>, vector<16xf32>,
    %broadcast_in_dim3A_31 = arith.constant 1.000000e+00 : f32
    %broadcast_in_dim3A_32 = vector.broadcast %broadcast_in_dim3A_31 : f32 to vector<16xf32>
    %swap3A_33 = arith.constant 64 : index
    %swap3A_34 = tpu.vector_load %arg12[%swap3A_33] {strides = array<i32>} : memref<128xf32, #tpu.memory_space<vmem>>, vector<16xf32>,
    %swap3A_35 = vector.shape_cast %swap3A_34 : vector<16xf32> to vector<16xf32>
    %swap3A_36 = vector.shape_cast %broadcast_in_dim3A_32 : vector<16xf32> to vector<16xf32>
    tpu.vector_store %arg12[%swap3A_33], %swap3A_36 {strides = array<i32>} : memref<128xf32, #tpu.memory_space<vmem>>, vector<16xf32>,
    %broadcast_in_dim3A_37 = arith.constant 1.000000e+00 : f32
    %broadcast_in_dim3A_38 = vector.broadcast %broadcast_in_dim3A_37 : f32 to vector<16xf32>
    %swap3A_39 = arith.constant 80 : index
    %swap3A_40 = tpu.vector_load %arg12[%swap3A_39] {strides = array<i32>} : memref<128xf32, #tpu.memory_space<vmem>>, vector<16xf32>,
    %swap3A_41 = vector.shape_cast %swap3A_40 : vector<16xf32> to vector<16xf32>
    %swap3A_42 = vector.shape_cast %broadcast_in_dim3A_38 : vector<16xf32> to vector<16xf32>
    tpu.vector_store %arg12[%swap3A_39], %swap3A_42 {strides = array<i32>} : memref<128xf32, #tpu.memory_space<vmem>>, vector<16xf32>,
    %broadcast_in_dim3A_43 = arith.constant 1.000000e+00 : f32
    %broadcast_in_dim3A_44 = vector.broadcast %broadcast_in_dim3A_43 : f32 to vector<16xf32>
    %swap3A_45 = arith.constant 96 : index
    %swap3A_46 = tpu.vector_load %arg12[%swap3A_45] {strides = array<i32>} : memref<128xf32, #tpu.memory_space<vmem>>, vector<16xf32>,
    %swap3A_47 = vector.shape_cast %swap3A_46 : vector<16xf32> to vector<16xf32>
    %swap3A_48 = vector.shape_cast %broadcast_in_dim3A_44 : vector<16xf32> to vector<16xf32>
    tpu.vector_store %arg12[%swap3A_45], %swap3A_48 {strides = array<i32>} : memref<128xf32, #tpu.memory_space<vmem>>, vector<16xf32>,
    %broadcast_in_dim3A_49 = arith.constant 1.000000e+00 : f32
    %broadcast_in_dim3A_50 = vector.broadcast %broadcast_in_dim3A_49 : f32 to vector<16xf32>
    %swap3A_51 = arith.constant 112 : index
    %swap3A_52 = tpu.vector_load %arg12[%swap3A_51] {strides = array<i32>} : memref<128xf32, #tpu.memory_space<vmem>>, vector<16xf32>,
    %swap3A_53 = vector.shape_cast %swap3A_52 : vector<16xf32> to vector<16xf32>
    %swap3A_54 = vector.shape_cast %broadcast_in_dim3A_50 : vector<16xf32> to vector<16xf32>
    tpu.vector_store %arg12[%swap3A_51], %swap3A_54 {strides = array<i32>} : memref<128xf32, #tpu.memory_space<vmem>>, vector<16xf32>,
    %barrier3A = arith.constant 0 : index
    tpu.barrier barrier_id(%barrier3A)
    "tpu.region"() ({
      %run_scoped3A = tpu.sem_alloc : memref<!tpu.dma_semaphore, #tpu.memory_space<semaphore_mem>>
      %dma_start3A = arith.constant 0 : i32
      %dma_start3A_75 = arith.constant 0 : i32
      %dma_start3A_76 = tpu.memref_slice %arg3[%add3A, %dma_start3A, %dma_start3A_75] : memref<32x86x128xi32, #tpu.memory_space<hbm>> -> memref<1x86x128xi32, #tpu.memory_space<hbm>>
      %dma_start3A_77 = tpu.memref_squeeze %dma_start3A_76 : memref<1x86x128xi32, #tpu.memory_space<hbm>> -> memref<86x128xi32, #tpu.memory_space<hbm>>
      %dma_start3A_78 = arith.constant 0 : i32
      %dma_start3A_79 = arith.constant 0 : i32
      %dma_start3A_80 = tpu.memref_slice %arg3[%add3A, %dma_start3A_78, %dma_start3A_79] : memref<32x86x128xi32, #tpu.memory_space<hbm>> -> memref<1x86x128xi32, #tpu.memory_space<hbm>>
      %dma_start3A_81 = tpu.memref_squeeze %dma_start3A_80 : memref<1x86x128xi32, #tpu.memory_space<hbm>> -> memref<86x128xi32, #tpu.memory_space<hbm>>
      tpu.enqueue_dma source(%dma_start3A_81 : memref<86x128xi32, #tpu.memory_space<hbm>>) target(%arg9 : memref<86x128xi32, #tpu.memory_space<vmem>>) target_semaphore(%run_scoped3A : memref<!tpu.dma_semaphore, #tpu.memory_space<semaphore_mem>>)
      %dma_wait3A = arith.constant 0 : i32
      %dma_wait3A_82 = arith.constant 0 : i32
      %dma_wait3A_83 = tpu.memref_slice %arg3[%add3A, %dma_wait3A, %dma_wait3A_82] : memref<32x86x128xi32, #tpu.memory_space<hbm>> -> memref<1x86x128xi32, #tpu.memory_space<hbm>>
      %dma_wait3A_84 = tpu.memref_squeeze %dma_wait3A_83 : memref<1x86x128xi32, #tpu.memory_space<hbm>> -> memref<86x128xi32, #tpu.memory_space<hbm>>
      %dma_wait3A_85 = arith.constant 0 : i32
      %dma_wait3A_86 = arith.constant 0 : i32
      %dma_wait3A_87 = tpu.memref_slice %arg3[%add3A, %dma_wait3A_85, %dma_wait3A_86] : memref<32x86x128xi32, #tpu.memory_space<hbm>> -> memref<1x86x128xi32, #tpu.memory_space<hbm>>
      %dma_wait3A_88 = tpu.memref_squeeze %dma_wait3A_87 : memref<1x86x128xi32, #tpu.memory_space<hbm>> -> memref<86x128xi32, #tpu.memory_space<hbm>>
      tpu.wait_dma2 semaphore(%run_scoped3A : memref<!tpu.dma_semaphore, #tpu.memory_space<semaphore_mem>>) src(%dma_wait3A_88 : memref<86x128xi32, #tpu.memory_space<hbm>>) dst(%arg9 : memref<86x128xi32, #tpu.memory_space<vmem>>)
      tpu.yield
    }) : () -> ()
    "tpu.region"() ({
      %run_scoped3A = tpu.sem_alloc : memref<!tpu.dma_semaphore, #tpu.memory_space<semaphore_mem>>
      %dma_start3A = arith.constant 0 : i32
      %dma_start3A_75 = arith.constant 0 : i32
      %dma_start3A_76 = tpu.memref_slice %arg4[%add3A, %dma_start3A, %dma_start3A_75] : memref<32x86x128xi32, #tpu.memory_space<hbm>> -> memref<1x86x128xi32, #tpu.memory_space<hbm>>
      %dma_start3A_77 = tpu.memref_squeeze %dma_start3A_76 : memref<1x86x128xi32, #tpu.memory_space<hbm>> -> memref<86x128xi32, #tpu.memory_space<hbm>>
      %dma_start3A_78 = arith.constant 0 : i32
      %dma_start3A_79 = arith.constant 0 : i32
      %dma_start3A_80 = tpu.memref_slice %arg4[%add3A, %dma_start3A_78, %dma_start3A_79] : memref<32x86x128xi32, #tpu.memory_space<hbm>> -> memref<1x86x128xi32, #tpu.memory_space<hbm>>
      %dma_start3A_81 = tpu.memref_squeeze %dma_start3A_80 : memref<1x86x128xi32, #tpu.memory_space<hbm>> -> memref<86x128xi32, #tpu.memory_space<hbm>>
      tpu.enqueue_dma source(%dma_start3A_81 : memref<86x128xi32, #tpu.memory_space<hbm>>) target(%arg10 : memref<86x128xi32, #tpu.memory_space<vmem>>) target_semaphore(%run_scoped3A : memref<!tpu.dma_semaphore, #tpu.memory_space<semaphore_mem>>)
      %dma_wait3A = arith.constant 0 : i32
      %dma_wait3A_82 = arith.constant 0 : i32
      %dma_wait3A_83 = tpu.memref_slice %arg4[%add3A, %dma_wait3A, %dma_wait3A_82] : memref<32x86x128xi32, #tpu.memory_space<hbm>> -> memref<1x86x128xi32, #tpu.memory_space<hbm>>
      %dma_wait3A_84 = tpu.memref_squeeze %dma_wait3A_83 : memref<1x86x128xi32, #tpu.memory_space<hbm>> -> memref<86x128xi32, #tpu.memory_space<hbm>>
      %dma_wait3A_85 = arith.constant 0 : i32
      %dma_wait3A_86 = arith.constant 0 : i32
      %dma_wait3A_87 = tpu.memref_slice %arg4[%add3A, %dma_wait3A_85, %dma_wait3A_86] : memref<32x86x128xi32, #tpu.memory_space<hbm>> -> memref<1x86x128xi32, #tpu.memory_space<hbm>>
      %dma_wait3A_88 = tpu.memref_squeeze %dma_wait3A_87 : memref<1x86x128xi32, #tpu.memory_space<hbm>> -> memref<86x128xi32, #tpu.memory_space<hbm>>
      tpu.wait_dma2 semaphore(%run_scoped3A : memref<!tpu.dma_semaphore, #tpu.memory_space<semaphore_mem>>) src(%dma_wait3A_88 : memref<86x128xi32, #tpu.memory_space<hbm>>) dst(%arg10 : memref<86x128xi32, #tpu.memory_space<vmem>>)
      tpu.yield
    }) : () -> ()
    %scan3A = arith.constant 0 : i32
    %scan3A_55 = arith.constant 0 : i32
    %scan3A_56 = arith.constant 86 : i32
    %scan3A_57 = arith.addi %scan3A_55, %scan3A_56 : i32
    %scan3A_58 = arith.constant 1 : i32
    scf.for %scan3A_75 = %scan3A_55 to %scan3A_57 step %scan3A_58  : i32 {
      %dma_start3A = arith.constant 0 : i32
      %dma_start3A_76 = tpu.memref_slice %arg9[%scan3A_75, %dma_start3A] : memref<86x128xi32, #tpu.memory_space<vmem>> -> memref<1x128xi32, #tpu.memory_space<vmem>>
      %dma_start3A_77 = tpu.memref_squeeze %dma_start3A_76 : memref<1x128xi32, #tpu.memory_space<vmem>> -> memref<128xi32, #tpu.memory_space<vmem>>
      %dma_start3A_78 = arith.constant 0 : i32
      %dma_start3A_79 = arith.constant 0 : i32
      %dma_start3A_80 = tpu.memref_slice %arg2[%dma_start3A_78, %dma_start3A_79] : memref<10000x128xf32, #tpu.memory_space<hbm>> -> memref<10000x128xf32, #tpu.memory_space<hbm>>
      tpu.enqueue_indirect_dma source(%dma_start3A_80 : memref<10000x128xf32, #tpu.memory_space<hbm>>) target(%arg11 : memref<128x128xf32, #tpu.memory_space<vmem>>) offsets(%dma_start3A_77 : memref<128xi32, #tpu.memory_space<vmem>>) semaphore(%arg15 : memref<!tpu.dma_semaphore, #tpu.memory_space<semaphore_mem>>)
      %dma_wait3A = arith.constant 0 : i32
      %dma_wait3A_81 = tpu.memref_slice %arg9[%scan3A_75, %dma_wait3A] : memref<86x128xi32, #tpu.memory_space<vmem>> -> memref<1x128xi32, #tpu.memory_space<vmem>>
      %dma_wait3A_82 = tpu.memref_squeeze %dma_wait3A_81 : memref<1x128xi32, #tpu.memory_space<vmem>> -> memref<128xi32, #tpu.memory_space<vmem>>
      %dma_wait3A_83 = arith.constant 0 : i32
      %dma_wait3A_84 = arith.constant 0 : i32
      %dma_wait3A_85 = tpu.memref_slice %arg2[%dma_wait3A_83, %dma_wait3A_84] : memref<10000x128xf32, #tpu.memory_space<hbm>> -> memref<10000x128xf32, #tpu.memory_space<hbm>>
      tpu.wait_indirect_dma semaphore(%arg15 : memref<!tpu.dma_semaphore, #tpu.memory_space<semaphore_mem>>) src(%dma_wait3A_85 : memref<10000x128xf32, #tpu.memory_space<hbm>>) dst(%arg11 : memref<128x128xf32, #tpu.memory_space<vmem>>)
      "tpu.region"() ({
        %run_scoped3A = tpu.sem_alloc : memref<!tpu.dma_semaphore, #tpu.memory_space<semaphore_mem>>
        %dma_start3A_86 = arith.constant 0 : i32
        %dma_start3A_87 = tpu.memref_slice %arg10[%scan3A_75, %dma_start3A_86] : memref<86x128xi32, #tpu.memory_space<vmem>> -> memref<1x128xi32, #tpu.memory_space<vmem>>
        %dma_start3A_88 = tpu.memref_squeeze %dma_start3A_87 : memref<1x128xi32, #tpu.memory_space<vmem>> -> memref<128xi32, #tpu.memory_space<vmem>>
        %dma_start3A_89 = arith.constant 0 : i32
        %dma_start3A_90 = arith.constant 0 : i32
        %dma_start3A_91 = tpu.memref_slice %arg13[%dma_start3A_89, %dma_start3A_90] : memref<10240x128xf32, #tpu.memory_space<vmem_shared>> -> memref<10240x128xf32, #tpu.memory_space<vmem_shared>>
        tpu.enqueue_indirect_dma source(%arg11 : memref<128x128xf32, #tpu.memory_space<vmem>>) target(%dma_start3A_91 : memref<10240x128xf32, #tpu.memory_space<vmem_shared>>) offsets(%dma_start3A_88 : memref<128xi32, #tpu.memory_space<vmem>>) semaphore(%run_scoped3A : memref<!tpu.dma_semaphore, #tpu.memory_space<semaphore_mem>>) {add = true}
        %dma_wait3A_92 = arith.constant 0 : i32
        %dma_wait3A_93 = tpu.memref_slice %arg10[%scan3A_75, %dma_wait3A_92] : memref<86x128xi32, #tpu.memory_space<vmem>> -> memref<1x128xi32, #tpu.memory_space<vmem>>
        %dma_wait3A_94 = tpu.memref_squeeze %dma_wait3A_93 : memref<1x128xi32, #tpu.memory_space<vmem>> -> memref<128xi32, #tpu.memory_space<vmem>>
        %dma_wait3A_95 = arith.constant 0 : i32
        %dma_wait3A_96 = arith.constant 0 : i32
        %dma_wait3A_97 = tpu.memref_slice %arg13[%dma_wait3A_95, %dma_wait3A_96] : memref<10240x128xf32, #tpu.memory_space<vmem_shared>> -> memref<10240x128xf32, #tpu.memory_space<vmem_shared>>
        tpu.wait_indirect_dma semaphore(%run_scoped3A : memref<!tpu.dma_semaphore, #tpu.memory_space<semaphore_mem>>) src(%arg11 : memref<128x128xf32, #tpu.memory_space<vmem>>) dst(%dma_wait3A_97 : memref<10240x128xf32, #tpu.memory_space<vmem_shared>>)
        tpu.yield
      }) : () -> ()
      "tpu.region"() ({
        %run_scoped3A = tpu.sem_alloc : memref<!tpu.dma_semaphore, #tpu.memory_space<semaphore_mem>>
        %dma_start3A_86 = arith.constant 0 : i32
        %dma_start3A_87 = tpu.memref_slice %arg10[%scan3A_75, %dma_start3A_86] : memref<86x128xi32, #tpu.memory_space<vmem>> -> memref<1x128xi32, #tpu.memory_space<vmem>>
        %dma_start3A_88 = tpu.memref_squeeze %dma_start3A_87 : memref<1x128xi32, #tpu.memory_space<vmem>> -> memref<128xi32, #tpu.memory_space<vmem>>
        %dma_start3A_89 = arith.constant 0 : i32
        %dma_start3A_90 = tpu.memref_slice %arg14[%dma_start3A_89] : memref<10240xf32, #tpu.memory_space<vmem_shared>> -> memref<10240xf32, #tpu.memory_space<vmem_shared>>
        tpu.enqueue_indirect_dma source(%arg12 : memref<128xf32, #tpu.memory_space<vmem>>) target(%dma_start3A_90 : memref<10240xf32, #tpu.memory_space<vmem_shared>>) offsets(%dma_start3A_88 : memref<128xi32, #tpu.memory_space<vmem>>) semaphore(%run_scoped3A : memref<!tpu.dma_semaphore, #tpu.memory_space<semaphore_mem>>) {add = true}
        %dma_wait3A_91 = arith.constant 0 : i32
        %dma_wait3A_92 = tpu.memref_slice %arg10[%scan3A_75, %dma_wait3A_91] : memref<86x128xi32, #tpu.memory_space<vmem>> -> memref<1x128xi32, #tpu.memory_space<vmem>>
        %dma_wait3A_93 = tpu.memref_squeeze %dma_wait3A_92 : memref<1x128xi32, #tpu.memory_space<vmem>> -> memref<128xi32, #tpu.memory_space<vmem>>
        %dma_wait3A_94 = arith.constant 0 : i32
        %dma_wait3A_95 = tpu.memref_slice %arg14[%dma_wait3A_94] : memref<10240xf32, #tpu.memory_space<vmem_shared>> -> memref<10240xf32, #tpu.memory_space<vmem_shared>>
        tpu.wait_indirect_dma semaphore(%run_scoped3A : memref<!tpu.dma_semaphore, #tpu.memory_space<semaphore_mem>>) src(%arg12 : memref<128xf32, #tpu.memory_space<vmem>>) dst(%dma_wait3A_95 : memref<10240xf32, #tpu.memory_space<vmem_shared>>)
        tpu.yield
      }) : () -> ()
    }
    %scan3A_59 = arith.constant 86 : i32
    %barrier3A_60 = arith.constant 0 : index
    tpu.barrier barrier_id(%barrier3A_60)
    %mul3A_61 = arith.constant 640 : i32
    %mul3A_62 = arith.muli %arg1, %mul3A_61 : i32
    %mul3A_63 = arith.constant 10240 : i32
    %mul3A_64 = arith.muli %arg0, %mul3A_63 : i32
    %mul3A_65 = arith.constant 640 : i32
    %mul3A_66 = arith.muli %arg1, %mul3A_65 : i32
    %add3A_67 = arith.addi %mul3A_64, %mul3A_66 : i32
    "tpu.region"() ({
      %run_scoped3A = tpu.sem_alloc : memref<!tpu.dma_semaphore, #tpu.memory_space<semaphore_mem>>
      %dma_start3A = arith.constant 0 : i32
      %dma_start3A_75 = tpu.memref_slice %arg7[%add3A_67, %dma_start3A] : memref<20480x128xf32, #tpu.memory_space<hbm>> -> memref<640x128xf32, #tpu.memory_space<hbm>>
      %dma_start3A_76 = arith.constant 0 : i32
      %dma_start3A_77 = tpu.memref_slice %arg13[%mul3A_62, %dma_start3A_76] : memref<10240x128xf32, #tpu.memory_space<vmem_shared>> -> memref<640x128xf32, #tpu.memory_space<vmem_shared>>
      tpu.enqueue_dma source(%dma_start3A_77 : memref<640x128xf32, #tpu.memory_space<vmem_shared>>) target(%dma_start3A_75 : memref<640x128xf32, #tpu.memory_space<hbm>>) target_semaphore(%run_scoped3A : memref<!tpu.dma_semaphore, #tpu.memory_space<semaphore_mem>>)
      %dma_wait3A = arith.constant 0 : i32
      %dma_wait3A_78 = tpu.memref_slice %arg7[%add3A_67, %dma_wait3A] : memref<20480x128xf32, #tpu.memory_space<hbm>> -> memref<640x128xf32, #tpu.memory_space<hbm>>
      %dma_wait3A_79 = arith.constant 0 : i32
      %dma_wait3A_80 = tpu.memref_slice %arg13[%mul3A_62, %dma_wait3A_79] : memref<10240x128xf32, #tpu.memory_space<vmem_shared>> -> memref<640x128xf32, #tpu.memory_space<vmem_shared>>
      tpu.wait_dma2 semaphore(%run_scoped3A : memref<!tpu.dma_semaphore, #tpu.memory_space<semaphore_mem>>) src(%dma_wait3A_80 : memref<640x128xf32, #tpu.memory_space<vmem_shared>>) dst(%dma_wait3A_78 : memref<640x128xf32, #tpu.memory_space<hbm>>)
      tpu.yield
    }) : () -> ()
    %mul3A_68 = arith.constant 640 : i32
    %mul3A_69 = arith.muli %arg1, %mul3A_68 : i32
    %mul3A_70 = arith.constant 10240 : i32
    %mul3A_71 = arith.muli %arg0, %mul3A_70 : i32
    %mul3A_72 = arith.constant 640 : i32
    %mul3A_73 = arith.muli %arg1, %mul3A_72 : i32
    %add3A_74 = arith.addi %mul3A_71, %mul3A_73 : i32
    "tpu.region"() ({
      %run_scoped3A = tpu.sem_alloc : memref<!tpu.dma_semaphore, #tpu.memory_space<semaphore_mem>>
      %dma_start3A = tpu.memref_slice %arg8[%add3A_74] : memref<20480xf32, #tpu.memory_space<hbm>> -> memref<640xf32, #tpu.memory_space<hbm>>
      %dma_start3A_75 = tpu.memref_slice %arg14[%mul3A_69] : memref<10240xf32, #tpu.memory_space<vmem_shared>> -> memref<640xf32, #tpu.memory_space<vmem_shared>>
      tpu.enqueue_dma source(%dma_start3A_75 : memref<640xf32, #tpu.memory_space<vmem_shared>>) target(%dma_start3A : memref<640xf32, #tpu.memory_space<hbm>>) target_semaphore(%run_scoped3A : memref<!tpu.dma_semaphore, #tpu.memory_space<semaphore_mem>>)
      %dma_wait3A = tpu.memref_slice %arg8[%add3A_74] : memref<20480xf32, #tpu.memory_space<hbm>> -> memref<640xf32, #tpu.memory_space<hbm>>
      %dma_wait3A_76 = tpu.memref_slice %arg14[%mul3A_69] : memref<10240xf32, #tpu.memory_space<vmem_shared>> -> memref<640xf32, #tpu.memory_space<vmem_shared>>
      tpu.wait_dma2 semaphore(%run_scoped3A : memref<!tpu.dma_semaphore, #tpu.memory_space<semaphore_mem>>) src(%dma_wait3A_76 : memref<640xf32, #tpu.memory_space<vmem_shared>>) dst(%dma_wait3A : memref<640xf32, #tpu.memory_space<hbm>>)
      tpu.yield
    }) : () -> ()
    return
  }
}

#map = affine_map<(d0, d1) -> (0, 0)>
#map1 = affine_map<(d0, d1) -> (0, 0, 0)>
#map2 = affine_map<(d0, d1) -> (0)>
module attributes {stable_mosaic.version = 14 : i64} {
  func.func @_edge_agg_body(%arg0: i32, %arg1: i32, %arg2: memref<10000x32xf32, #tpu.memory_space<hbm>>, %arg3: memref<32x86x128xi32, #tpu.memory_space<hbm>>, %arg4: memref<32x86x128xi32, #tpu.memory_space<hbm>>, %arg5: memref<10240x32xf32, #tpu.memory_space<hbm>>, %arg6: memref<10240xf32, #tpu.memory_space<hbm>>, %arg7: memref<20480x32xf32, #tpu.memory_space<hbm>>, %arg8: memref<86x128xi32, #tpu.memory_space<vmem>>, %arg9: memref<86x128xi32, #tpu.memory_space<vmem>>, %arg10: memref<128x32xf32, #tpu.memory_space<vmem>>, %arg11: memref<10240x32xf32, #tpu.memory_space<vmem_shared>>, %arg12: memref<!tpu.dma_semaphore, #tpu.memory_space<semaphore_mem>>) attributes {dimension_semantics = [#tpu.dimension_semantics<core_parallel>, #tpu.dimension_semantics<subcore_parallel>], iteration_bounds = array<i64: 2, 16>, scalar_prefetch = 0 : i64, scratch_operands = 5 : i64, tpu.core_type = #tpu.core_type<sc_vector_subcore>, window_params = [{transform_indices = #map}, {transform_indices = #map1}, {transform_indices = #map1}, {transform_indices = #map}, {transform_indices = #map2}, {transform_indices = #map}]} {
    %mul3A = arith.constant 2 : i32
    %mul3A_0 = arith.muli %arg1, %mul3A : i32
    %add3A = arith.addi %mul3A_0, %arg0 : i32
    %mul3A_1 = arith.constant 640 : i32
    %mul3A_2 = arith.muli %arg1, %mul3A_1 : i32
    %mul3A_3 = arith.constant 640 : i32
    %mul3A_4 = arith.muli %arg1, %mul3A_3 : i32
    "tpu.region"() ({
      %run_scoped3A = tpu.sem_alloc : memref<!tpu.dma_semaphore, #tpu.memory_space<semaphore_mem>>
      %dma_start3A = arith.constant 0 : i32
      %dma_start3A_18 = tpu.memref_slice %arg11[%mul3A_4, %dma_start3A] : memref<10240x32xf32, #tpu.memory_space<vmem_shared>> -> memref<640x32xf32, #tpu.memory_space<vmem_shared>>
      %dma_start3A_19 = arith.constant 0 : i32
      %dma_start3A_20 = tpu.memref_slice %arg5[%mul3A_2, %dma_start3A_19] : memref<10240x32xf32, #tpu.memory_space<hbm>> -> memref<640x32xf32, #tpu.memory_space<hbm>>
      tpu.enqueue_dma source(%dma_start3A_20 : memref<640x32xf32, #tpu.memory_space<hbm>>) target(%dma_start3A_18 : memref<640x32xf32, #tpu.memory_space<vmem_shared>>) target_semaphore(%run_scoped3A : memref<!tpu.dma_semaphore, #tpu.memory_space<semaphore_mem>>)
      %dma_wait3A = arith.constant 0 : i32
      %dma_wait3A_21 = tpu.memref_slice %arg11[%mul3A_4, %dma_wait3A] : memref<10240x32xf32, #tpu.memory_space<vmem_shared>> -> memref<640x32xf32, #tpu.memory_space<vmem_shared>>
      %dma_wait3A_22 = arith.constant 0 : i32
      %dma_wait3A_23 = tpu.memref_slice %arg5[%mul3A_2, %dma_wait3A_22] : memref<10240x32xf32, #tpu.memory_space<hbm>> -> memref<640x32xf32, #tpu.memory_space<hbm>>
      tpu.wait_dma2 semaphore(%run_scoped3A : memref<!tpu.dma_semaphore, #tpu.memory_space<semaphore_mem>>) src(%dma_wait3A_23 : memref<640x32xf32, #tpu.memory_space<hbm>>) dst(%dma_wait3A_21 : memref<640x32xf32, #tpu.memory_space<vmem_shared>>)
      tpu.yield
    }) : () -> ()
    %barrier3A = arith.constant 0 : index
    tpu.barrier barrier_id(%barrier3A)
    "tpu.region"() ({
      %run_scoped3A = tpu.sem_alloc : memref<!tpu.dma_semaphore, #tpu.memory_space<semaphore_mem>>
      %dma_start3A = arith.constant 0 : i32
      %dma_start3A_18 = arith.constant 0 : i32
      %dma_start3A_19 = tpu.memref_slice %arg3[%add3A, %dma_start3A, %dma_start3A_18] : memref<32x86x128xi32, #tpu.memory_space<hbm>> -> memref<1x86x128xi32, #tpu.memory_space<hbm>>
      %dma_start3A_20 = tpu.memref_squeeze %dma_start3A_19 : memref<1x86x128xi32, #tpu.memory_space<hbm>> -> memref<86x128xi32, #tpu.memory_space<hbm>>
      %dma_start3A_21 = arith.constant 0 : i32
      %dma_start3A_22 = arith.constant 0 : i32
      %dma_start3A_23 = tpu.memref_slice %arg3[%add3A, %dma_start3A_21, %dma_start3A_22] : memref<32x86x128xi32, #tpu.memory_space<hbm>> -> memref<1x86x128xi32, #tpu.memory_space<hbm>>
      %dma_start3A_24 = tpu.memref_squeeze %dma_start3A_23 : memref<1x86x128xi32, #tpu.memory_space<hbm>> -> memref<86x128xi32, #tpu.memory_space<hbm>>
      tpu.enqueue_dma source(%dma_start3A_24 : memref<86x128xi32, #tpu.memory_space<hbm>>) target(%arg8 : memref<86x128xi32, #tpu.memory_space<vmem>>) target_semaphore(%run_scoped3A : memref<!tpu.dma_semaphore, #tpu.memory_space<semaphore_mem>>)
      %dma_wait3A = arith.constant 0 : i32
      %dma_wait3A_25 = arith.constant 0 : i32
      %dma_wait3A_26 = tpu.memref_slice %arg3[%add3A, %dma_wait3A, %dma_wait3A_25] : memref<32x86x128xi32, #tpu.memory_space<hbm>> -> memref<1x86x128xi32, #tpu.memory_space<hbm>>
      %dma_wait3A_27 = tpu.memref_squeeze %dma_wait3A_26 : memref<1x86x128xi32, #tpu.memory_space<hbm>> -> memref<86x128xi32, #tpu.memory_space<hbm>>
      %dma_wait3A_28 = arith.constant 0 : i32
      %dma_wait3A_29 = arith.constant 0 : i32
      %dma_wait3A_30 = tpu.memref_slice %arg3[%add3A, %dma_wait3A_28, %dma_wait3A_29] : memref<32x86x128xi32, #tpu.memory_space<hbm>> -> memref<1x86x128xi32, #tpu.memory_space<hbm>>
      %dma_wait3A_31 = tpu.memref_squeeze %dma_wait3A_30 : memref<1x86x128xi32, #tpu.memory_space<hbm>> -> memref<86x128xi32, #tpu.memory_space<hbm>>
      tpu.wait_dma2 semaphore(%run_scoped3A : memref<!tpu.dma_semaphore, #tpu.memory_space<semaphore_mem>>) src(%dma_wait3A_31 : memref<86x128xi32, #tpu.memory_space<hbm>>) dst(%arg8 : memref<86x128xi32, #tpu.memory_space<vmem>>)
      tpu.yield
    }) : () -> ()
    "tpu.region"() ({
      %run_scoped3A = tpu.sem_alloc : memref<!tpu.dma_semaphore, #tpu.memory_space<semaphore_mem>>
      %dma_start3A = arith.constant 0 : i32
      %dma_start3A_18 = arith.constant 0 : i32
      %dma_start3A_19 = tpu.memref_slice %arg4[%add3A, %dma_start3A, %dma_start3A_18] : memref<32x86x128xi32, #tpu.memory_space<hbm>> -> memref<1x86x128xi32, #tpu.memory_space<hbm>>
      %dma_start3A_20 = tpu.memref_squeeze %dma_start3A_19 : memref<1x86x128xi32, #tpu.memory_space<hbm>> -> memref<86x128xi32, #tpu.memory_space<hbm>>
      %dma_start3A_21 = arith.constant 0 : i32
      %dma_start3A_22 = arith.constant 0 : i32
      %dma_start3A_23 = tpu.memref_slice %arg4[%add3A, %dma_start3A_21, %dma_start3A_22] : memref<32x86x128xi32, #tpu.memory_space<hbm>> -> memref<1x86x128xi32, #tpu.memory_space<hbm>>
      %dma_start3A_24 = tpu.memref_squeeze %dma_start3A_23 : memref<1x86x128xi32, #tpu.memory_space<hbm>> -> memref<86x128xi32, #tpu.memory_space<hbm>>
      tpu.enqueue_dma source(%dma_start3A_24 : memref<86x128xi32, #tpu.memory_space<hbm>>) target(%arg9 : memref<86x128xi32, #tpu.memory_space<vmem>>) target_semaphore(%run_scoped3A : memref<!tpu.dma_semaphore, #tpu.memory_space<semaphore_mem>>)
      %dma_wait3A = arith.constant 0 : i32
      %dma_wait3A_25 = arith.constant 0 : i32
      %dma_wait3A_26 = tpu.memref_slice %arg4[%add3A, %dma_wait3A, %dma_wait3A_25] : memref<32x86x128xi32, #tpu.memory_space<hbm>> -> memref<1x86x128xi32, #tpu.memory_space<hbm>>
      %dma_wait3A_27 = tpu.memref_squeeze %dma_wait3A_26 : memref<1x86x128xi32, #tpu.memory_space<hbm>> -> memref<86x128xi32, #tpu.memory_space<hbm>>
      %dma_wait3A_28 = arith.constant 0 : i32
      %dma_wait3A_29 = arith.constant 0 : i32
      %dma_wait3A_30 = tpu.memref_slice %arg4[%add3A, %dma_wait3A_28, %dma_wait3A_29] : memref<32x86x128xi32, #tpu.memory_space<hbm>> -> memref<1x86x128xi32, #tpu.memory_space<hbm>>
      %dma_wait3A_31 = tpu.memref_squeeze %dma_wait3A_30 : memref<1x86x128xi32, #tpu.memory_space<hbm>> -> memref<86x128xi32, #tpu.memory_space<hbm>>
      tpu.wait_dma2 semaphore(%run_scoped3A : memref<!tpu.dma_semaphore, #tpu.memory_space<semaphore_mem>>) src(%dma_wait3A_31 : memref<86x128xi32, #tpu.memory_space<hbm>>) dst(%arg9 : memref<86x128xi32, #tpu.memory_space<vmem>>)
      tpu.yield
    }) : () -> ()
    %scan3A = arith.constant 0 : i32
    %scan3A_5 = arith.constant 0 : i32
    %scan3A_6 = arith.constant 86 : i32
    %scan3A_7 = arith.addi %scan3A_5, %scan3A_6 : i32
    %scan3A_8 = arith.constant 1 : i32
    scf.for %scan3A_18 = %scan3A_5 to %scan3A_7 step %scan3A_8  : i32 {
      %dma_start3A = arith.constant 0 : i32
      %dma_start3A_19 = tpu.memref_slice %arg8[%scan3A_18, %dma_start3A] : memref<86x128xi32, #tpu.memory_space<vmem>> -> memref<1x128xi32, #tpu.memory_space<vmem>>
      %dma_start3A_20 = tpu.memref_squeeze %dma_start3A_19 : memref<1x128xi32, #tpu.memory_space<vmem>> -> memref<128xi32, #tpu.memory_space<vmem>>
      %dma_start3A_21 = arith.constant 0 : i32
      %dma_start3A_22 = arith.constant 0 : i32
      %dma_start3A_23 = tpu.memref_slice %arg2[%dma_start3A_21, %dma_start3A_22] : memref<10000x32xf32, #tpu.memory_space<hbm>> -> memref<10000x32xf32, #tpu.memory_space<hbm>>
      tpu.enqueue_indirect_dma source(%dma_start3A_23 : memref<10000x32xf32, #tpu.memory_space<hbm>>) target(%arg10 : memref<128x32xf32, #tpu.memory_space<vmem>>) offsets(%dma_start3A_20 : memref<128xi32, #tpu.memory_space<vmem>>) semaphore(%arg12 : memref<!tpu.dma_semaphore, #tpu.memory_space<semaphore_mem>>)
      %dma_wait3A = arith.constant 0 : i32
      %dma_wait3A_24 = tpu.memref_slice %arg8[%scan3A_18, %dma_wait3A] : memref<86x128xi32, #tpu.memory_space<vmem>> -> memref<1x128xi32, #tpu.memory_space<vmem>>
      %dma_wait3A_25 = tpu.memref_squeeze %dma_wait3A_24 : memref<1x128xi32, #tpu.memory_space<vmem>> -> memref<128xi32, #tpu.memory_space<vmem>>
      %dma_wait3A_26 = arith.constant 0 : i32
      %dma_wait3A_27 = arith.constant 0 : i32
      %dma_wait3A_28 = tpu.memref_slice %arg2[%dma_wait3A_26, %dma_wait3A_27] : memref<10000x32xf32, #tpu.memory_space<hbm>> -> memref<10000x32xf32, #tpu.memory_space<hbm>>
      tpu.wait_indirect_dma semaphore(%arg12 : memref<!tpu.dma_semaphore, #tpu.memory_space<semaphore_mem>>) src(%dma_wait3A_28 : memref<10000x32xf32, #tpu.memory_space<hbm>>) dst(%arg10 : memref<128x32xf32, #tpu.memory_space<vmem>>)
      "tpu.region"() ({
        %run_scoped3A = tpu.sem_alloc : memref<!tpu.dma_semaphore, #tpu.memory_space<semaphore_mem>>
        %dma_start3A_29 = arith.constant 0 : i32
        %dma_start3A_30 = tpu.memref_slice %arg9[%scan3A_18, %dma_start3A_29] : memref<86x128xi32, #tpu.memory_space<vmem>> -> memref<1x128xi32, #tpu.memory_space<vmem>>
        %dma_start3A_31 = tpu.memref_squeeze %dma_start3A_30 : memref<1x128xi32, #tpu.memory_space<vmem>> -> memref<128xi32, #tpu.memory_space<vmem>>
        %dma_start3A_32 = arith.constant 0 : i32
        %dma_start3A_33 = arith.constant 0 : i32
        %dma_start3A_34 = tpu.memref_slice %arg11[%dma_start3A_32, %dma_start3A_33] : memref<10240x32xf32, #tpu.memory_space<vmem_shared>> -> memref<10240x32xf32, #tpu.memory_space<vmem_shared>>
        tpu.enqueue_indirect_dma source(%arg10 : memref<128x32xf32, #tpu.memory_space<vmem>>) target(%dma_start3A_34 : memref<10240x32xf32, #tpu.memory_space<vmem_shared>>) offsets(%dma_start3A_31 : memref<128xi32, #tpu.memory_space<vmem>>) semaphore(%run_scoped3A : memref<!tpu.dma_semaphore, #tpu.memory_space<semaphore_mem>>) {add = true}
        %dma_wait3A_35 = arith.constant 0 : i32
        %dma_wait3A_36 = tpu.memref_slice %arg9[%scan3A_18, %dma_wait3A_35] : memref<86x128xi32, #tpu.memory_space<vmem>> -> memref<1x128xi32, #tpu.memory_space<vmem>>
        %dma_wait3A_37 = tpu.memref_squeeze %dma_wait3A_36 : memref<1x128xi32, #tpu.memory_space<vmem>> -> memref<128xi32, #tpu.memory_space<vmem>>
        %dma_wait3A_38 = arith.constant 0 : i32
        %dma_wait3A_39 = arith.constant 0 : i32
        %dma_wait3A_40 = tpu.memref_slice %arg11[%dma_wait3A_38, %dma_wait3A_39] : memref<10240x32xf32, #tpu.memory_space<vmem_shared>> -> memref<10240x32xf32, #tpu.memory_space<vmem_shared>>
        tpu.wait_indirect_dma semaphore(%run_scoped3A : memref<!tpu.dma_semaphore, #tpu.memory_space<semaphore_mem>>) src(%arg10 : memref<128x32xf32, #tpu.memory_space<vmem>>) dst(%dma_wait3A_40 : memref<10240x32xf32, #tpu.memory_space<vmem_shared>>)
        tpu.yield
      }) : () -> ()
    }
    %scan3A_9 = arith.constant 86 : i32
    %barrier3A_10 = arith.constant 0 : index
    tpu.barrier barrier_id(%barrier3A_10)
    %mul3A_11 = arith.constant 640 : i32
    %mul3A_12 = arith.muli %arg1, %mul3A_11 : i32
    %mul3A_13 = arith.constant 10240 : i32
    %mul3A_14 = arith.muli %arg0, %mul3A_13 : i32
    %mul3A_15 = arith.constant 640 : i32
    %mul3A_16 = arith.muli %arg1, %mul3A_15 : i32
    %add3A_17 = arith.addi %mul3A_14, %mul3A_16 : i32
    "tpu.region"() ({
      %run_scoped3A = tpu.sem_alloc : memref<!tpu.dma_semaphore, #tpu.memory_space<semaphore_mem>>
      %dma_start3A = arith.constant 0 : i32
      %dma_start3A_18 = tpu.memref_slice %arg7[%add3A_17, %dma_start3A] : memref<20480x32xf32, #tpu.memory_space<hbm>> -> memref<640x32xf32, #tpu.memory_space<hbm>>
      %dma_start3A_19 = arith.constant 0 : i32
      %dma_start3A_20 = tpu.memref_slice %arg11[%mul3A_12, %dma_start3A_19] : memref<10240x32xf32, #tpu.memory_space<vmem_shared>> -> memref<640x32xf32, #tpu.memory_space<vmem_shared>>
      tpu.enqueue_dma source(%dma_start3A_20 : memref<640x32xf32, #tpu.memory_space<vmem_shared>>) target(%dma_start3A_18 : memref<640x32xf32, #tpu.memory_space<hbm>>) target_semaphore(%run_scoped3A : memref<!tpu.dma_semaphore, #tpu.memory_space<semaphore_mem>>)
      %dma_wait3A = arith.constant 0 : i32
      %dma_wait3A_21 = tpu.memref_slice %arg7[%add3A_17, %dma_wait3A] : memref<20480x32xf32, #tpu.memory_space<hbm>> -> memref<640x32xf32, #tpu.memory_space<hbm>>
      %dma_wait3A_22 = arith.constant 0 : i32
      %dma_wait3A_23 = tpu.memref_slice %arg11[%mul3A_12, %dma_wait3A_22] : memref<10240x32xf32, #tpu.memory_space<vmem_shared>> -> memref<640x32xf32, #tpu.memory_space<vmem_shared>>
      tpu.wait_dma2 semaphore(%run_scoped3A : memref<!tpu.dma_semaphore, #tpu.memory_space<semaphore_mem>>) src(%dma_wait3A_23 : memref<640x32xf32, #tpu.memory_space<vmem_shared>>) dst(%dma_wait3A_21 : memref<640x32xf32, #tpu.memory_space<hbm>>)
      tpu.yield
    }) : () -> ()
    return
  }
}

#map = affine_map<(d0, d1) -> (0, 0)>
#map1 = affine_map<(d0, d1) -> (0, 0, 0)>
#map2 = affine_map<(d0, d1) -> (0)>
module attributes {stable_mosaic.version = 14 : i64} {
  func.func @_edge_agg_body(%arg0: i32, %arg1: i32, %arg2: memref<10000x32xf32, #tpu.memory_space<hbm>>, %arg3: memref<32x86x128xi32, #tpu.memory_space<hbm>>, %arg4: memref<32x86x128xi32, #tpu.memory_space<hbm>>, %arg5: memref<10240x32xf32, #tpu.memory_space<hbm>>, %arg6: memref<10240xf32, #tpu.memory_space<hbm>>, %arg7: memref<20480x32xf32, #tpu.memory_space<hbm>>, %arg8: memref<86x128xi32, #tpu.memory_space<vmem>>, %arg9: memref<86x128xi32, #tpu.memory_space<vmem>>, %arg10: memref<128x32xf32, #tpu.memory_space<vmem>>, %arg11: memref<10240x32xf32, #tpu.memory_space<vmem_shared>>, %arg12: memref<!tpu.dma_semaphore, #tpu.memory_space<semaphore_mem>>) attributes {dimension_semantics = [#tpu.dimension_semantics<core_parallel>, #tpu.dimension_semantics<subcore_parallel>], iteration_bounds = array<i64: 2, 16>, scalar_prefetch = 0 : i64, scratch_operands = 5 : i64, tpu.core_type = #tpu.core_type<sc_vector_subcore>, window_params = [{transform_indices = #map}, {transform_indices = #map1}, {transform_indices = #map1}, {transform_indices = #map}, {transform_indices = #map2}, {transform_indices = #map}]} {
    %mul3A = arith.constant 2 : i32
    %mul3A_0 = arith.muli %arg1, %mul3A : i32
    %add3A = arith.addi %mul3A_0, %arg0 : i32
    %mul3A_1 = arith.constant 640 : i32
    %mul3A_2 = arith.muli %arg1, %mul3A_1 : i32
    %mul3A_3 = arith.constant 640 : i32
    %mul3A_4 = arith.muli %arg1, %mul3A_3 : i32
    "tpu.region"() ({
      %run_scoped3A = tpu.sem_alloc : memref<!tpu.dma_semaphore, #tpu.memory_space<semaphore_mem>>
      %dma_start3A = arith.constant 0 : i32
      %dma_start3A_18 = tpu.memref_slice %arg11[%mul3A_4, %dma_start3A] : memref<10240x32xf32, #tpu.memory_space<vmem_shared>> -> memref<640x32xf32, #tpu.memory_space<vmem_shared>>
      %dma_start3A_19 = arith.constant 0 : i32
      %dma_start3A_20 = tpu.memref_slice %arg5[%mul3A_2, %dma_start3A_19] : memref<10240x32xf32, #tpu.memory_space<hbm>> -> memref<640x32xf32, #tpu.memory_space<hbm>>
      tpu.enqueue_dma source(%dma_start3A_20 : memref<640x32xf32, #tpu.memory_space<hbm>>) target(%dma_start3A_18 : memref<640x32xf32, #tpu.memory_space<vmem_shared>>) target_semaphore(%run_scoped3A : memref<!tpu.dma_semaphore, #tpu.memory_space<semaphore_mem>>)
      %dma_wait3A = arith.constant 0 : i32
      %dma_wait3A_21 = tpu.memref_slice %arg11[%mul3A_4, %dma_wait3A] : memref<10240x32xf32, #tpu.memory_space<vmem_shared>> -> memref<640x32xf32, #tpu.memory_space<vmem_shared>>
      %dma_wait3A_22 = arith.constant 0 : i32
      %dma_wait3A_23 = tpu.memref_slice %arg5[%mul3A_2, %dma_wait3A_22] : memref<10240x32xf32, #tpu.memory_space<hbm>> -> memref<640x32xf32, #tpu.memory_space<hbm>>
      tpu.wait_dma2 semaphore(%run_scoped3A : memref<!tpu.dma_semaphore, #tpu.memory_space<semaphore_mem>>) src(%dma_wait3A_23 : memref<640x32xf32, #tpu.memory_space<hbm>>) dst(%dma_wait3A_21 : memref<640x32xf32, #tpu.memory_space<vmem_shared>>)
      tpu.yield
    }) : () -> ()
    %barrier3A = arith.constant 0 : index
    tpu.barrier barrier_id(%barrier3A)
    "tpu.region"() ({
      %run_scoped3A = tpu.sem_alloc : memref<!tpu.dma_semaphore, #tpu.memory_space<semaphore_mem>>
      %dma_start3A = arith.constant 0 : i32
      %dma_start3A_18 = arith.constant 0 : i32
      %dma_start3A_19 = tpu.memref_slice %arg3[%add3A, %dma_start3A, %dma_start3A_18] : memref<32x86x128xi32, #tpu.memory_space<hbm>> -> memref<1x86x128xi32, #tpu.memory_space<hbm>>
      %dma_start3A_20 = tpu.memref_squeeze %dma_start3A_19 : memref<1x86x128xi32, #tpu.memory_space<hbm>> -> memref<86x128xi32, #tpu.memory_space<hbm>>
      %dma_start3A_21 = arith.constant 0 : i32
      %dma_start3A_22 = arith.constant 0 : i32
      %dma_start3A_23 = tpu.memref_slice %arg3[%add3A, %dma_start3A_21, %dma_start3A_22] : memref<32x86x128xi32, #tpu.memory_space<hbm>> -> memref<1x86x128xi32, #tpu.memory_space<hbm>>
      %dma_start3A_24 = tpu.memref_squeeze %dma_start3A_23 : memref<1x86x128xi32, #tpu.memory_space<hbm>> -> memref<86x128xi32, #tpu.memory_space<hbm>>
      tpu.enqueue_dma source(%dma_start3A_24 : memref<86x128xi32, #tpu.memory_space<hbm>>) target(%arg8 : memref<86x128xi32, #tpu.memory_space<vmem>>) target_semaphore(%run_scoped3A : memref<!tpu.dma_semaphore, #tpu.memory_space<semaphore_mem>>)
      %dma_wait3A = arith.constant 0 : i32
      %dma_wait3A_25 = arith.constant 0 : i32
      %dma_wait3A_26 = tpu.memref_slice %arg3[%add3A, %dma_wait3A, %dma_wait3A_25] : memref<32x86x128xi32, #tpu.memory_space<hbm>> -> memref<1x86x128xi32, #tpu.memory_space<hbm>>
      %dma_wait3A_27 = tpu.memref_squeeze %dma_wait3A_26 : memref<1x86x128xi32, #tpu.memory_space<hbm>> -> memref<86x128xi32, #tpu.memory_space<hbm>>
      %dma_wait3A_28 = arith.constant 0 : i32
      %dma_wait3A_29 = arith.constant 0 : i32
      %dma_wait3A_30 = tpu.memref_slice %arg3[%add3A, %dma_wait3A_28, %dma_wait3A_29] : memref<32x86x128xi32, #tpu.memory_space<hbm>> -> memref<1x86x128xi32, #tpu.memory_space<hbm>>
      %dma_wait3A_31 = tpu.memref_squeeze %dma_wait3A_30 : memref<1x86x128xi32, #tpu.memory_space<hbm>> -> memref<86x128xi32, #tpu.memory_space<hbm>>
      tpu.wait_dma2 semaphore(%run_scoped3A : memref<!tpu.dma_semaphore, #tpu.memory_space<semaphore_mem>>) src(%dma_wait3A_31 : memref<86x128xi32, #tpu.memory_space<hbm>>) dst(%arg8 : memref<86x128xi32, #tpu.memory_space<vmem>>)
      tpu.yield
    }) : () -> ()
    "tpu.region"() ({
      %run_scoped3A = tpu.sem_alloc : memref<!tpu.dma_semaphore, #tpu.memory_space<semaphore_mem>>
      %dma_start3A = arith.constant 0 : i32
      %dma_start3A_18 = arith.constant 0 : i32
      %dma_start3A_19 = tpu.memref_slice %arg4[%add3A, %dma_start3A, %dma_start3A_18] : memref<32x86x128xi32, #tpu.memory_space<hbm>> -> memref<1x86x128xi32, #tpu.memory_space<hbm>>
      %dma_start3A_20 = tpu.memref_squeeze %dma_start3A_19 : memref<1x86x128xi32, #tpu.memory_space<hbm>> -> memref<86x128xi32, #tpu.memory_space<hbm>>
      %dma_start3A_21 = arith.constant 0 : i32
      %dma_start3A_22 = arith.constant 0 : i32
      %dma_start3A_23 = tpu.memref_slice %arg4[%add3A, %dma_start3A_21, %dma_start3A_22] : memref<32x86x128xi32, #tpu.memory_space<hbm>> -> memref<1x86x128xi32, #tpu.memory_space<hbm>>
      %dma_start3A_24 = tpu.memref_squeeze %dma_start3A_23 : memref<1x86x128xi32, #tpu.memory_space<hbm>> -> memref<86x128xi32, #tpu.memory_space<hbm>>
      tpu.enqueue_dma source(%dma_start3A_24 : memref<86x128xi32, #tpu.memory_space<hbm>>) target(%arg9 : memref<86x128xi32, #tpu.memory_space<vmem>>) target_semaphore(%run_scoped3A : memref<!tpu.dma_semaphore, #tpu.memory_space<semaphore_mem>>)
      %dma_wait3A = arith.constant 0 : i32
      %dma_wait3A_25 = arith.constant 0 : i32
      %dma_wait3A_26 = tpu.memref_slice %arg4[%add3A, %dma_wait3A, %dma_wait3A_25] : memref<32x86x128xi32, #tpu.memory_space<hbm>> -> memref<1x86x128xi32, #tpu.memory_space<hbm>>
      %dma_wait3A_27 = tpu.memref_squeeze %dma_wait3A_26 : memref<1x86x128xi32, #tpu.memory_space<hbm>> -> memref<86x128xi32, #tpu.memory_space<hbm>>
      %dma_wait3A_28 = arith.constant 0 : i32
      %dma_wait3A_29 = arith.constant 0 : i32
      %dma_wait3A_30 = tpu.memref_slice %arg4[%add3A, %dma_wait3A_28, %dma_wait3A_29] : memref<32x86x128xi32, #tpu.memory_space<hbm>> -> memref<1x86x128xi32, #tpu.memory_space<hbm>>
      %dma_wait3A_31 = tpu.memref_squeeze %dma_wait3A_30 : memref<1x86x128xi32, #tpu.memory_space<hbm>> -> memref<86x128xi32, #tpu.memory_space<hbm>>
      tpu.wait_dma2 semaphore(%run_scoped3A : memref<!tpu.dma_semaphore, #tpu.memory_space<semaphore_mem>>) src(%dma_wait3A_31 : memref<86x128xi32, #tpu.memory_space<hbm>>) dst(%arg9 : memref<86x128xi32, #tpu.memory_space<vmem>>)
      tpu.yield
    }) : () -> ()
    %scan3A = arith.constant 0 : i32
    %scan3A_5 = arith.constant 0 : i32
    %scan3A_6 = arith.constant 86 : i32
    %scan3A_7 = arith.addi %scan3A_5, %scan3A_6 : i32
    %scan3A_8 = arith.constant 1 : i32
    scf.for %scan3A_18 = %scan3A_5 to %scan3A_7 step %scan3A_8  : i32 {
      %dma_start3A = arith.constant 0 : i32
      %dma_start3A_19 = tpu.memref_slice %arg8[%scan3A_18, %dma_start3A] : memref<86x128xi32, #tpu.memory_space<vmem>> -> memref<1x128xi32, #tpu.memory_space<vmem>>
      %dma_start3A_20 = tpu.memref_squeeze %dma_start3A_19 : memref<1x128xi32, #tpu.memory_space<vmem>> -> memref<128xi32, #tpu.memory_space<vmem>>
      %dma_start3A_21 = arith.constant 0 : i32
      %dma_start3A_22 = arith.constant 0 : i32
      %dma_start3A_23 = tpu.memref_slice %arg2[%dma_start3A_21, %dma_start3A_22] : memref<10000x32xf32, #tpu.memory_space<hbm>> -> memref<10000x32xf32, #tpu.memory_space<hbm>>
      tpu.enqueue_indirect_dma source(%dma_start3A_23 : memref<10000x32xf32, #tpu.memory_space<hbm>>) target(%arg10 : memref<128x32xf32, #tpu.memory_space<vmem>>) offsets(%dma_start3A_20 : memref<128xi32, #tpu.memory_space<vmem>>) semaphore(%arg12 : memref<!tpu.dma_semaphore, #tpu.memory_space<semaphore_mem>>)
      %dma_wait3A = arith.constant 0 : i32
      %dma_wait3A_24 = tpu.memref_slice %arg8[%scan3A_18, %dma_wait3A] : memref<86x128xi32, #tpu.memory_space<vmem>> -> memref<1x128xi32, #tpu.memory_space<vmem>>
      %dma_wait3A_25 = tpu.memref_squeeze %dma_wait3A_24 : memref<1x128xi32, #tpu.memory_space<vmem>> -> memref<128xi32, #tpu.memory_space<vmem>>
      %dma_wait3A_26 = arith.constant 0 : i32
      %dma_wait3A_27 = arith.constant 0 : i32
      %dma_wait3A_28 = tpu.memref_slice %arg2[%dma_wait3A_26, %dma_wait3A_27] : memref<10000x32xf32, #tpu.memory_space<hbm>> -> memref<10000x32xf32, #tpu.memory_space<hbm>>
      tpu.wait_indirect_dma semaphore(%arg12 : memref<!tpu.dma_semaphore, #tpu.memory_space<semaphore_mem>>) src(%dma_wait3A_28 : memref<10000x32xf32, #tpu.memory_space<hbm>>) dst(%arg10 : memref<128x32xf32, #tpu.memory_space<vmem>>)
      "tpu.region"() ({
        %run_scoped3A = tpu.sem_alloc : memref<!tpu.dma_semaphore, #tpu.memory_space<semaphore_mem>>
        %dma_start3A_29 = arith.constant 0 : i32
        %dma_start3A_30 = tpu.memref_slice %arg9[%scan3A_18, %dma_start3A_29] : memref<86x128xi32, #tpu.memory_space<vmem>> -> memref<1x128xi32, #tpu.memory_space<vmem>>
        %dma_start3A_31 = tpu.memref_squeeze %dma_start3A_30 : memref<1x128xi32, #tpu.memory_space<vmem>> -> memref<128xi32, #tpu.memory_space<vmem>>
        %dma_start3A_32 = arith.constant 0 : i32
        %dma_start3A_33 = arith.constant 0 : i32
        %dma_start3A_34 = tpu.memref_slice %arg11[%dma_start3A_32, %dma_start3A_33] : memref<10240x32xf32, #tpu.memory_space<vmem_shared>> -> memref<10240x32xf32, #tpu.memory_space<vmem_shared>>
        tpu.enqueue_indirect_dma source(%arg10 : memref<128x32xf32, #tpu.memory_space<vmem>>) target(%dma_start3A_34 : memref<10240x32xf32, #tpu.memory_space<vmem_shared>>) offsets(%dma_start3A_31 : memref<128xi32, #tpu.memory_space<vmem>>) semaphore(%run_scoped3A : memref<!tpu.dma_semaphore, #tpu.memory_space<semaphore_mem>>) {add = true}
        %dma_wait3A_35 = arith.constant 0 : i32
        %dma_wait3A_36 = tpu.memref_slice %arg9[%scan3A_18, %dma_wait3A_35] : memref<86x128xi32, #tpu.memory_space<vmem>> -> memref<1x128xi32, #tpu.memory_space<vmem>>
        %dma_wait3A_37 = tpu.memref_squeeze %dma_wait3A_36 : memref<1x128xi32, #tpu.memory_space<vmem>> -> memref<128xi32, #tpu.memory_space<vmem>>
        %dma_wait3A_38 = arith.constant 0 : i32
        %dma_wait3A_39 = arith.constant 0 : i32
        %dma_wait3A_40 = tpu.memref_slice %arg11[%dma_wait3A_38, %dma_wait3A_39] : memref<10240x32xf32, #tpu.memory_space<vmem_shared>> -> memref<10240x32xf32, #tpu.memory_space<vmem_shared>>
        tpu.wait_indirect_dma semaphore(%run_scoped3A : memref<!tpu.dma_semaphore, #tpu.memory_space<semaphore_mem>>) src(%arg10 : memref<128x32xf32, #tpu.memory_space<vmem>>) dst(%dma_wait3A_40 : memref<10240x32xf32, #tpu.memory_space<vmem_shared>>)
        tpu.yield
      }) : () -> ()
    }
    %scan3A_9 = arith.constant 86 : i32
    %barrier3A_10 = arith.constant 0 : index
    tpu.barrier barrier_id(%barrier3A_10)
    %mul3A_11 = arith.constant 640 : i32
    %mul3A_12 = arith.muli %arg1, %mul3A_11 : i32
    %mul3A_13 = arith.constant 10240 : i32
    %mul3A_14 = arith.muli %arg0, %mul3A_13 : i32
    %mul3A_15 = arith.constant 640 : i32
    %mul3A_16 = arith.muli %arg1, %mul3A_15 : i32
    %add3A_17 = arith.addi %mul3A_14, %mul3A_16 : i32
    "tpu.region"() ({
      %run_scoped3A = tpu.sem_alloc : memref<!tpu.dma_semaphore, #tpu.memory_space<semaphore_mem>>
      %dma_start3A = arith.constant 0 : i32
      %dma_start3A_18 = tpu.memref_slice %arg7[%add3A_17, %dma_start3A] : memref<20480x32xf32, #tpu.memory_space<hbm>> -> memref<640x32xf32, #tpu.memory_space<hbm>>
      %dma_start3A_19 = arith.constant 0 : i32
      %dma_start3A_20 = tpu.memref_slice %arg11[%mul3A_12, %dma_start3A_19] : memref<10240x32xf32, #tpu.memory_space<vmem_shared>> -> memref<640x32xf32, #tpu.memory_space<vmem_shared>>
      tpu.enqueue_dma source(%dma_start3A_20 : memref<640x32xf32, #tpu.memory_space<vmem_shared>>) target(%dma_start3A_18 : memref<640x32xf32, #tpu.memory_space<hbm>>) target_semaphore(%run_scoped3A : memref<!tpu.dma_semaphore, #tpu.memory_space<semaphore_mem>>)
      %dma_wait3A = arith.constant 0 : i32
      %dma_wait3A_21 = tpu.memref_slice %arg7[%add3A_17, %dma_wait3A] : memref<20480x32xf32, #tpu.memory_space<hbm>> -> memref<640x32xf32, #tpu.memory_space<hbm>>
      %dma_wait3A_22 = arith.constant 0 : i32
      %dma_wait3A_23 = tpu.memref_slice %arg11[%mul3A_12, %dma_wait3A_22] : memref<10240x32xf32, #tpu.memory_space<vmem_shared>> -> memref<640x32xf32, #tpu.memory_space<vmem_shared>>
      tpu.wait_dma2 semaphore(%run_scoped3A : memref<!tpu.dma_semaphore, #tpu.memory_space<semaphore_mem>>) src(%dma_wait3A_23 : memref<640x32xf32, #tpu.memory_space<vmem_shared>>) dst(%dma_wait3A_21 : memref<640x32xf32, #tpu.memory_space<hbm>>)
      tpu.yield
    }) : () -> ()
    return
  }
}

#map = affine_map<(d0, d1) -> (0, 0)>
#map1 = affine_map<(d0, d1) -> (0, 0, 0)>
#map2 = affine_map<(d0, d1) -> (0)>
module attributes {stable_mosaic.version = 14 : i64} {
  func.func @_edge_agg_body(%arg0: i32, %arg1: i32, %arg2: memref<10000x32xf32, #tpu.memory_space<hbm>>, %arg3: memref<32x86x128xi32, #tpu.memory_space<hbm>>, %arg4: memref<32x86x128xi32, #tpu.memory_space<hbm>>, %arg5: memref<10240x32xf32, #tpu.memory_space<hbm>>, %arg6: memref<10240xf32, #tpu.memory_space<hbm>>, %arg7: memref<20480x32xf32, #tpu.memory_space<hbm>>, %arg8: memref<86x128xi32, #tpu.memory_space<vmem>>, %arg9: memref<86x128xi32, #tpu.memory_space<vmem>>, %arg10: memref<128x32xf32, #tpu.memory_space<vmem>>, %arg11: memref<10240x32xf32, #tpu.memory_space<vmem_shared>>, %arg12: memref<!tpu.dma_semaphore, #tpu.memory_space<semaphore_mem>>) attributes {dimension_semantics = [#tpu.dimension_semantics<core_parallel>, #tpu.dimension_semantics<subcore_parallel>], iteration_bounds = array<i64: 2, 16>, scalar_prefetch = 0 : i64, scratch_operands = 5 : i64, tpu.core_type = #tpu.core_type<sc_vector_subcore>, window_params = [{transform_indices = #map}, {transform_indices = #map1}, {transform_indices = #map1}, {transform_indices = #map}, {transform_indices = #map2}, {transform_indices = #map}]} {
    %mul3A = arith.constant 2 : i32
    %mul3A_0 = arith.muli %arg1, %mul3A : i32
    %add3A = arith.addi %mul3A_0, %arg0 : i32
    %mul3A_1 = arith.constant 640 : i32
    %mul3A_2 = arith.muli %arg1, %mul3A_1 : i32
    %mul3A_3 = arith.constant 640 : i32
    %mul3A_4 = arith.muli %arg1, %mul3A_3 : i32
    "tpu.region"() ({
      %run_scoped3A = tpu.sem_alloc : memref<!tpu.dma_semaphore, #tpu.memory_space<semaphore_mem>>
      %dma_start3A = arith.constant 0 : i32
      %dma_start3A_18 = tpu.memref_slice %arg11[%mul3A_4, %dma_start3A] : memref<10240x32xf32, #tpu.memory_space<vmem_shared>> -> memref<640x32xf32, #tpu.memory_space<vmem_shared>>
      %dma_start3A_19 = arith.constant 0 : i32
      %dma_start3A_20 = tpu.memref_slice %arg5[%mul3A_2, %dma_start3A_19] : memref<10240x32xf32, #tpu.memory_space<hbm>> -> memref<640x32xf32, #tpu.memory_space<hbm>>
      tpu.enqueue_dma source(%dma_start3A_20 : memref<640x32xf32, #tpu.memory_space<hbm>>) target(%dma_start3A_18 : memref<640x32xf32, #tpu.memory_space<vmem_shared>>) target_semaphore(%run_scoped3A : memref<!tpu.dma_semaphore, #tpu.memory_space<semaphore_mem>>)
      %dma_wait3A = arith.constant 0 : i32
      %dma_wait3A_21 = tpu.memref_slice %arg11[%mul3A_4, %dma_wait3A] : memref<10240x32xf32, #tpu.memory_space<vmem_shared>> -> memref<640x32xf32, #tpu.memory_space<vmem_shared>>
      %dma_wait3A_22 = arith.constant 0 : i32
      %dma_wait3A_23 = tpu.memref_slice %arg5[%mul3A_2, %dma_wait3A_22] : memref<10240x32xf32, #tpu.memory_space<hbm>> -> memref<640x32xf32, #tpu.memory_space<hbm>>
      tpu.wait_dma2 semaphore(%run_scoped3A : memref<!tpu.dma_semaphore, #tpu.memory_space<semaphore_mem>>) src(%dma_wait3A_23 : memref<640x32xf32, #tpu.memory_space<hbm>>) dst(%dma_wait3A_21 : memref<640x32xf32, #tpu.memory_space<vmem_shared>>)
      tpu.yield
    }) : () -> ()
    %barrier3A = arith.constant 0 : index
    tpu.barrier barrier_id(%barrier3A)
    "tpu.region"() ({
      %run_scoped3A = tpu.sem_alloc : memref<!tpu.dma_semaphore, #tpu.memory_space<semaphore_mem>>
      %dma_start3A = arith.constant 0 : i32
      %dma_start3A_18 = arith.constant 0 : i32
      %dma_start3A_19 = tpu.memref_slice %arg3[%add3A, %dma_start3A, %dma_start3A_18] : memref<32x86x128xi32, #tpu.memory_space<hbm>> -> memref<1x86x128xi32, #tpu.memory_space<hbm>>
      %dma_start3A_20 = tpu.memref_squeeze %dma_start3A_19 : memref<1x86x128xi32, #tpu.memory_space<hbm>> -> memref<86x128xi32, #tpu.memory_space<hbm>>
      %dma_start3A_21 = arith.constant 0 : i32
      %dma_start3A_22 = arith.constant 0 : i32
      %dma_start3A_23 = tpu.memref_slice %arg3[%add3A, %dma_start3A_21, %dma_start3A_22] : memref<32x86x128xi32, #tpu.memory_space<hbm>> -> memref<1x86x128xi32, #tpu.memory_space<hbm>>
      %dma_start3A_24 = tpu.memref_squeeze %dma_start3A_23 : memref<1x86x128xi32, #tpu.memory_space<hbm>> -> memref<86x128xi32, #tpu.memory_space<hbm>>
      tpu.enqueue_dma source(%dma_start3A_24 : memref<86x128xi32, #tpu.memory_space<hbm>>) target(%arg8 : memref<86x128xi32, #tpu.memory_space<vmem>>) target_semaphore(%run_scoped3A : memref<!tpu.dma_semaphore, #tpu.memory_space<semaphore_mem>>)
      %dma_wait3A = arith.constant 0 : i32
      %dma_wait3A_25 = arith.constant 0 : i32
      %dma_wait3A_26 = tpu.memref_slice %arg3[%add3A, %dma_wait3A, %dma_wait3A_25] : memref<32x86x128xi32, #tpu.memory_space<hbm>> -> memref<1x86x128xi32, #tpu.memory_space<hbm>>
      %dma_wait3A_27 = tpu.memref_squeeze %dma_wait3A_26 : memref<1x86x128xi32, #tpu.memory_space<hbm>> -> memref<86x128xi32, #tpu.memory_space<hbm>>
      %dma_wait3A_28 = arith.constant 0 : i32
      %dma_wait3A_29 = arith.constant 0 : i32
      %dma_wait3A_30 = tpu.memref_slice %arg3[%add3A, %dma_wait3A_28, %dma_wait3A_29] : memref<32x86x128xi32, #tpu.memory_space<hbm>> -> memref<1x86x128xi32, #tpu.memory_space<hbm>>
      %dma_wait3A_31 = tpu.memref_squeeze %dma_wait3A_30 : memref<1x86x128xi32, #tpu.memory_space<hbm>> -> memref<86x128xi32, #tpu.memory_space<hbm>>
      tpu.wait_dma2 semaphore(%run_scoped3A : memref<!tpu.dma_semaphore, #tpu.memory_space<semaphore_mem>>) src(%dma_wait3A_31 : memref<86x128xi32, #tpu.memory_space<hbm>>) dst(%arg8 : memref<86x128xi32, #tpu.memory_space<vmem>>)
      tpu.yield
    }) : () -> ()
    "tpu.region"() ({
      %run_scoped3A = tpu.sem_alloc : memref<!tpu.dma_semaphore, #tpu.memory_space<semaphore_mem>>
      %dma_start3A = arith.constant 0 : i32
      %dma_start3A_18 = arith.constant 0 : i32
      %dma_start3A_19 = tpu.memref_slice %arg4[%add3A, %dma_start3A, %dma_start3A_18] : memref<32x86x128xi32, #tpu.memory_space<hbm>> -> memref<1x86x128xi32, #tpu.memory_space<hbm>>
      %dma_start3A_20 = tpu.memref_squeeze %dma_start3A_19 : memref<1x86x128xi32, #tpu.memory_space<hbm>> -> memref<86x128xi32, #tpu.memory_space<hbm>>
      %dma_start3A_21 = arith.constant 0 : i32
      %dma_start3A_22 = arith.constant 0 : i32
      %dma_start3A_23 = tpu.memref_slice %arg4[%add3A, %dma_start3A_21, %dma_start3A_22] : memref<32x86x128xi32, #tpu.memory_space<hbm>> -> memref<1x86x128xi32, #tpu.memory_space<hbm>>
      %dma_start3A_24 = tpu.memref_squeeze %dma_start3A_23 : memref<1x86x128xi32, #tpu.memory_space<hbm>> -> memref<86x128xi32, #tpu.memory_space<hbm>>
      tpu.enqueue_dma source(%dma_start3A_24 : memref<86x128xi32, #tpu.memory_space<hbm>>) target(%arg9 : memref<86x128xi32, #tpu.memory_space<vmem>>) target_semaphore(%run_scoped3A : memref<!tpu.dma_semaphore, #tpu.memory_space<semaphore_mem>>)
      %dma_wait3A = arith.constant 0 : i32
      %dma_wait3A_25 = arith.constant 0 : i32
      %dma_wait3A_26 = tpu.memref_slice %arg4[%add3A, %dma_wait3A, %dma_wait3A_25] : memref<32x86x128xi32, #tpu.memory_space<hbm>> -> memref<1x86x128xi32, #tpu.memory_space<hbm>>
      %dma_wait3A_27 = tpu.memref_squeeze %dma_wait3A_26 : memref<1x86x128xi32, #tpu.memory_space<hbm>> -> memref<86x128xi32, #tpu.memory_space<hbm>>
      %dma_wait3A_28 = arith.constant 0 : i32
      %dma_wait3A_29 = arith.constant 0 : i32
      %dma_wait3A_30 = tpu.memref_slice %arg4[%add3A, %dma_wait3A_28, %dma_wait3A_29] : memref<32x86x128xi32, #tpu.memory_space<hbm>> -> memref<1x86x128xi32, #tpu.memory_space<hbm>>
      %dma_wait3A_31 = tpu.memref_squeeze %dma_wait3A_30 : memref<1x86x128xi32, #tpu.memory_space<hbm>> -> memref<86x128xi32, #tpu.memory_space<hbm>>
      tpu.wait_dma2 semaphore(%run_scoped3A : memref<!tpu.dma_semaphore, #tpu.memory_space<semaphore_mem>>) src(%dma_wait3A_31 : memref<86x128xi32, #tpu.memory_space<hbm>>) dst(%arg9 : memref<86x128xi32, #tpu.memory_space<vmem>>)
      tpu.yield
    }) : () -> ()
    %scan3A = arith.constant 0 : i32
    %scan3A_5 = arith.constant 0 : i32
    %scan3A_6 = arith.constant 86 : i32
    %scan3A_7 = arith.addi %scan3A_5, %scan3A_6 : i32
    %scan3A_8 = arith.constant 1 : i32
    scf.for %scan3A_18 = %scan3A_5 to %scan3A_7 step %scan3A_8  : i32 {
      %dma_start3A = arith.constant 0 : i32
      %dma_start3A_19 = tpu.memref_slice %arg8[%scan3A_18, %dma_start3A] : memref<86x128xi32, #tpu.memory_space<vmem>> -> memref<1x128xi32, #tpu.memory_space<vmem>>
      %dma_start3A_20 = tpu.memref_squeeze %dma_start3A_19 : memref<1x128xi32, #tpu.memory_space<vmem>> -> memref<128xi32, #tpu.memory_space<vmem>>
      %dma_start3A_21 = arith.constant 0 : i32
      %dma_start3A_22 = arith.constant 0 : i32
      %dma_start3A_23 = tpu.memref_slice %arg2[%dma_start3A_21, %dma_start3A_22] : memref<10000x32xf32, #tpu.memory_space<hbm>> -> memref<10000x32xf32, #tpu.memory_space<hbm>>
      tpu.enqueue_indirect_dma source(%dma_start3A_23 : memref<10000x32xf32, #tpu.memory_space<hbm>>) target(%arg10 : memref<128x32xf32, #tpu.memory_space<vmem>>) offsets(%dma_start3A_20 : memref<128xi32, #tpu.memory_space<vmem>>) semaphore(%arg12 : memref<!tpu.dma_semaphore, #tpu.memory_space<semaphore_mem>>)
      %dma_wait3A = arith.constant 0 : i32
      %dma_wait3A_24 = tpu.memref_slice %arg8[%scan3A_18, %dma_wait3A] : memref<86x128xi32, #tpu.memory_space<vmem>> -> memref<1x128xi32, #tpu.memory_space<vmem>>
      %dma_wait3A_25 = tpu.memref_squeeze %dma_wait3A_24 : memref<1x128xi32, #tpu.memory_space<vmem>> -> memref<128xi32, #tpu.memory_space<vmem>>
      %dma_wait3A_26 = arith.constant 0 : i32
      %dma_wait3A_27 = arith.constant 0 : i32
      %dma_wait3A_28 = tpu.memref_slice %arg2[%dma_wait3A_26, %dma_wait3A_27] : memref<10000x32xf32, #tpu.memory_space<hbm>> -> memref<10000x32xf32, #tpu.memory_space<hbm>>
      tpu.wait_indirect_dma semaphore(%arg12 : memref<!tpu.dma_semaphore, #tpu.memory_space<semaphore_mem>>) src(%dma_wait3A_28 : memref<10000x32xf32, #tpu.memory_space<hbm>>) dst(%arg10 : memref<128x32xf32, #tpu.memory_space<vmem>>)
      "tpu.region"() ({
        %run_scoped3A = tpu.sem_alloc : memref<!tpu.dma_semaphore, #tpu.memory_space<semaphore_mem>>
        %dma_start3A_29 = arith.constant 0 : i32
        %dma_start3A_30 = tpu.memref_slice %arg9[%scan3A_18, %dma_start3A_29] : memref<86x128xi32, #tpu.memory_space<vmem>> -> memref<1x128xi32, #tpu.memory_space<vmem>>
        %dma_start3A_31 = tpu.memref_squeeze %dma_start3A_30 : memref<1x128xi32, #tpu.memory_space<vmem>> -> memref<128xi32, #tpu.memory_space<vmem>>
        %dma_start3A_32 = arith.constant 0 : i32
        %dma_start3A_33 = arith.constant 0 : i32
        %dma_start3A_34 = tpu.memref_slice %arg11[%dma_start3A_32, %dma_start3A_33] : memref<10240x32xf32, #tpu.memory_space<vmem_shared>> -> memref<10240x32xf32, #tpu.memory_space<vmem_shared>>
        tpu.enqueue_indirect_dma source(%arg10 : memref<128x32xf32, #tpu.memory_space<vmem>>) target(%dma_start3A_34 : memref<10240x32xf32, #tpu.memory_space<vmem_shared>>) offsets(%dma_start3A_31 : memref<128xi32, #tpu.memory_space<vmem>>) semaphore(%run_scoped3A : memref<!tpu.dma_semaphore, #tpu.memory_space<semaphore_mem>>) {add = true}
        %dma_wait3A_35 = arith.constant 0 : i32
        %dma_wait3A_36 = tpu.memref_slice %arg9[%scan3A_18, %dma_wait3A_35] : memref<86x128xi32, #tpu.memory_space<vmem>> -> memref<1x128xi32, #tpu.memory_space<vmem>>
        %dma_wait3A_37 = tpu.memref_squeeze %dma_wait3A_36 : memref<1x128xi32, #tpu.memory_space<vmem>> -> memref<128xi32, #tpu.memory_space<vmem>>
        %dma_wait3A_38 = arith.constant 0 : i32
        %dma_wait3A_39 = arith.constant 0 : i32
        %dma_wait3A_40 = tpu.memref_slice %arg11[%dma_wait3A_38, %dma_wait3A_39] : memref<10240x32xf32, #tpu.memory_space<vmem_shared>> -> memref<10240x32xf32, #tpu.memory_space<vmem_shared>>
        tpu.wait_indirect_dma semaphore(%run_scoped3A : memref<!tpu.dma_semaphore, #tpu.memory_space<semaphore_mem>>) src(%arg10 : memref<128x32xf32, #tpu.memory_space<vmem>>) dst(%dma_wait3A_40 : memref<10240x32xf32, #tpu.memory_space<vmem_shared>>)
        tpu.yield
      }) : () -> ()
    }
    %scan3A_9 = arith.constant 86 : i32
    %barrier3A_10 = arith.constant 0 : index
    tpu.barrier barrier_id(%barrier3A_10)
    %mul3A_11 = arith.constant 640 : i32
    %mul3A_12 = arith.muli %arg1, %mul3A_11 : i32
    %mul3A_13 = arith.constant 10240 : i32
    %mul3A_14 = arith.muli %arg0, %mul3A_13 : i32
    %mul3A_15 = arith.constant 640 : i32
    %mul3A_16 = arith.muli %arg1, %mul3A_15 : i32
    %add3A_17 = arith.addi %mul3A_14, %mul3A_16 : i32
    "tpu.region"() ({
      %run_scoped3A = tpu.sem_alloc : memref<!tpu.dma_semaphore, #tpu.memory_space<semaphore_mem>>
      %dma_start3A = arith.constant 0 : i32
      %dma_start3A_18 = tpu.memref_slice %arg7[%add3A_17, %dma_start3A] : memref<20480x32xf32, #tpu.memory_space<hbm>> -> memref<640x32xf32, #tpu.memory_space<hbm>>
      %dma_start3A_19 = arith.constant 0 : i32
      %dma_start3A_20 = tpu.memref_slice %arg11[%mul3A_12, %dma_start3A_19] : memref<10240x32xf32, #tpu.memory_space<vmem_shared>> -> memref<640x32xf32, #tpu.memory_space<vmem_shared>>
      tpu.enqueue_dma source(%dma_start3A_20 : memref<640x32xf32, #tpu.memory_space<vmem_shared>>) target(%dma_start3A_18 : memref<640x32xf32, #tpu.memory_space<hbm>>) target_semaphore(%run_scoped3A : memref<!tpu.dma_semaphore, #tpu.memory_space<semaphore_mem>>)
      %dma_wait3A = arith.constant 0 : i32
      %dma_wait3A_21 = tpu.memref_slice %arg7[%add3A_17, %dma_wait3A] : memref<20480x32xf32, #tpu.memory_space<hbm>> -> memref<640x32xf32, #tpu.memory_space<hbm>>
      %dma_wait3A_22 = arith.constant 0 : i32
      %dma_wait3A_23 = tpu.memref_slice %arg11[%mul3A_12, %dma_wait3A_22] : memref<10240x32xf32, #tpu.memory_space<vmem_shared>> -> memref<640x32xf32, #tpu.memory_space<vmem_shared>>
      tpu.wait_dma2 semaphore(%run_scoped3A : memref<!tpu.dma_semaphore, #tpu.memory_space<semaphore_mem>>) src(%dma_wait3A_23 : memref<640x32xf32, #tpu.memory_space<vmem_shared>>) dst(%dma_wait3A_21 : memref<640x32xf32, #tpu.memory_space<hbm>>)
      tpu.yield
    }) : () -> ()
    return
  }
}

module attributes {stable_mosaic.version = 14 : i64} {
  func.func @_combine0_body(%arg0: memref<10000x128xf32, #tpu.memory_space<vmem>>, %arg1: memref<10000x128xf32, #tpu.memory_space<vmem>>, %arg2: memref<10000x128xf32, #tpu.memory_space<vmem>>, %arg3: memref<128x32xf32, #tpu.memory_space<vmem>>, %arg4: memref<32xf32, #tpu.memory_space<vmem>>, %arg5: memref<10000x1xf32, #tpu.memory_space<vmem>>, %arg6: memref<10000x1xf32, #tpu.memory_space<vmem>>, %arg7: memref<10000x32xf32, #tpu.memory_space<vmem>>, %arg8: memref<10000x1xf32, #tpu.memory_space<vmem>>) attributes {dimension_semantics = [], scalar_prefetch = 0 : i64, scratch_operands = 0 : i64, tpu.core_type = #tpu.core_type<tc>} {
    %get3A = arith.constant 0 : index
    %get3A_0 = arith.constant 0 : index
    %get3A_1 = vector.load %arg5[%get3A, %get3A_0] : memref<10000x1xf32, #tpu.memory_space<vmem>>, vector<10000x1xf32>
    %get3A_2 = arith.constant 0 : index
    %get3A_3 = arith.constant 0 : index
    %get3A_4 = vector.load %arg6[%get3A_2, %get3A_3] : memref<10000x1xf32, #tpu.memory_space<vmem>>, vector<10000x1xf32>
    %add3A = arith.addf %get3A_1, %get3A_4 : vector<10000x1xf32>
    %add3A_5 = arith.constant 1.000000e+00 : f32
    %add3A_6 = vector.broadcast %add3A_5 : f32 to vector<10000x1xf32>
    %add3A_7 = arith.addf %add3A, %add3A_6 : vector<10000x1xf32>
    %swap3A = arith.constant 0 : index
    %swap3A_8 = arith.constant 0 : index
    %swap3A_9 = vector.load %arg8[%swap3A, %swap3A_8] : memref<10000x1xf32, #tpu.memory_space<vmem>>, vector<10000x1xf32>
    tpu.vector_store %arg8[%swap3A, %swap3A_8], %add3A_7 {strides = array<i32>} : memref<10000x1xf32, #tpu.memory_space<vmem>>, vector<10000x1xf32>,
    %get3A_10 = arith.constant 0 : index
    %get3A_11 = arith.constant 0 : index
    %get3A_12 = vector.load %arg0[%get3A_10, %get3A_11] : memref<10000x128xf32, #tpu.memory_space<vmem>>, vector<10000x128xf32>
    %get3A_13 = arith.constant 0 : index
    %get3A_14 = arith.constant 0 : index
    %get3A_15 = vector.load %arg1[%get3A_13, %get3A_14] : memref<10000x128xf32, #tpu.memory_space<vmem>>, vector<10000x128xf32>
    %add3A_16 = arith.addf %get3A_12, %get3A_15 : vector<10000x128xf32>
    %get3A_17 = arith.constant 0 : index
    %get3A_18 = arith.constant 0 : index
    %get3A_19 = vector.load %arg2[%get3A_17, %get3A_18] : memref<10000x128xf32, #tpu.memory_space<vmem>>, vector<10000x128xf32>
    %add3A_20 = arith.addf %add3A_16, %get3A_19 : vector<10000x128xf32>
    %get3A_21 = arith.constant 0 : index
    %get3A_22 = arith.constant 0 : index
    %get3A_23 = vector.load %arg3[%get3A_21, %get3A_22] : memref<128x32xf32, #tpu.memory_space<vmem>>, vector<128x32xf32>
    %dot_general3A = arith.constant dense<0.000000e+00> : vector<10000x32xf32>
    %dot_general3A_24 = tpu.matmul %add3A_20, %get3A_23, %dot_general3A {dimension_numbers = #tpu.dot_dimension_numbers<[1], [0], [0], [1], [0, 0, 1, 1], [], []>, transpose_lhs_hint = false} : vector<10000x128xf32>, vector<128x32xf32>, vector<10000x32xf32> -> vector<10000x32xf32>
    %get3A_25 = arith.constant 0 : index
    %get3A_26 = vector.load %arg4[%get3A_25] : memref<32xf32, #tpu.memory_space<vmem>>, vector<32xf32>
    %broadcast_in_dim3A = vector.shape_cast %get3A_26 : vector<32xf32> to vector<1x32xf32>
    %add3A_27 = vector.broadcast %broadcast_in_dim3A : vector<1x32xf32> to vector<10000x32xf32>
    %add3A_28 = arith.addf %dot_general3A_24, %add3A_27 : vector<10000x32xf32>
    %div3A = vector.broadcast %add3A_7 : vector<10000x1xf32> to vector<10000x32xf32>
    %div3A_29 = arith.divf %add3A_28, %div3A : vector<10000x32xf32>
    %tanh3A = math.tanh %div3A_29 : vector<10000x32xf32>
    %swap3A_30 = arith.constant 0 : index
    %swap3A_31 = arith.constant 0 : index
    %swap3A_32 = vector.load %arg7[%swap3A_30, %swap3A_31] : memref<10000x32xf32, #tpu.memory_space<vmem>>, vector<10000x32xf32>
    tpu.vector_store %arg7[%swap3A_30, %swap3A_31], %tanh3A {strides = array<i32>} : memref<10000x32xf32, #tpu.memory_space<vmem>>, vector<10000x32xf32>,
    return
  }
}

module attributes {stable_mosaic.version = 14 : i64} {
  func.func @_combine_body(%arg0: memref<10000x32xf32, #tpu.memory_space<vmem>>, %arg1: memref<10000x32xf32, #tpu.memory_space<vmem>>, %arg2: memref<10000x32xf32, #tpu.memory_space<vmem>>, %arg3: memref<32x32xf32, #tpu.memory_space<vmem>>, %arg4: memref<32xf32, #tpu.memory_space<vmem>>, %arg5: memref<10000x1xf32, #tpu.memory_space<vmem>>, %arg6: memref<10000x32xf32, #tpu.memory_space<vmem>>) attributes {dimension_semantics = [], scalar_prefetch = 0 : i64, scratch_operands = 0 : i64, tpu.core_type = #tpu.core_type<tc>} {
    %get3A = arith.constant 0 : index
    %get3A_0 = arith.constant 0 : index
    %get3A_1 = vector.load %arg0[%get3A, %get3A_0] : memref<10000x32xf32, #tpu.memory_space<vmem>>, vector<10000x32xf32>
    %get3A_2 = arith.constant 0 : index
    %get3A_3 = arith.constant 0 : index
    %get3A_4 = vector.load %arg1[%get3A_2, %get3A_3] : memref<10000x32xf32, #tpu.memory_space<vmem>>, vector<10000x32xf32>
    %add3A = arith.addf %get3A_1, %get3A_4 : vector<10000x32xf32>
    %get3A_5 = arith.constant 0 : index
    %get3A_6 = arith.constant 0 : index
    %get3A_7 = vector.load %arg2[%get3A_5, %get3A_6] : memref<10000x32xf32, #tpu.memory_space<vmem>>, vector<10000x32xf32>
    %add3A_8 = arith.addf %add3A, %get3A_7 : vector<10000x32xf32>
    %get3A_9 = arith.constant 0 : index
    %get3A_10 = arith.constant 0 : index
    %get3A_11 = vector.load %arg3[%get3A_9, %get3A_10] : memref<32x32xf32, #tpu.memory_space<vmem>>, vector<32x32xf32>
    %dot_general3A = arith.constant dense<0.000000e+00> : vector<10000x32xf32>
    %dot_general3A_12 = tpu.matmul %add3A_8, %get3A_11, %dot_general3A {dimension_numbers = #tpu.dot_dimension_numbers<[1], [0], [0], [1], [0, 0, 1, 1], [], []>, transpose_lhs_hint = false} : vector<10000x32xf32>, vector<32x32xf32>, vector<10000x32xf32> -> vector<10000x32xf32>
    %get3A_13 = arith.constant 0 : index
    %get3A_14 = vector.load %arg4[%get3A_13] : memref<32xf32, #tpu.memory_space<vmem>>, vector<32xf32>
    %broadcast_in_dim3A = vector.shape_cast %get3A_14 : vector<32xf32> to vector<1x32xf32>
    %add3A_15 = vector.broadcast %broadcast_in_dim3A : vector<1x32xf32> to vector<10000x32xf32>
    %add3A_16 = arith.addf %dot_general3A_12, %add3A_15 : vector<10000x32xf32>
    %get3A_17 = arith.constant 0 : index
    %get3A_18 = arith.constant 0 : index
    %get3A_19 = vector.load %arg5[%get3A_17, %get3A_18] : memref<10000x1xf32, #tpu.memory_space<vmem>>, vector<10000x1xf32>
    %div3A = vector.broadcast %get3A_19 : vector<10000x1xf32> to vector<10000x32xf32>
    %div3A_20 = arith.divf %add3A_16, %div3A : vector<10000x32xf32>
    %tanh3A = math.tanh %div3A_20 : vector<10000x32xf32>
    %swap3A = arith.constant 0 : index
    %swap3A_21 = arith.constant 0 : index
    %swap3A_22 = vector.load %arg6[%swap3A, %swap3A_21] : memref<10000x32xf32, #tpu.memory_space<vmem>>, vector<10000x32xf32>
    tpu.vector_store %arg6[%swap3A, %swap3A_21], %tanh3A {strides = array<i32>} : memref<10000x32xf32, #tpu.memory_space<vmem>>, vector<10000x32xf32>,
    return
  }
}

module attributes {stable_mosaic.version = 14 : i64} {
  func.func @_combine_body(%arg0: memref<10000x32xf32, #tpu.memory_space<vmem>>, %arg1: memref<10000x32xf32, #tpu.memory_space<vmem>>, %arg2: memref<10000x32xf32, #tpu.memory_space<vmem>>, %arg3: memref<32x1xf32, #tpu.memory_space<vmem>>, %arg4: memref<1xf32, #tpu.memory_space<vmem>>, %arg5: memref<10000x1xf32, #tpu.memory_space<vmem>>, %arg6: memref<10000x1xf32, #tpu.memory_space<vmem>>) attributes {dimension_semantics = [], scalar_prefetch = 0 : i64, scratch_operands = 0 : i64, tpu.core_type = #tpu.core_type<tc>} {
    %get3A = arith.constant 0 : index
    %get3A_0 = arith.constant 0 : index
    %get3A_1 = vector.load %arg0[%get3A, %get3A_0] : memref<10000x32xf32, #tpu.memory_space<vmem>>, vector<10000x32xf32>
    %get3A_2 = arith.constant 0 : index
    %get3A_3 = arith.constant 0 : index
    %get3A_4 = vector.load %arg1[%get3A_2, %get3A_3] : memref<10000x32xf32, #tpu.memory_space<vmem>>, vector<10000x32xf32>
    %add3A = arith.addf %get3A_1, %get3A_4 : vector<10000x32xf32>
    %get3A_5 = arith.constant 0 : index
    %get3A_6 = arith.constant 0 : index
    %get3A_7 = vector.load %arg2[%get3A_5, %get3A_6] : memref<10000x32xf32, #tpu.memory_space<vmem>>, vector<10000x32xf32>
    %add3A_8 = arith.addf %add3A, %get3A_7 : vector<10000x32xf32>
    %get3A_9 = arith.constant 0 : index
    %get3A_10 = arith.constant 0 : index
    %get3A_11 = vector.load %arg3[%get3A_9, %get3A_10] : memref<32x1xf32, #tpu.memory_space<vmem>>, vector<32x1xf32>
    %dot_general3A = arith.constant dense<0.000000e+00> : vector<10000x1xf32>
    %dot_general3A_12 = tpu.matmul %add3A_8, %get3A_11, %dot_general3A {dimension_numbers = #tpu.dot_dimension_numbers<[1], [0], [0], [1], [0, 0, 1, 1], [], []>, transpose_lhs_hint = false} : vector<10000x32xf32>, vector<32x1xf32>, vector<10000x1xf32> -> vector<10000x1xf32>
    %get3A_13 = arith.constant 0 : index
    %get3A_14 = vector.load %arg4[%get3A_13] : memref<1xf32, #tpu.memory_space<vmem>>, vector<1xf32>
    %broadcast_in_dim3A = vector.shape_cast %get3A_14 : vector<1xf32> to vector<1x1xf32>
    %add3A_15 = vector.broadcast %broadcast_in_dim3A : vector<1x1xf32> to vector<10000x1xf32>
    %add3A_16 = arith.addf %dot_general3A_12, %add3A_15 : vector<10000x1xf32>
    %get3A_17 = arith.constant 0 : index
    %get3A_18 = arith.constant 0 : index
    %get3A_19 = vector.load %arg5[%get3A_17, %get3A_18] : memref<10000x1xf32, #tpu.memory_space<vmem>>, vector<10000x1xf32>
    %div3A = arith.divf %add3A_16, %get3A_19 : vector<10000x1xf32>
    %tanh3A = math.tanh %div3A : vector<10000x1xf32>
    %swap3A = arith.constant 0 : index
    %swap3A_20 = arith.constant 0 : index
    %swap3A_21 = vector.load %arg6[%swap3A, %swap3A_20] : memref<10000x1xf32, #tpu.memory_space<vmem>>, vector<10000x1xf32>
    tpu.vector_store %arg6[%swap3A, %swap3A_20], %tanh3A {strides = array<i32>} : memref<10000x1xf32, #tpu.memory_space<vmem>>, vector<10000x1xf32>,
    return
  }
}

module attributes {stable_mosaic.version = 14 : i64} {
  func.func @_topk_body(%arg0: memref<100x128xf32, #tpu.memory_space<vmem>>, %arg1: memref<100x30xi32, #tpu.memory_space<vmem>>) attributes {dimension_semantics = [], scalar_prefetch = 0 : i64, scratch_operands = 0 : i64, tpu.core_type = #tpu.core_type<tc>} {
    %get3A = arith.constant 0 : index
    %get3A_0 = arith.constant 0 : index
    %get3A_1 = vector.load %arg0[%get3A, %get3A_0] : memref<100x128xf32, #tpu.memory_space<vmem>>, vector<100x128xf32>
    %iota3A = tpu.iota {dimensions = array<i32: 1>} : vector<100x128xi32>
    %iota3A_2 = tpu.iota {dimensions = array<i32: 0>} : vector<100x1xi32>
    %mul3A = arith.constant 100 : i32
    %mul3A_3 = vector.broadcast %mul3A : i32 to vector<100x1xi32>
    %mul3A_4 = arith.muli %iota3A_2, %mul3A_3 : vector<100x1xi32>
    %reduce_max3A = arith.constant dense<0xFF800000> : vector<100xf32>
    %reduce_max3A_5 = vector.multi_reduction <maximumf>, %get3A_1, %reduce_max3A [1] : vector<100x128xf32> to vector<100xf32>
    %broadcast_in_dim3A = vector.shape_cast %reduce_max3A_5 : vector<100xf32> to vector<100x1xf32>
    %ge3A = vector.broadcast %broadcast_in_dim3A : vector<100x1xf32> to vector<100x128xf32>
    %ge3A_6 = arith.cmpf oge, %get3A_1, %ge3A : vector<100x128xf32>
    %jit3A = arith.constant 1073741824 : i32
    %broadcast_in_dim3A_7 = vector.broadcast %jit3A : i32 to vector<100x128xi32>
    %select_n3A = arith.select %ge3A_6, %iota3A, %broadcast_in_dim3A_7 : vector<100x128xi1>, vector<100x128xi32>
    %reduce_min3A = arith.constant dense<2147483647> : vector<100xi32>
    %reduce_min3A_8 = vector.multi_reduction <minsi>, %select_n3A, %reduce_min3A [1] : vector<100x128xi32> to vector<100xi32>
    %broadcast_in_dim3A_9 = vector.shape_cast %reduce_min3A_8 : vector<100xi32> to vector<100x1xi32>
    %add3A = arith.addi %broadcast_in_dim3A_9, %mul3A_4 : vector<100x1xi32>
    %swap3A = arith.constant 0 : index
    %swap3A_10 = arith.constant 0 : index
    %swap3A_11 = vector.load %arg1[%swap3A, %swap3A_10] : memref<100x30xi32, #tpu.memory_space<vmem>>, vector<100x1xi32>
    tpu.vector_store %arg1[%swap3A, %swap3A_10], %add3A {strides = array<i32>} : memref<100x30xi32, #tpu.memory_space<vmem>>, vector<100x1xi32>,
    %eq3A = vector.broadcast %broadcast_in_dim3A_9 : vector<100x1xi32> to vector<100x128xi32>
    %eq3A_12 = arith.cmpi eq, %iota3A, %eq3A : vector<100x128xi32>
    %jit3A_13 = arith.constant 0xFF800000 : f32
    %broadcast_in_dim3A_14 = vector.broadcast %jit3A_13 : f32 to vector<100x128xf32>
    %select_n3A_15 = arith.select %eq3A_12, %broadcast_in_dim3A_14, %get3A_1 : vector<100x128xi1>, vector<100x128xf32>
    %reduce_max3A_16 = arith.constant dense<0xFF800000> : vector<100xf32>
    %reduce_max3A_17 = vector.multi_reduction <maximumf>, %select_n3A_15, %reduce_max3A_16 [1] : vector<100x128xf32> to vector<100xf32>
    %broadcast_in_dim3A_18 = vector.shape_cast %reduce_max3A_17 : vector<100xf32> to vector<100x1xf32>
    %ge3A_19 = vector.broadcast %broadcast_in_dim3A_18 : vector<100x1xf32> to vector<100x128xf32>
    %ge3A_20 = arith.cmpf oge, %select_n3A_15, %ge3A_19 : vector<100x128xf32>
    %jit3A_21 = arith.constant 1073741824 : i32
    %broadcast_in_dim3A_22 = vector.broadcast %jit3A_21 : i32 to vector<100x128xi32>
    %select_n3A_23 = arith.select %ge3A_20, %iota3A, %broadcast_in_dim3A_22 : vector<100x128xi1>, vector<100x128xi32>
    %reduce_min3A_24 = arith.constant dense<2147483647> : vector<100xi32>
    %reduce_min3A_25 = vector.multi_reduction <minsi>, %select_n3A_23, %reduce_min3A_24 [1] : vector<100x128xi32> to vector<100xi32>
    %broadcast_in_dim3A_26 = vector.shape_cast %reduce_min3A_25 : vector<100xi32> to vector<100x1xi32>
    %add3A_27 = arith.addi %broadcast_in_dim3A_26, %mul3A_4 : vector<100x1xi32>
    %swap3A_28 = arith.constant 0 : index
    %swap3A_29 = arith.constant 1 : index
    %swap3A_30 = vector.load %arg1[%swap3A_28, %swap3A_29] : memref<100x30xi32, #tpu.memory_space<vmem>>, vector<100x1xi32>
    tpu.vector_store %arg1[%swap3A_28, %swap3A_29], %add3A_27 {strides = array<i32>} : memref<100x30xi32, #tpu.memory_space<vmem>>, vector<100x1xi32>,
    %eq3A_31 = vector.broadcast %broadcast_in_dim3A_26 : vector<100x1xi32> to vector<100x128xi32>
    %eq3A_32 = arith.cmpi eq, %iota3A, %eq3A_31 : vector<100x128xi32>
    %jit3A_33 = arith.constant 0xFF800000 : f32
    %broadcast_in_dim3A_34 = vector.broadcast %jit3A_33 : f32 to vector<100x128xf32>
    %select_n3A_35 = arith.select %eq3A_32, %broadcast_in_dim3A_34, %select_n3A_15 : vector<100x128xi1>, vector<100x128xf32>
    %reduce_max3A_36 = arith.constant dense<0xFF800000> : vector<100xf32>
    %reduce_max3A_37 = vector.multi_reduction <maximumf>, %select_n3A_35, %reduce_max3A_36 [1] : vector<100x128xf32> to vector<100xf32>
    %broadcast_in_dim3A_38 = vector.shape_cast %reduce_max3A_37 : vector<100xf32> to vector<100x1xf32>
    %ge3A_39 = vector.broadcast %broadcast_in_dim3A_38 : vector<100x1xf32> to vector<100x128xf32>
    %ge3A_40 = arith.cmpf oge, %select_n3A_35, %ge3A_39 : vector<100x128xf32>
    %jit3A_41 = arith.constant 1073741824 : i32
    %broadcast_in_dim3A_42 = vector.broadcast %jit3A_41 : i32 to vector<100x128xi32>
    %select_n3A_43 = arith.select %ge3A_40, %iota3A, %broadcast_in_dim3A_42 : vector<100x128xi1>, vector<100x128xi32>
    %reduce_min3A_44 = arith.constant dense<2147483647> : vector<100xi32>
    %reduce_min3A_45 = vector.multi_reduction <minsi>, %select_n3A_43, %reduce_min3A_44 [1] : vector<100x128xi32> to vector<100xi32>
    %broadcast_in_dim3A_46 = vector.shape_cast %reduce_min3A_45 : vector<100xi32> to vector<100x1xi32>
    %add3A_47 = arith.addi %broadcast_in_dim3A_46, %mul3A_4 : vector<100x1xi32>
    %swap3A_48 = arith.constant 0 : index
    %swap3A_49 = arith.constant 2 : index
    %swap3A_50 = vector.load %arg1[%swap3A_48, %swap3A_49] : memref<100x30xi32, #tpu.memory_space<vmem>>, vector<100x1xi32>
    tpu.vector_store %arg1[%swap3A_48, %swap3A_49], %add3A_47 {strides = array<i32>} : memref<100x30xi32, #tpu.memory_space<vmem>>, vector<100x1xi32>,
    %eq3A_51 = vector.broadcast %broadcast_in_dim3A_46 : vector<100x1xi32> to vector<100x128xi32>
    %eq3A_52 = arith.cmpi eq, %iota3A, %eq3A_51 : vector<100x128xi32>
    %jit3A_53 = arith.constant 0xFF800000 : f32
    %broadcast_in_dim3A_54 = vector.broadcast %jit3A_53 : f32 to vector<100x128xf32>
    %select_n3A_55 = arith.select %eq3A_52, %broadcast_in_dim3A_54, %select_n3A_35 : vector<100x128xi1>, vector<100x128xf32>
    %reduce_max3A_56 = arith.constant dense<0xFF800000> : vector<100xf32>
    %reduce_max3A_57 = vector.multi_reduction <maximumf>, %select_n3A_55, %reduce_max3A_56 [1] : vector<100x128xf32> to vector<100xf32>
    %broadcast_in_dim3A_58 = vector.shape_cast %reduce_max3A_57 : vector<100xf32> to vector<100x1xf32>
    %ge3A_59 = vector.broadcast %broadcast_in_dim3A_58 : vector<100x1xf32> to vector<100x128xf32>
    %ge3A_60 = arith.cmpf oge, %select_n3A_55, %ge3A_59 : vector<100x128xf32>
    %jit3A_61 = arith.constant 1073741824 : i32
    %broadcast_in_dim3A_62 = vector.broadcast %jit3A_61 : i32 to vector<100x128xi32>
    %select_n3A_63 = arith.select %ge3A_60, %iota3A, %broadcast_in_dim3A_62 : vector<100x128xi1>, vector<100x128xi32>
    %reduce_min3A_64 = arith.constant dense<2147483647> : vector<100xi32>
    %reduce_min3A_65 = vector.multi_reduction <minsi>, %select_n3A_63, %reduce_min3A_64 [1] : vector<100x128xi32> to vector<100xi32>
    %broadcast_in_dim3A_66 = vector.shape_cast %reduce_min3A_65 : vector<100xi32> to vector<100x1xi32>
    %add3A_67 = arith.addi %broadcast_in_dim3A_66, %mul3A_4 : vector<100x1xi32>
    %swap3A_68 = arith.constant 0 : index
    %swap3A_69 = arith.constant 3 : index
    %swap3A_70 = vector.load %arg1[%swap3A_68, %swap3A_69] : memref<100x30xi32, #tpu.memory_space<vmem>>, vector<100x1xi32>
    tpu.vector_store %arg1[%swap3A_68, %swap3A_69], %add3A_67 {strides = array<i32>} : memref<100x30xi32, #tpu.memory_space<vmem>>, vector<100x1xi32>,
    %eq3A_71 = vector.broadcast %broadcast_in_dim3A_66 : vector<100x1xi32> to vector<100x128xi32>
    %eq3A_72 = arith.cmpi eq, %iota3A, %eq3A_71 : vector<100x128xi32>
    %jit3A_73 = arith.constant 0xFF800000 : f32
    %broadcast_in_dim3A_74 = vector.broadcast %jit3A_73 : f32 to vector<100x128xf32>
    %select_n3A_75 = arith.select %eq3A_72, %broadcast_in_dim3A_74, %select_n3A_55 : vector<100x128xi1>, vector<100x128xf32>
    %reduce_max3A_76 = arith.constant dense<0xFF800000> : vector<100xf32>
    %reduce_max3A_77 = vector.multi_reduction <maximumf>, %select_n3A_75, %reduce_max3A_76 [1] : vector<100x128xf32> to vector<100xf32>
    %broadcast_in_dim3A_78 = vector.shape_cast %reduce_max3A_77 : vector<100xf32> to vector<100x1xf32>
    %ge3A_79 = vector.broadcast %broadcast_in_dim3A_78 : vector<100x1xf32> to vector<100x128xf32>
    %ge3A_80 = arith.cmpf oge, %select_n3A_75, %ge3A_79 : vector<100x128xf32>
    %jit3A_81 = arith.constant 1073741824 : i32
    %broadcast_in_dim3A_82 = vector.broadcast %jit3A_81 : i32 to vector<100x128xi32>
    %select_n3A_83 = arith.select %ge3A_80, %iota3A, %broadcast_in_dim3A_82 : vector<100x128xi1>, vector<100x128xi32>
    %reduce_min3A_84 = arith.constant dense<2147483647> : vector<100xi32>
    %reduce_min3A_85 = vector.multi_reduction <minsi>, %select_n3A_83, %reduce_min3A_84 [1] : vector<100x128xi32> to vector<100xi32>
    %broadcast_in_dim3A_86 = vector.shape_cast %reduce_min3A_85 : vector<100xi32> to vector<100x1xi32>
    %add3A_87 = arith.addi %broadcast_in_dim3A_86, %mul3A_4 : vector<100x1xi32>
    %swap3A_88 = arith.constant 0 : index
    %swap3A_89 = arith.constant 4 : index
    %swap3A_90 = vector.load %arg1[%swap3A_88, %swap3A_89] : memref<100x30xi32, #tpu.memory_space<vmem>>, vector<100x1xi32>
    tpu.vector_store %arg1[%swap3A_88, %swap3A_89], %add3A_87 {strides = array<i32>} : memref<100x30xi32, #tpu.memory_space<vmem>>, vector<100x1xi32>,
    %eq3A_91 = vector.broadcast %broadcast_in_dim3A_86 : vector<100x1xi32> to vector<100x128xi32>
    %eq3A_92 = arith.cmpi eq, %iota3A, %eq3A_91 : vector<100x128xi32>
    %jit3A_93 = arith.constant 0xFF800000 : f32
    %broadcast_in_dim3A_94 = vector.broadcast %jit3A_93 : f32 to vector<100x128xf32>
    %select_n3A_95 = arith.select %eq3A_92, %broadcast_in_dim3A_94, %select_n3A_75 : vector<100x128xi1>, vector<100x128xf32>
    %reduce_max3A_96 = arith.constant dense<0xFF800000> : vector<100xf32>
    %reduce_max3A_97 = vector.multi_reduction <maximumf>, %select_n3A_95, %reduce_max3A_96 [1] : vector<100x128xf32> to vector<100xf32>
    %broadcast_in_dim3A_98 = vector.shape_cast %reduce_max3A_97 : vector<100xf32> to vector<100x1xf32>
    %ge3A_99 = vector.broadcast %broadcast_in_dim3A_98 : vector<100x1xf32> to vector<100x128xf32>
    %ge3A_100 = arith.cmpf oge, %select_n3A_95, %ge3A_99 : vector<100x128xf32>
    %jit3A_101 = arith.constant 1073741824 : i32
    %broadcast_in_dim3A_102 = vector.broadcast %jit3A_101 : i32 to vector<100x128xi32>
    %select_n3A_103 = arith.select %ge3A_100, %iota3A, %broadcast_in_dim3A_102 : vector<100x128xi1>, vector<100x128xi32>
    %reduce_min3A_104 = arith.constant dense<2147483647> : vector<100xi32>
    %reduce_min3A_105 = vector.multi_reduction <minsi>, %select_n3A_103, %reduce_min3A_104 [1] : vector<100x128xi32> to vector<100xi32>
    %broadcast_in_dim3A_106 = vector.shape_cast %reduce_min3A_105 : vector<100xi32> to vector<100x1xi32>
    %add3A_107 = arith.addi %broadcast_in_dim3A_106, %mul3A_4 : vector<100x1xi32>
    %swap3A_108 = arith.constant 0 : index
    %swap3A_109 = arith.constant 5 : index
    %swap3A_110 = vector.load %arg1[%swap3A_108, %swap3A_109] : memref<100x30xi32, #tpu.memory_space<vmem>>, vector<100x1xi32>
    tpu.vector_store %arg1[%swap3A_108, %swap3A_109], %add3A_107 {strides = array<i32>} : memref<100x30xi32, #tpu.memory_space<vmem>>, vector<100x1xi32>,
    %eq3A_111 = vector.broadcast %broadcast_in_dim3A_106 : vector<100x1xi32> to vector<100x128xi32>
    %eq3A_112 = arith.cmpi eq, %iota3A, %eq3A_111 : vector<100x128xi32>
    %jit3A_113 = arith.constant 0xFF800000 : f32
    %broadcast_in_dim3A_114 = vector.broadcast %jit3A_113 : f32 to vector<100x128xf32>
    %select_n3A_115 = arith.select %eq3A_112, %broadcast_in_dim3A_114, %select_n3A_95 : vector<100x128xi1>, vector<100x128xf32>
    %reduce_max3A_116 = arith.constant dense<0xFF800000> : vector<100xf32>
    %reduce_max3A_117 = vector.multi_reduction <maximumf>, %select_n3A_115, %reduce_max3A_116 [1] : vector<100x128xf32> to vector<100xf32>
    %broadcast_in_dim3A_118 = vector.shape_cast %reduce_max3A_117 : vector<100xf32> to vector<100x1xf32>
    %ge3A_119 = vector.broadcast %broadcast_in_dim3A_118 : vector<100x1xf32> to vector<100x128xf32>
    %ge3A_120 = arith.cmpf oge, %select_n3A_115, %ge3A_119 : vector<100x128xf32>
    %jit3A_121 = arith.constant 1073741824 : i32
    %broadcast_in_dim3A_122 = vector.broadcast %jit3A_121 : i32 to vector<100x128xi32>
    %select_n3A_123 = arith.select %ge3A_120, %iota3A, %broadcast_in_dim3A_122 : vector<100x128xi1>, vector<100x128xi32>
    %reduce_min3A_124 = arith.constant dense<2147483647> : vector<100xi32>
    %reduce_min3A_125 = vector.multi_reduction <minsi>, %select_n3A_123, %reduce_min3A_124 [1] : vector<100x128xi32> to vector<100xi32>
    %broadcast_in_dim3A_126 = vector.shape_cast %reduce_min3A_125 : vector<100xi32> to vector<100x1xi32>
    %add3A_127 = arith.addi %broadcast_in_dim3A_126, %mul3A_4 : vector<100x1xi32>
    %swap3A_128 = arith.constant 0 : index
    %swap3A_129 = arith.constant 6 : index
    %swap3A_130 = vector.load %arg1[%swap3A_128, %swap3A_129] : memref<100x30xi32, #tpu.memory_space<vmem>>, vector<100x1xi32>
    tpu.vector_store %arg1[%swap3A_128, %swap3A_129], %add3A_127 {strides = array<i32>} : memref<100x30xi32, #tpu.memory_space<vmem>>, vector<100x1xi32>,
    %eq3A_131 = vector.broadcast %broadcast_in_dim3A_126 : vector<100x1xi32> to vector<100x128xi32>
    %eq3A_132 = arith.cmpi eq, %iota3A, %eq3A_131 : vector<100x128xi32>
    %jit3A_133 = arith.constant 0xFF800000 : f32
    %broadcast_in_dim3A_134 = vector.broadcast %jit3A_133 : f32 to vector<100x128xf32>
    %select_n3A_135 = arith.select %eq3A_132, %broadcast_in_dim3A_134, %select_n3A_115 : vector<100x128xi1>, vector<100x128xf32>
    %reduce_max3A_136 = arith.constant dense<0xFF800000> : vector<100xf32>
    %reduce_max3A_137 = vector.multi_reduction <maximumf>, %select_n3A_135, %reduce_max3A_136 [1] : vector<100x128xf32> to vector<100xf32>
    %broadcast_in_dim3A_138 = vector.shape_cast %reduce_max3A_137 : vector<100xf32> to vector<100x1xf32>
    %ge3A_139 = vector.broadcast %broadcast_in_dim3A_138 : vector<100x1xf32> to vector<100x128xf32>
    %ge3A_140 = arith.cmpf oge, %select_n3A_135, %ge3A_139 : vector<100x128xf32>
    %jit3A_141 = arith.constant 1073741824 : i32
    %broadcast_in_dim3A_142 = vector.broadcast %jit3A_141 : i32 to vector<100x128xi32>
    %select_n3A_143 = arith.select %ge3A_140, %iota3A, %broadcast_in_dim3A_142 : vector<100x128xi1>, vector<100x128xi32>
    %reduce_min3A_144 = arith.constant dense<2147483647> : vector<100xi32>
    %reduce_min3A_145 = vector.multi_reduction <minsi>, %select_n3A_143, %reduce_min3A_144 [1] : vector<100x128xi32> to vector<100xi32>
    %broadcast_in_dim3A_146 = vector.shape_cast %reduce_min3A_145 : vector<100xi32> to vector<100x1xi32>
    %add3A_147 = arith.addi %broadcast_in_dim3A_146, %mul3A_4 : vector<100x1xi32>
    %swap3A_148 = arith.constant 0 : index
    %swap3A_149 = arith.constant 7 : index
    %swap3A_150 = vector.load %arg1[%swap3A_148, %swap3A_149] : memref<100x30xi32, #tpu.memory_space<vmem>>, vector<100x1xi32>
    tpu.vector_store %arg1[%swap3A_148, %swap3A_149], %add3A_147 {strides = array<i32>} : memref<100x30xi32, #tpu.memory_space<vmem>>, vector<100x1xi32>,
    %eq3A_151 = vector.broadcast %broadcast_in_dim3A_146 : vector<100x1xi32> to vector<100x128xi32>
    %eq3A_152 = arith.cmpi eq, %iota3A, %eq3A_151 : vector<100x128xi32>
    %jit3A_153 = arith.constant 0xFF800000 : f32
    %broadcast_in_dim3A_154 = vector.broadcast %jit3A_153 : f32 to vector<100x128xf32>
    %select_n3A_155 = arith.select %eq3A_152, %broadcast_in_dim3A_154, %select_n3A_135 : vector<100x128xi1>, vector<100x128xf32>
    %reduce_max3A_156 = arith.constant dense<0xFF800000> : vector<100xf32>
    %reduce_max3A_157 = vector.multi_reduction <maximumf>, %select_n3A_155, %reduce_max3A_156 [1] : vector<100x128xf32> to vector<100xf32>
    %broadcast_in_dim3A_158 = vector.shape_cast %reduce_max3A_157 : vector<100xf32> to vector<100x1xf32>
    %ge3A_159 = vector.broadcast %broadcast_in_dim3A_158 : vector<100x1xf32> to vector<100x128xf32>
    %ge3A_160 = arith.cmpf oge, %select_n3A_155, %ge3A_159 : vector<100x128xf32>
    %jit3A_161 = arith.constant 1073741824 : i32
    %broadcast_in_dim3A_162 = vector.broadcast %jit3A_161 : i32 to vector<100x128xi32>
    %select_n3A_163 = arith.select %ge3A_160, %iota3A, %broadcast_in_dim3A_162 : vector<100x128xi1>, vector<100x128xi32>
    %reduce_min3A_164 = arith.constant dense<2147483647> : vector<100xi32>
    %reduce_min3A_165 = vector.multi_reduction <minsi>, %select_n3A_163, %reduce_min3A_164 [1] : vector<100x128xi32> to vector<100xi32>
    %broadcast_in_dim3A_166 = vector.shape_cast %reduce_min3A_165 : vector<100xi32> to vector<100x1xi32>
    %add3A_167 = arith.addi %broadcast_in_dim3A_166, %mul3A_4 : vector<100x1xi32>
    %swap3A_168 = arith.constant 0 : index
    %swap3A_169 = arith.constant 8 : index
    %swap3A_170 = vector.load %arg1[%swap3A_168, %swap3A_169] : memref<100x30xi32, #tpu.memory_space<vmem>>, vector<100x1xi32>
    tpu.vector_store %arg1[%swap3A_168, %swap3A_169], %add3A_167 {strides = array<i32>} : memref<100x30xi32, #tpu.memory_space<vmem>>, vector<100x1xi32>,
    %eq3A_171 = vector.broadcast %broadcast_in_dim3A_166 : vector<100x1xi32> to vector<100x128xi32>
    %eq3A_172 = arith.cmpi eq, %iota3A, %eq3A_171 : vector<100x128xi32>
    %jit3A_173 = arith.constant 0xFF800000 : f32
    %broadcast_in_dim3A_174 = vector.broadcast %jit3A_173 : f32 to vector<100x128xf32>
    %select_n3A_175 = arith.select %eq3A_172, %broadcast_in_dim3A_174, %select_n3A_155 : vector<100x128xi1>, vector<100x128xf32>
    %reduce_max3A_176 = arith.constant dense<0xFF800000> : vector<100xf32>
    %reduce_max3A_177 = vector.multi_reduction <maximumf>, %select_n3A_175, %reduce_max3A_176 [1] : vector<100x128xf32> to vector<100xf32>
    %broadcast_in_dim3A_178 = vector.shape_cast %reduce_max3A_177 : vector<100xf32> to vector<100x1xf32>
    %ge3A_179 = vector.broadcast %broadcast_in_dim3A_178 : vector<100x1xf32> to vector<100x128xf32>
    %ge3A_180 = arith.cmpf oge, %select_n3A_175, %ge3A_179 : vector<100x128xf32>
    %jit3A_181 = arith.constant 1073741824 : i32
    %broadcast_in_dim3A_182 = vector.broadcast %jit3A_181 : i32 to vector<100x128xi32>
    %select_n3A_183 = arith.select %ge3A_180, %iota3A, %broadcast_in_dim3A_182 : vector<100x128xi1>, vector<100x128xi32>
    %reduce_min3A_184 = arith.constant dense<2147483647> : vector<100xi32>
    %reduce_min3A_185 = vector.multi_reduction <minsi>, %select_n3A_183, %reduce_min3A_184 [1] : vector<100x128xi32> to vector<100xi32>
    %broadcast_in_dim3A_186 = vector.shape_cast %reduce_min3A_185 : vector<100xi32> to vector<100x1xi32>
    %add3A_187 = arith.addi %broadcast_in_dim3A_186, %mul3A_4 : vector<100x1xi32>
    %swap3A_188 = arith.constant 0 : index
    %swap3A_189 = arith.constant 9 : index
    %swap3A_190 = vector.load %arg1[%swap3A_188, %swap3A_189] : memref<100x30xi32, #tpu.memory_space<vmem>>, vector<100x1xi32>
    tpu.vector_store %arg1[%swap3A_188, %swap3A_189], %add3A_187 {strides = array<i32>} : memref<100x30xi32, #tpu.memory_space<vmem>>, vector<100x1xi32>,
    %eq3A_191 = vector.broadcast %broadcast_in_dim3A_186 : vector<100x1xi32> to vector<100x128xi32>
    %eq3A_192 = arith.cmpi eq, %iota3A, %eq3A_191 : vector<100x128xi32>
    %jit3A_193 = arith.constant 0xFF800000 : f32
    %broadcast_in_dim3A_194 = vector.broadcast %jit3A_193 : f32 to vector<100x128xf32>
    %select_n3A_195 = arith.select %eq3A_192, %broadcast_in_dim3A_194, %select_n3A_175 : vector<100x128xi1>, vector<100x128xf32>
    %reduce_max3A_196 = arith.constant dense<0xFF800000> : vector<100xf32>
    %reduce_max3A_197 = vector.multi_reduction <maximumf>, %select_n3A_195, %reduce_max3A_196 [1] : vector<100x128xf32> to vector<100xf32>
    %broadcast_in_dim3A_198 = vector.shape_cast %reduce_max3A_197 : vector<100xf32> to vector<100x1xf32>
    %ge3A_199 = vector.broadcast %broadcast_in_dim3A_198 : vector<100x1xf32> to vector<100x128xf32>
    %ge3A_200 = arith.cmpf oge, %select_n3A_195, %ge3A_199 : vector<100x128xf32>
    %jit3A_201 = arith.constant 1073741824 : i32
    %broadcast_in_dim3A_202 = vector.broadcast %jit3A_201 : i32 to vector<100x128xi32>
    %select_n3A_203 = arith.select %ge3A_200, %iota3A, %broadcast_in_dim3A_202 : vector<100x128xi1>, vector<100x128xi32>
    %reduce_min3A_204 = arith.constant dense<2147483647> : vector<100xi32>
    %reduce_min3A_205 = vector.multi_reduction <minsi>, %select_n3A_203, %reduce_min3A_204 [1] : vector<100x128xi32> to vector<100xi32>
    %broadcast_in_dim3A_206 = vector.shape_cast %reduce_min3A_205 : vector<100xi32> to vector<100x1xi32>
    %add3A_207 = arith.addi %broadcast_in_dim3A_206, %mul3A_4 : vector<100x1xi32>
    %swap3A_208 = arith.constant 0 : index
    %swap3A_209 = arith.constant 10 : index
    %swap3A_210 = vector.load %arg1[%swap3A_208, %swap3A_209] : memref<100x30xi32, #tpu.memory_space<vmem>>, vector<100x1xi32>
    tpu.vector_store %arg1[%swap3A_208, %swap3A_209], %add3A_207 {strides = array<i32>} : memref<100x30xi32, #tpu.memory_space<vmem>>, vector<100x1xi32>,
    %eq3A_211 = vector.broadcast %broadcast_in_dim3A_206 : vector<100x1xi32> to vector<100x128xi32>
    %eq3A_212 = arith.cmpi eq, %iota3A, %eq3A_211 : vector<100x128xi32>
    %jit3A_213 = arith.constant 0xFF800000 : f32
    %broadcast_in_dim3A_214 = vector.broadcast %jit3A_213 : f32 to vector<100x128xf32>
    %select_n3A_215 = arith.select %eq3A_212, %broadcast_in_dim3A_214, %select_n3A_195 : vector<100x128xi1>, vector<100x128xf32>
    %reduce_max3A_216 = arith.constant dense<0xFF800000> : vector<100xf32>
    %reduce_max3A_217 = vector.multi_reduction <maximumf>, %select_n3A_215, %reduce_max3A_216 [1] : vector<100x128xf32> to vector<100xf32>
    %broadcast_in_dim3A_218 = vector.shape_cast %reduce_max3A_217 : vector<100xf32> to vector<100x1xf32>
    %ge3A_219 = vector.broadcast %broadcast_in_dim3A_218 : vector<100x1xf32> to vector<100x128xf32>
    %ge3A_220 = arith.cmpf oge, %select_n3A_215, %ge3A_219 : vector<100x128xf32>
    %jit3A_221 = arith.constant 1073741824 : i32
    %broadcast_in_dim3A_222 = vector.broadcast %jit3A_221 : i32 to vector<100x128xi32>
    %select_n3A_223 = arith.select %ge3A_220, %iota3A, %broadcast_in_dim3A_222 : vector<100x128xi1>, vector<100x128xi32>
    %reduce_min3A_224 = arith.constant dense<2147483647> : vector<100xi32>
    %reduce_min3A_225 = vector.multi_reduction <minsi>, %select_n3A_223, %reduce_min3A_224 [1] : vector<100x128xi32> to vector<100xi32>
    %broadcast_in_dim3A_226 = vector.shape_cast %reduce_min3A_225 : vector<100xi32> to vector<100x1xi32>
    %add3A_227 = arith.addi %broadcast_in_dim3A_226, %mul3A_4 : vector<100x1xi32>
    %swap3A_228 = arith.constant 0 : index
    %swap3A_229 = arith.constant 11 : index
    %swap3A_230 = vector.load %arg1[%swap3A_228, %swap3A_229] : memref<100x30xi32, #tpu.memory_space<vmem>>, vector<100x1xi32>
    tpu.vector_store %arg1[%swap3A_228, %swap3A_229], %add3A_227 {strides = array<i32>} : memref<100x30xi32, #tpu.memory_space<vmem>>, vector<100x1xi32>,
    %eq3A_231 = vector.broadcast %broadcast_in_dim3A_226 : vector<100x1xi32> to vector<100x128xi32>
    %eq3A_232 = arith.cmpi eq, %iota3A, %eq3A_231 : vector<100x128xi32>
    %jit3A_233 = arith.constant 0xFF800000 : f32
    %broadcast_in_dim3A_234 = vector.broadcast %jit3A_233 : f32 to vector<100x128xf32>
    %select_n3A_235 = arith.select %eq3A_232, %broadcast_in_dim3A_234, %select_n3A_215 : vector<100x128xi1>, vector<100x128xf32>
    %reduce_max3A_236 = arith.constant dense<0xFF800000> : vector<100xf32>
    %reduce_max3A_237 = vector.multi_reduction <maximumf>, %select_n3A_235, %reduce_max3A_236 [1] : vector<100x128xf32> to vector<100xf32>
    %broadcast_in_dim3A_238 = vector.shape_cast %reduce_max3A_237 : vector<100xf32> to vector<100x1xf32>
    %ge3A_239 = vector.broadcast %broadcast_in_dim3A_238 : vector<100x1xf32> to vector<100x128xf32>
    %ge3A_240 = arith.cmpf oge, %select_n3A_235, %ge3A_239 : vector<100x128xf32>
    %jit3A_241 = arith.constant 1073741824 : i32
    %broadcast_in_dim3A_242 = vector.broadcast %jit3A_241 : i32 to vector<100x128xi32>
    %select_n3A_243 = arith.select %ge3A_240, %iota3A, %broadcast_in_dim3A_242 : vector<100x128xi1>, vector<100x128xi32>
    %reduce_min3A_244 = arith.constant dense<2147483647> : vector<100xi32>
    %reduce_min3A_245 = vector.multi_reduction <minsi>, %select_n3A_243, %reduce_min3A_244 [1] : vector<100x128xi32> to vector<100xi32>
    %broadcast_in_dim3A_246 = vector.shape_cast %reduce_min3A_245 : vector<100xi32> to vector<100x1xi32>
    %add3A_247 = arith.addi %broadcast_in_dim3A_246, %mul3A_4 : vector<100x1xi32>
    %swap3A_248 = arith.constant 0 : index
    %swap3A_249 = arith.constant 12 : index
    %swap3A_250 = vector.load %arg1[%swap3A_248, %swap3A_249] : memref<100x30xi32, #tpu.memory_space<vmem>>, vector<100x1xi32>
    tpu.vector_store %arg1[%swap3A_248, %swap3A_249], %add3A_247 {strides = array<i32>} : memref<100x30xi32, #tpu.memory_space<vmem>>, vector<100x1xi32>,
    %eq3A_251 = vector.broadcast %broadcast_in_dim3A_246 : vector<100x1xi32> to vector<100x128xi32>
    %eq3A_252 = arith.cmpi eq, %iota3A, %eq3A_251 : vector<100x128xi32>
    %jit3A_253 = arith.constant 0xFF800000 : f32
    %broadcast_in_dim3A_254 = vector.broadcast %jit3A_253 : f32 to vector<100x128xf32>
    %select_n3A_255 = arith.select %eq3A_252, %broadcast_in_dim3A_254, %select_n3A_235 : vector<100x128xi1>, vector<100x128xf32>
    %reduce_max3A_256 = arith.constant dense<0xFF800000> : vector<100xf32>
    %reduce_max3A_257 = vector.multi_reduction <maximumf>, %select_n3A_255, %reduce_max3A_256 [1] : vector<100x128xf32> to vector<100xf32>
    %broadcast_in_dim3A_258 = vector.shape_cast %reduce_max3A_257 : vector<100xf32> to vector<100x1xf32>
    %ge3A_259 = vector.broadcast %broadcast_in_dim3A_258 : vector<100x1xf32> to vector<100x128xf32>
    %ge3A_260 = arith.cmpf oge, %select_n3A_255, %ge3A_259 : vector<100x128xf32>
    %jit3A_261 = arith.constant 1073741824 : i32
    %broadcast_in_dim3A_262 = vector.broadcast %jit3A_261 : i32 to vector<100x128xi32>
    %select_n3A_263 = arith.select %ge3A_260, %iota3A, %broadcast_in_dim3A_262 : vector<100x128xi1>, vector<100x128xi32>
    %reduce_min3A_264 = arith.constant dense<2147483647> : vector<100xi32>
    %reduce_min3A_265 = vector.multi_reduction <minsi>, %select_n3A_263, %reduce_min3A_264 [1] : vector<100x128xi32> to vector<100xi32>
    %broadcast_in_dim3A_266 = vector.shape_cast %reduce_min3A_265 : vector<100xi32> to vector<100x1xi32>
    %add3A_267 = arith.addi %broadcast_in_dim3A_266, %mul3A_4 : vector<100x1xi32>
    %swap3A_268 = arith.constant 0 : index
    %swap3A_269 = arith.constant 13 : index
    %swap3A_270 = vector.load %arg1[%swap3A_268, %swap3A_269] : memref<100x30xi32, #tpu.memory_space<vmem>>, vector<100x1xi32>
    tpu.vector_store %arg1[%swap3A_268, %swap3A_269], %add3A_267 {strides = array<i32>} : memref<100x30xi32, #tpu.memory_space<vmem>>, vector<100x1xi32>,
    %eq3A_271 = vector.broadcast %broadcast_in_dim3A_266 : vector<100x1xi32> to vector<100x128xi32>
    %eq3A_272 = arith.cmpi eq, %iota3A, %eq3A_271 : vector<100x128xi32>
    %jit3A_273 = arith.constant 0xFF800000 : f32
    %broadcast_in_dim3A_274 = vector.broadcast %jit3A_273 : f32 to vector<100x128xf32>
    %select_n3A_275 = arith.select %eq3A_272, %broadcast_in_dim3A_274, %select_n3A_255 : vector<100x128xi1>, vector<100x128xf32>
    %reduce_max3A_276 = arith.constant dense<0xFF800000> : vector<100xf32>
    %reduce_max3A_277 = vector.multi_reduction <maximumf>, %select_n3A_275, %reduce_max3A_276 [1] : vector<100x128xf32> to vector<100xf32>
    %broadcast_in_dim3A_278 = vector.shape_cast %reduce_max3A_277 : vector<100xf32> to vector<100x1xf32>
    %ge3A_279 = vector.broadcast %broadcast_in_dim3A_278 : vector<100x1xf32> to vector<100x128xf32>
    %ge3A_280 = arith.cmpf oge, %select_n3A_275, %ge3A_279 : vector<100x128xf32>
    %jit3A_281 = arith.constant 1073741824 : i32
    %broadcast_in_dim3A_282 = vector.broadcast %jit3A_281 : i32 to vector<100x128xi32>
    %select_n3A_283 = arith.select %ge3A_280, %iota3A, %broadcast_in_dim3A_282 : vector<100x128xi1>, vector<100x128xi32>
    %reduce_min3A_284 = arith.constant dense<2147483647> : vector<100xi32>
    %reduce_min3A_285 = vector.multi_reduction <minsi>, %select_n3A_283, %reduce_min3A_284 [1] : vector<100x128xi32> to vector<100xi32>
    %broadcast_in_dim3A_286 = vector.shape_cast %reduce_min3A_285 : vector<100xi32> to vector<100x1xi32>
    %add3A_287 = arith.addi %broadcast_in_dim3A_286, %mul3A_4 : vector<100x1xi32>
    %swap3A_288 = arith.constant 0 : index
    %swap3A_289 = arith.constant 14 : index
    %swap3A_290 = vector.load %arg1[%swap3A_288, %swap3A_289] : memref<100x30xi32, #tpu.memory_space<vmem>>, vector<100x1xi32>
    tpu.vector_store %arg1[%swap3A_288, %swap3A_289], %add3A_287 {strides = array<i32>} : memref<100x30xi32, #tpu.memory_space<vmem>>, vector<100x1xi32>,
    %eq3A_291 = vector.broadcast %broadcast_in_dim3A_286 : vector<100x1xi32> to vector<100x128xi32>
    %eq3A_292 = arith.cmpi eq, %iota3A, %eq3A_291 : vector<100x128xi32>
    %jit3A_293 = arith.constant 0xFF800000 : f32
    %broadcast_in_dim3A_294 = vector.broadcast %jit3A_293 : f32 to vector<100x128xf32>
    %select_n3A_295 = arith.select %eq3A_292, %broadcast_in_dim3A_294, %select_n3A_275 : vector<100x128xi1>, vector<100x128xf32>
    %reduce_max3A_296 = arith.constant dense<0xFF800000> : vector<100xf32>
    %reduce_max3A_297 = vector.multi_reduction <maximumf>, %select_n3A_295, %reduce_max3A_296 [1] : vector<100x128xf32> to vector<100xf32>
    %broadcast_in_dim3A_298 = vector.shape_cast %reduce_max3A_297 : vector<100xf32> to vector<100x1xf32>
    %ge3A_299 = vector.broadcast %broadcast_in_dim3A_298 : vector<100x1xf32> to vector<100x128xf32>
    %ge3A_300 = arith.cmpf oge, %select_n3A_295, %ge3A_299 : vector<100x128xf32>
    %jit3A_301 = arith.constant 1073741824 : i32
    %broadcast_in_dim3A_302 = vector.broadcast %jit3A_301 : i32 to vector<100x128xi32>
    %select_n3A_303 = arith.select %ge3A_300, %iota3A, %broadcast_in_dim3A_302 : vector<100x128xi1>, vector<100x128xi32>
    %reduce_min3A_304 = arith.constant dense<2147483647> : vector<100xi32>
    %reduce_min3A_305 = vector.multi_reduction <minsi>, %select_n3A_303, %reduce_min3A_304 [1] : vector<100x128xi32> to vector<100xi32>
    %broadcast_in_dim3A_306 = vector.shape_cast %reduce_min3A_305 : vector<100xi32> to vector<100x1xi32>
    %add3A_307 = arith.addi %broadcast_in_dim3A_306, %mul3A_4 : vector<100x1xi32>
    %swap3A_308 = arith.constant 0 : index
    %swap3A_309 = arith.constant 15 : index
    %swap3A_310 = vector.load %arg1[%swap3A_308, %swap3A_309] : memref<100x30xi32, #tpu.memory_space<vmem>>, vector<100x1xi32>
    tpu.vector_store %arg1[%swap3A_308, %swap3A_309], %add3A_307 {strides = array<i32>} : memref<100x30xi32, #tpu.memory_space<vmem>>, vector<100x1xi32>,
    %eq3A_311 = vector.broadcast %broadcast_in_dim3A_306 : vector<100x1xi32> to vector<100x128xi32>
    %eq3A_312 = arith.cmpi eq, %iota3A, %eq3A_311 : vector<100x128xi32>
    %jit3A_313 = arith.constant 0xFF800000 : f32
    %broadcast_in_dim3A_314 = vector.broadcast %jit3A_313 : f32 to vector<100x128xf32>
    %select_n3A_315 = arith.select %eq3A_312, %broadcast_in_dim3A_314, %select_n3A_295 : vector<100x128xi1>, vector<100x128xf32>
    %reduce_max3A_316 = arith.constant dense<0xFF800000> : vector<100xf32>
    %reduce_max3A_317 = vector.multi_reduction <maximumf>, %select_n3A_315, %reduce_max3A_316 [1] : vector<100x128xf32> to vector<100xf32>
    %broadcast_in_dim3A_318 = vector.shape_cast %reduce_max3A_317 : vector<100xf32> to vector<100x1xf32>
    %ge3A_319 = vector.broadcast %broadcast_in_dim3A_318 : vector<100x1xf32> to vector<100x128xf32>
    %ge3A_320 = arith.cmpf oge, %select_n3A_315, %ge3A_319 : vector<100x128xf32>
    %jit3A_321 = arith.constant 1073741824 : i32
    %broadcast_in_dim3A_322 = vector.broadcast %jit3A_321 : i32 to vector<100x128xi32>
    %select_n3A_323 = arith.select %ge3A_320, %iota3A, %broadcast_in_dim3A_322 : vector<100x128xi1>, vector<100x128xi32>
    %reduce_min3A_324 = arith.constant dense<2147483647> : vector<100xi32>
    %reduce_min3A_325 = vector.multi_reduction <minsi>, %select_n3A_323, %reduce_min3A_324 [1] : vector<100x128xi32> to vector<100xi32>
    %broadcast_in_dim3A_326 = vector.shape_cast %reduce_min3A_325 : vector<100xi32> to vector<100x1xi32>
    %add3A_327 = arith.addi %broadcast_in_dim3A_326, %mul3A_4 : vector<100x1xi32>
    %swap3A_328 = arith.constant 0 : index
    %swap3A_329 = arith.constant 16 : index
    %swap3A_330 = vector.load %arg1[%swap3A_328, %swap3A_329] : memref<100x30xi32, #tpu.memory_space<vmem>>, vector<100x1xi32>
    tpu.vector_store %arg1[%swap3A_328, %swap3A_329], %add3A_327 {strides = array<i32>} : memref<100x30xi32, #tpu.memory_space<vmem>>, vector<100x1xi32>,
    %eq3A_331 = vector.broadcast %broadcast_in_dim3A_326 : vector<100x1xi32> to vector<100x128xi32>
    %eq3A_332 = arith.cmpi eq, %iota3A, %eq3A_331 : vector<100x128xi32>
    %jit3A_333 = arith.constant 0xFF800000 : f32
    %broadcast_in_dim3A_334 = vector.broadcast %jit3A_333 : f32 to vector<100x128xf32>
    %select_n3A_335 = arith.select %eq3A_332, %broadcast_in_dim3A_334, %select_n3A_315 : vector<100x128xi1>, vector<100x128xf32>
    %reduce_max3A_336 = arith.constant dense<0xFF800000> : vector<100xf32>
    %reduce_max3A_337 = vector.multi_reduction <maximumf>, %select_n3A_335, %reduce_max3A_336 [1] : vector<100x128xf32> to vector<100xf32>
    %broadcast_in_dim3A_338 = vector.shape_cast %reduce_max3A_337 : vector<100xf32> to vector<100x1xf32>
    %ge3A_339 = vector.broadcast %broadcast_in_dim3A_338 : vector<100x1xf32> to vector<100x128xf32>
    %ge3A_340 = arith.cmpf oge, %select_n3A_335, %ge3A_339 : vector<100x128xf32>
    %jit3A_341 = arith.constant 1073741824 : i32
    %broadcast_in_dim3A_342 = vector.broadcast %jit3A_341 : i32 to vector<100x128xi32>
    %select_n3A_343 = arith.select %ge3A_340, %iota3A, %broadcast_in_dim3A_342 : vector<100x128xi1>, vector<100x128xi32>
    %reduce_min3A_344 = arith.constant dense<2147483647> : vector<100xi32>
    %reduce_min3A_345 = vector.multi_reduction <minsi>, %select_n3A_343, %reduce_min3A_344 [1] : vector<100x128xi32> to vector<100xi32>
    %broadcast_in_dim3A_346 = vector.shape_cast %reduce_min3A_345 : vector<100xi32> to vector<100x1xi32>
    %add3A_347 = arith.addi %broadcast_in_dim3A_346, %mul3A_4 : vector<100x1xi32>
    %swap3A_348 = arith.constant 0 : index
    %swap3A_349 = arith.constant 17 : index
    %swap3A_350 = vector.load %arg1[%swap3A_348, %swap3A_349] : memref<100x30xi32, #tpu.memory_space<vmem>>, vector<100x1xi32>
    tpu.vector_store %arg1[%swap3A_348, %swap3A_349], %add3A_347 {strides = array<i32>} : memref<100x30xi32, #tpu.memory_space<vmem>>, vector<100x1xi32>,
    %eq3A_351 = vector.broadcast %broadcast_in_dim3A_346 : vector<100x1xi32> to vector<100x128xi32>
    %eq3A_352 = arith.cmpi eq, %iota3A, %eq3A_351 : vector<100x128xi32>
    %jit3A_353 = arith.constant 0xFF800000 : f32
    %broadcast_in_dim3A_354 = vector.broadcast %jit3A_353 : f32 to vector<100x128xf32>
    %select_n3A_355 = arith.select %eq3A_352, %broadcast_in_dim3A_354, %select_n3A_335 : vector<100x128xi1>, vector<100x128xf32>
    %reduce_max3A_356 = arith.constant dense<0xFF800000> : vector<100xf32>
    %reduce_max3A_357 = vector.multi_reduction <maximumf>, %select_n3A_355, %reduce_max3A_356 [1] : vector<100x128xf32> to vector<100xf32>
    %broadcast_in_dim3A_358 = vector.shape_cast %reduce_max3A_357 : vector<100xf32> to vector<100x1xf32>
    %ge3A_359 = vector.broadcast %broadcast_in_dim3A_358 : vector<100x1xf32> to vector<100x128xf32>
    %ge3A_360 = arith.cmpf oge, %select_n3A_355, %ge3A_359 : vector<100x128xf32>
    %jit3A_361 = arith.constant 1073741824 : i32
    %broadcast_in_dim3A_362 = vector.broadcast %jit3A_361 : i32 to vector<100x128xi32>
    %select_n3A_363 = arith.select %ge3A_360, %iota3A, %broadcast_in_dim3A_362 : vector<100x128xi1>, vector<100x128xi32>
    %reduce_min3A_364 = arith.constant dense<2147483647> : vector<100xi32>
    %reduce_min3A_365 = vector.multi_reduction <minsi>, %select_n3A_363, %reduce_min3A_364 [1] : vector<100x128xi32> to vector<100xi32>
    %broadcast_in_dim3A_366 = vector.shape_cast %reduce_min3A_365 : vector<100xi32> to vector<100x1xi32>
    %add3A_367 = arith.addi %broadcast_in_dim3A_366, %mul3A_4 : vector<100x1xi32>
    %swap3A_368 = arith.constant 0 : index
    %swap3A_369 = arith.constant 18 : index
    %swap3A_370 = vector.load %arg1[%swap3A_368, %swap3A_369] : memref<100x30xi32, #tpu.memory_space<vmem>>, vector<100x1xi32>
    tpu.vector_store %arg1[%swap3A_368, %swap3A_369], %add3A_367 {strides = array<i32>} : memref<100x30xi32, #tpu.memory_space<vmem>>, vector<100x1xi32>,
    %eq3A_371 = vector.broadcast %broadcast_in_dim3A_366 : vector<100x1xi32> to vector<100x128xi32>
    %eq3A_372 = arith.cmpi eq, %iota3A, %eq3A_371 : vector<100x128xi32>
    %jit3A_373 = arith.constant 0xFF800000 : f32
    %broadcast_in_dim3A_374 = vector.broadcast %jit3A_373 : f32 to vector<100x128xf32>
    %select_n3A_375 = arith.select %eq3A_372, %broadcast_in_dim3A_374, %select_n3A_355 : vector<100x128xi1>, vector<100x128xf32>
    %reduce_max3A_376 = arith.constant dense<0xFF800000> : vector<100xf32>
    %reduce_max3A_377 = vector.multi_reduction <maximumf>, %select_n3A_375, %reduce_max3A_376 [1] : vector<100x128xf32> to vector<100xf32>
    %broadcast_in_dim3A_378 = vector.shape_cast %reduce_max3A_377 : vector<100xf32> to vector<100x1xf32>
    %ge3A_379 = vector.broadcast %broadcast_in_dim3A_378 : vector<100x1xf32> to vector<100x128xf32>
    %ge3A_380 = arith.cmpf oge, %select_n3A_375, %ge3A_379 : vector<100x128xf32>
    %jit3A_381 = arith.constant 1073741824 : i32
    %broadcast_in_dim3A_382 = vector.broadcast %jit3A_381 : i32 to vector<100x128xi32>
    %select_n3A_383 = arith.select %ge3A_380, %iota3A, %broadcast_in_dim3A_382 : vector<100x128xi1>, vector<100x128xi32>
    %reduce_min3A_384 = arith.constant dense<2147483647> : vector<100xi32>
    %reduce_min3A_385 = vector.multi_reduction <minsi>, %select_n3A_383, %reduce_min3A_384 [1] : vector<100x128xi32> to vector<100xi32>
    %broadcast_in_dim3A_386 = vector.shape_cast %reduce_min3A_385 : vector<100xi32> to vector<100x1xi32>
    %add3A_387 = arith.addi %broadcast_in_dim3A_386, %mul3A_4 : vector<100x1xi32>
    %swap3A_388 = arith.constant 0 : index
    %swap3A_389 = arith.constant 19 : index
    %swap3A_390 = vector.load %arg1[%swap3A_388, %swap3A_389] : memref<100x30xi32, #tpu.memory_space<vmem>>, vector<100x1xi32>
    tpu.vector_store %arg1[%swap3A_388, %swap3A_389], %add3A_387 {strides = array<i32>} : memref<100x30xi32, #tpu.memory_space<vmem>>, vector<100x1xi32>,
    %eq3A_391 = vector.broadcast %broadcast_in_dim3A_386 : vector<100x1xi32> to vector<100x128xi32>
    %eq3A_392 = arith.cmpi eq, %iota3A, %eq3A_391 : vector<100x128xi32>
    %jit3A_393 = arith.constant 0xFF800000 : f32
    %broadcast_in_dim3A_394 = vector.broadcast %jit3A_393 : f32 to vector<100x128xf32>
    %select_n3A_395 = arith.select %eq3A_392, %broadcast_in_dim3A_394, %select_n3A_375 : vector<100x128xi1>, vector<100x128xf32>
    %reduce_max3A_396 = arith.constant dense<0xFF800000> : vector<100xf32>
    %reduce_max3A_397 = vector.multi_reduction <maximumf>, %select_n3A_395, %reduce_max3A_396 [1] : vector<100x128xf32> to vector<100xf32>
    %broadcast_in_dim3A_398 = vector.shape_cast %reduce_max3A_397 : vector<100xf32> to vector<100x1xf32>
    %ge3A_399 = vector.broadcast %broadcast_in_dim3A_398 : vector<100x1xf32> to vector<100x128xf32>
    %ge3A_400 = arith.cmpf oge, %select_n3A_395, %ge3A_399 : vector<100x128xf32>
    %jit3A_401 = arith.constant 1073741824 : i32
    %broadcast_in_dim3A_402 = vector.broadcast %jit3A_401 : i32 to vector<100x128xi32>
    %select_n3A_403 = arith.select %ge3A_400, %iota3A, %broadcast_in_dim3A_402 : vector<100x128xi1>, vector<100x128xi32>
    %reduce_min3A_404 = arith.constant dense<2147483647> : vector<100xi32>
    %reduce_min3A_405 = vector.multi_reduction <minsi>, %select_n3A_403, %reduce_min3A_404 [1] : vector<100x128xi32> to vector<100xi32>
    %broadcast_in_dim3A_406 = vector.shape_cast %reduce_min3A_405 : vector<100xi32> to vector<100x1xi32>
    %add3A_407 = arith.addi %broadcast_in_dim3A_406, %mul3A_4 : vector<100x1xi32>
    %swap3A_408 = arith.constant 0 : index
    %swap3A_409 = arith.constant 20 : index
    %swap3A_410 = vector.load %arg1[%swap3A_408, %swap3A_409] : memref<100x30xi32, #tpu.memory_space<vmem>>, vector<100x1xi32>
    tpu.vector_store %arg1[%swap3A_408, %swap3A_409], %add3A_407 {strides = array<i32>} : memref<100x30xi32, #tpu.memory_space<vmem>>, vector<100x1xi32>,
    %eq3A_411 = vector.broadcast %broadcast_in_dim3A_406 : vector<100x1xi32> to vector<100x128xi32>
    %eq3A_412 = arith.cmpi eq, %iota3A, %eq3A_411 : vector<100x128xi32>
    %jit3A_413 = arith.constant 0xFF800000 : f32
    %broadcast_in_dim3A_414 = vector.broadcast %jit3A_413 : f32 to vector<100x128xf32>
    %select_n3A_415 = arith.select %eq3A_412, %broadcast_in_dim3A_414, %select_n3A_395 : vector<100x128xi1>, vector<100x128xf32>
    %reduce_max3A_416 = arith.constant dense<0xFF800000> : vector<100xf32>
    %reduce_max3A_417 = vector.multi_reduction <maximumf>, %select_n3A_415, %reduce_max3A_416 [1] : vector<100x128xf32> to vector<100xf32>
    %broadcast_in_dim3A_418 = vector.shape_cast %reduce_max3A_417 : vector<100xf32> to vector<100x1xf32>
    %ge3A_419 = vector.broadcast %broadcast_in_dim3A_418 : vector<100x1xf32> to vector<100x128xf32>
    %ge3A_420 = arith.cmpf oge, %select_n3A_415, %ge3A_419 : vector<100x128xf32>
    %jit3A_421 = arith.constant 1073741824 : i32
    %broadcast_in_dim3A_422 = vector.broadcast %jit3A_421 : i32 to vector<100x128xi32>
    %select_n3A_423 = arith.select %ge3A_420, %iota3A, %broadcast_in_dim3A_422 : vector<100x128xi1>, vector<100x128xi32>
    %reduce_min3A_424 = arith.constant dense<2147483647> : vector<100xi32>
    %reduce_min3A_425 = vector.multi_reduction <minsi>, %select_n3A_423, %reduce_min3A_424 [1] : vector<100x128xi32> to vector<100xi32>
    %broadcast_in_dim3A_426 = vector.shape_cast %reduce_min3A_425 : vector<100xi32> to vector<100x1xi32>
    %add3A_427 = arith.addi %broadcast_in_dim3A_426, %mul3A_4 : vector<100x1xi32>
    %swap3A_428 = arith.constant 0 : index
    %swap3A_429 = arith.constant 21 : index
    %swap3A_430 = vector.load %arg1[%swap3A_428, %swap3A_429] : memref<100x30xi32, #tpu.memory_space<vmem>>, vector<100x1xi32>
    tpu.vector_store %arg1[%swap3A_428, %swap3A_429], %add3A_427 {strides = array<i32>} : memref<100x30xi32, #tpu.memory_space<vmem>>, vector<100x1xi32>,
    %eq3A_431 = vector.broadcast %broadcast_in_dim3A_426 : vector<100x1xi32> to vector<100x128xi32>
    %eq3A_432 = arith.cmpi eq, %iota3A, %eq3A_431 : vector<100x128xi32>
    %jit3A_433 = arith.constant 0xFF800000 : f32
    %broadcast_in_dim3A_434 = vector.broadcast %jit3A_433 : f32 to vector<100x128xf32>
    %select_n3A_435 = arith.select %eq3A_432, %broadcast_in_dim3A_434, %select_n3A_415 : vector<100x128xi1>, vector<100x128xf32>
    %reduce_max3A_436 = arith.constant dense<0xFF800000> : vector<100xf32>
    %reduce_max3A_437 = vector.multi_reduction <maximumf>, %select_n3A_435, %reduce_max3A_436 [1] : vector<100x128xf32> to vector<100xf32>
    %broadcast_in_dim3A_438 = vector.shape_cast %reduce_max3A_437 : vector<100xf32> to vector<100x1xf32>
    %ge3A_439 = vector.broadcast %broadcast_in_dim3A_438 : vector<100x1xf32> to vector<100x128xf32>
    %ge3A_440 = arith.cmpf oge, %select_n3A_435, %ge3A_439 : vector<100x128xf32>
    %jit3A_441 = arith.constant 1073741824 : i32
    %broadcast_in_dim3A_442 = vector.broadcast %jit3A_441 : i32 to vector<100x128xi32>
    %select_n3A_443 = arith.select %ge3A_440, %iota3A, %broadcast_in_dim3A_442 : vector<100x128xi1>, vector<100x128xi32>
    %reduce_min3A_444 = arith.constant dense<2147483647> : vector<100xi32>
    %reduce_min3A_445 = vector.multi_reduction <minsi>, %select_n3A_443, %reduce_min3A_444 [1] : vector<100x128xi32> to vector<100xi32>
    %broadcast_in_dim3A_446 = vector.shape_cast %reduce_min3A_445 : vector<100xi32> to vector<100x1xi32>
    %add3A_447 = arith.addi %broadcast_in_dim3A_446, %mul3A_4 : vector<100x1xi32>
    %swap3A_448 = arith.constant 0 : index
    %swap3A_449 = arith.constant 22 : index
    %swap3A_450 = vector.load %arg1[%swap3A_448, %swap3A_449] : memref<100x30xi32, #tpu.memory_space<vmem>>, vector<100x1xi32>
    tpu.vector_store %arg1[%swap3A_448, %swap3A_449], %add3A_447 {strides = array<i32>} : memref<100x30xi32, #tpu.memory_space<vmem>>, vector<100x1xi32>,
    %eq3A_451 = vector.broadcast %broadcast_in_dim3A_446 : vector<100x1xi32> to vector<100x128xi32>
    %eq3A_452 = arith.cmpi eq, %iota3A, %eq3A_451 : vector<100x128xi32>
    %jit3A_453 = arith.constant 0xFF800000 : f32
    %broadcast_in_dim3A_454 = vector.broadcast %jit3A_453 : f32 to vector<100x128xf32>
    %select_n3A_455 = arith.select %eq3A_452, %broadcast_in_dim3A_454, %select_n3A_435 : vector<100x128xi1>, vector<100x128xf32>
    %reduce_max3A_456 = arith.constant dense<0xFF800000> : vector<100xf32>
    %reduce_max3A_457 = vector.multi_reduction <maximumf>, %select_n3A_455, %reduce_max3A_456 [1] : vector<100x128xf32> to vector<100xf32>
    %broadcast_in_dim3A_458 = vector.shape_cast %reduce_max3A_457 : vector<100xf32> to vector<100x1xf32>
    %ge3A_459 = vector.broadcast %broadcast_in_dim3A_458 : vector<100x1xf32> to vector<100x128xf32>
    %ge3A_460 = arith.cmpf oge, %select_n3A_455, %ge3A_459 : vector<100x128xf32>
    %jit3A_461 = arith.constant 1073741824 : i32
    %broadcast_in_dim3A_462 = vector.broadcast %jit3A_461 : i32 to vector<100x128xi32>
    %select_n3A_463 = arith.select %ge3A_460, %iota3A, %broadcast_in_dim3A_462 : vector<100x128xi1>, vector<100x128xi32>
    %reduce_min3A_464 = arith.constant dense<2147483647> : vector<100xi32>
    %reduce_min3A_465 = vector.multi_reduction <minsi>, %select_n3A_463, %reduce_min3A_464 [1] : vector<100x128xi32> to vector<100xi32>
    %broadcast_in_dim3A_466 = vector.shape_cast %reduce_min3A_465 : vector<100xi32> to vector<100x1xi32>
    %add3A_467 = arith.addi %broadcast_in_dim3A_466, %mul3A_4 : vector<100x1xi32>
    %swap3A_468 = arith.constant 0 : index
    %swap3A_469 = arith.constant 23 : index
    %swap3A_470 = vector.load %arg1[%swap3A_468, %swap3A_469] : memref<100x30xi32, #tpu.memory_space<vmem>>, vector<100x1xi32>
    tpu.vector_store %arg1[%swap3A_468, %swap3A_469], %add3A_467 {strides = array<i32>} : memref<100x30xi32, #tpu.memory_space<vmem>>, vector<100x1xi32>,
    %eq3A_471 = vector.broadcast %broadcast_in_dim3A_466 : vector<100x1xi32> to vector<100x128xi32>
    %eq3A_472 = arith.cmpi eq, %iota3A, %eq3A_471 : vector<100x128xi32>
    %jit3A_473 = arith.constant 0xFF800000 : f32
    %broadcast_in_dim3A_474 = vector.broadcast %jit3A_473 : f32 to vector<100x128xf32>
    %select_n3A_475 = arith.select %eq3A_472, %broadcast_in_dim3A_474, %select_n3A_455 : vector<100x128xi1>, vector<100x128xf32>
    %reduce_max3A_476 = arith.constant dense<0xFF800000> : vector<100xf32>
    %reduce_max3A_477 = vector.multi_reduction <maximumf>, %select_n3A_475, %reduce_max3A_476 [1] : vector<100x128xf32> to vector<100xf32>
    %broadcast_in_dim3A_478 = vector.shape_cast %reduce_max3A_477 : vector<100xf32> to vector<100x1xf32>
    %ge3A_479 = vector.broadcast %broadcast_in_dim3A_478 : vector<100x1xf32> to vector<100x128xf32>
    %ge3A_480 = arith.cmpf oge, %select_n3A_475, %ge3A_479 : vector<100x128xf32>
    %jit3A_481 = arith.constant 1073741824 : i32
    %broadcast_in_dim3A_482 = vector.broadcast %jit3A_481 : i32 to vector<100x128xi32>
    %select_n3A_483 = arith.select %ge3A_480, %iota3A, %broadcast_in_dim3A_482 : vector<100x128xi1>, vector<100x128xi32>
    %reduce_min3A_484 = arith.constant dense<2147483647> : vector<100xi32>
    %reduce_min3A_485 = vector.multi_reduction <minsi>, %select_n3A_483, %reduce_min3A_484 [1] : vector<100x128xi32> to vector<100xi32>
    %broadcast_in_dim3A_486 = vector.shape_cast %reduce_min3A_485 : vector<100xi32> to vector<100x1xi32>
    %add3A_487 = arith.addi %broadcast_in_dim3A_486, %mul3A_4 : vector<100x1xi32>
    %swap3A_488 = arith.constant 0 : index
    %swap3A_489 = arith.constant 24 : index
    %swap3A_490 = vector.load %arg1[%swap3A_488, %swap3A_489] : memref<100x30xi32, #tpu.memory_space<vmem>>, vector<100x1xi32>
    tpu.vector_store %arg1[%swap3A_488, %swap3A_489], %add3A_487 {strides = array<i32>} : memref<100x30xi32, #tpu.memory_space<vmem>>, vector<100x1xi32>,
    %eq3A_491 = vector.broadcast %broadcast_in_dim3A_486 : vector<100x1xi32> to vector<100x128xi32>
    %eq3A_492 = arith.cmpi eq, %iota3A, %eq3A_491 : vector<100x128xi32>
    %jit3A_493 = arith.constant 0xFF800000 : f32
    %broadcast_in_dim3A_494 = vector.broadcast %jit3A_493 : f32 to vector<100x128xf32>
    %select_n3A_495 = arith.select %eq3A_492, %broadcast_in_dim3A_494, %select_n3A_475 : vector<100x128xi1>, vector<100x128xf32>
    %reduce_max3A_496 = arith.constant dense<0xFF800000> : vector<100xf32>
    %reduce_max3A_497 = vector.multi_reduction <maximumf>, %select_n3A_495, %reduce_max3A_496 [1] : vector<100x128xf32> to vector<100xf32>
    %broadcast_in_dim3A_498 = vector.shape_cast %reduce_max3A_497 : vector<100xf32> to vector<100x1xf32>
    %ge3A_499 = vector.broadcast %broadcast_in_dim3A_498 : vector<100x1xf32> to vector<100x128xf32>
    %ge3A_500 = arith.cmpf oge, %select_n3A_495, %ge3A_499 : vector<100x128xf32>
    %jit3A_501 = arith.constant 1073741824 : i32
    %broadcast_in_dim3A_502 = vector.broadcast %jit3A_501 : i32 to vector<100x128xi32>
    %select_n3A_503 = arith.select %ge3A_500, %iota3A, %broadcast_in_dim3A_502 : vector<100x128xi1>, vector<100x128xi32>
    %reduce_min3A_504 = arith.constant dense<2147483647> : vector<100xi32>
    %reduce_min3A_505 = vector.multi_reduction <minsi>, %select_n3A_503, %reduce_min3A_504 [1] : vector<100x128xi32> to vector<100xi32>
    %broadcast_in_dim3A_506 = vector.shape_cast %reduce_min3A_505 : vector<100xi32> to vector<100x1xi32>
    %add3A_507 = arith.addi %broadcast_in_dim3A_506, %mul3A_4 : vector<100x1xi32>
    %swap3A_508 = arith.constant 0 : index
    %swap3A_509 = arith.constant 25 : index
    %swap3A_510 = vector.load %arg1[%swap3A_508, %swap3A_509] : memref<100x30xi32, #tpu.memory_space<vmem>>, vector<100x1xi32>
    tpu.vector_store %arg1[%swap3A_508, %swap3A_509], %add3A_507 {strides = array<i32>} : memref<100x30xi32, #tpu.memory_space<vmem>>, vector<100x1xi32>,
    %eq3A_511 = vector.broadcast %broadcast_in_dim3A_506 : vector<100x1xi32> to vector<100x128xi32>
    %eq3A_512 = arith.cmpi eq, %iota3A, %eq3A_511 : vector<100x128xi32>
    %jit3A_513 = arith.constant 0xFF800000 : f32
    %broadcast_in_dim3A_514 = vector.broadcast %jit3A_513 : f32 to vector<100x128xf32>
    %select_n3A_515 = arith.select %eq3A_512, %broadcast_in_dim3A_514, %select_n3A_495 : vector<100x128xi1>, vector<100x128xf32>
    %reduce_max3A_516 = arith.constant dense<0xFF800000> : vector<100xf32>
    %reduce_max3A_517 = vector.multi_reduction <maximumf>, %select_n3A_515, %reduce_max3A_516 [1] : vector<100x128xf32> to vector<100xf32>
    %broadcast_in_dim3A_518 = vector.shape_cast %reduce_max3A_517 : vector<100xf32> to vector<100x1xf32>
    %ge3A_519 = vector.broadcast %broadcast_in_dim3A_518 : vector<100x1xf32> to vector<100x128xf32>
    %ge3A_520 = arith.cmpf oge, %select_n3A_515, %ge3A_519 : vector<100x128xf32>
    %jit3A_521 = arith.constant 1073741824 : i32
    %broadcast_in_dim3A_522 = vector.broadcast %jit3A_521 : i32 to vector<100x128xi32>
    %select_n3A_523 = arith.select %ge3A_520, %iota3A, %broadcast_in_dim3A_522 : vector<100x128xi1>, vector<100x128xi32>
    %reduce_min3A_524 = arith.constant dense<2147483647> : vector<100xi32>
    %reduce_min3A_525 = vector.multi_reduction <minsi>, %select_n3A_523, %reduce_min3A_524 [1] : vector<100x128xi32> to vector<100xi32>
    %broadcast_in_dim3A_526 = vector.shape_cast %reduce_min3A_525 : vector<100xi32> to vector<100x1xi32>
    %add3A_527 = arith.addi %broadcast_in_dim3A_526, %mul3A_4 : vector<100x1xi32>
    %swap3A_528 = arith.constant 0 : index
    %swap3A_529 = arith.constant 26 : index
    %swap3A_530 = vector.load %arg1[%swap3A_528, %swap3A_529] : memref<100x30xi32, #tpu.memory_space<vmem>>, vector<100x1xi32>
    tpu.vector_store %arg1[%swap3A_528, %swap3A_529], %add3A_527 {strides = array<i32>} : memref<100x30xi32, #tpu.memory_space<vmem>>, vector<100x1xi32>,
    %eq3A_531 = vector.broadcast %broadcast_in_dim3A_526 : vector<100x1xi32> to vector<100x128xi32>
    %eq3A_532 = arith.cmpi eq, %iota3A, %eq3A_531 : vector<100x128xi32>
    %jit3A_533 = arith.constant 0xFF800000 : f32
    %broadcast_in_dim3A_534 = vector.broadcast %jit3A_533 : f32 to vector<100x128xf32>
    %select_n3A_535 = arith.select %eq3A_532, %broadcast_in_dim3A_534, %select_n3A_515 : vector<100x128xi1>, vector<100x128xf32>
    %reduce_max3A_536 = arith.constant dense<0xFF800000> : vector<100xf32>
    %reduce_max3A_537 = vector.multi_reduction <maximumf>, %select_n3A_535, %reduce_max3A_536 [1] : vector<100x128xf32> to vector<100xf32>
    %broadcast_in_dim3A_538 = vector.shape_cast %reduce_max3A_537 : vector<100xf32> to vector<100x1xf32>
    %ge3A_539 = vector.broadcast %broadcast_in_dim3A_538 : vector<100x1xf32> to vector<100x128xf32>
    %ge3A_540 = arith.cmpf oge, %select_n3A_535, %ge3A_539 : vector<100x128xf32>
    %jit3A_541 = arith.constant 1073741824 : i32
    %broadcast_in_dim3A_542 = vector.broadcast %jit3A_541 : i32 to vector<100x128xi32>
    %select_n3A_543 = arith.select %ge3A_540, %iota3A, %broadcast_in_dim3A_542 : vector<100x128xi1>, vector<100x128xi32>
    %reduce_min3A_544 = arith.constant dense<2147483647> : vector<100xi32>
    %reduce_min3A_545 = vector.multi_reduction <minsi>, %select_n3A_543, %reduce_min3A_544 [1] : vector<100x128xi32> to vector<100xi32>
    %broadcast_in_dim3A_546 = vector.shape_cast %reduce_min3A_545 : vector<100xi32> to vector<100x1xi32>
    %add3A_547 = arith.addi %broadcast_in_dim3A_546, %mul3A_4 : vector<100x1xi32>
    %swap3A_548 = arith.constant 0 : index
    %swap3A_549 = arith.constant 27 : index
    %swap3A_550 = vector.load %arg1[%swap3A_548, %swap3A_549] : memref<100x30xi32, #tpu.memory_space<vmem>>, vector<100x1xi32>
    tpu.vector_store %arg1[%swap3A_548, %swap3A_549], %add3A_547 {strides = array<i32>} : memref<100x30xi32, #tpu.memory_space<vmem>>, vector<100x1xi32>,
    %eq3A_551 = vector.broadcast %broadcast_in_dim3A_546 : vector<100x1xi32> to vector<100x128xi32>
    %eq3A_552 = arith.cmpi eq, %iota3A, %eq3A_551 : vector<100x128xi32>
    %jit3A_553 = arith.constant 0xFF800000 : f32
    %broadcast_in_dim3A_554 = vector.broadcast %jit3A_553 : f32 to vector<100x128xf32>
    %select_n3A_555 = arith.select %eq3A_552, %broadcast_in_dim3A_554, %select_n3A_535 : vector<100x128xi1>, vector<100x128xf32>
    %reduce_max3A_556 = arith.constant dense<0xFF800000> : vector<100xf32>
    %reduce_max3A_557 = vector.multi_reduction <maximumf>, %select_n3A_555, %reduce_max3A_556 [1] : vector<100x128xf32> to vector<100xf32>
    %broadcast_in_dim3A_558 = vector.shape_cast %reduce_max3A_557 : vector<100xf32> to vector<100x1xf32>
    %ge3A_559 = vector.broadcast %broadcast_in_dim3A_558 : vector<100x1xf32> to vector<100x128xf32>
    %ge3A_560 = arith.cmpf oge, %select_n3A_555, %ge3A_559 : vector<100x128xf32>
    %jit3A_561 = arith.constant 1073741824 : i32
    %broadcast_in_dim3A_562 = vector.broadcast %jit3A_561 : i32 to vector<100x128xi32>
    %select_n3A_563 = arith.select %ge3A_560, %iota3A, %broadcast_in_dim3A_562 : vector<100x128xi1>, vector<100x128xi32>
    %reduce_min3A_564 = arith.constant dense<2147483647> : vector<100xi32>
    %reduce_min3A_565 = vector.multi_reduction <minsi>, %select_n3A_563, %reduce_min3A_564 [1] : vector<100x128xi32> to vector<100xi32>
    %broadcast_in_dim3A_566 = vector.shape_cast %reduce_min3A_565 : vector<100xi32> to vector<100x1xi32>
    %add3A_567 = arith.addi %broadcast_in_dim3A_566, %mul3A_4 : vector<100x1xi32>
    %swap3A_568 = arith.constant 0 : index
    %swap3A_569 = arith.constant 28 : index
    %swap3A_570 = vector.load %arg1[%swap3A_568, %swap3A_569] : memref<100x30xi32, #tpu.memory_space<vmem>>, vector<100x1xi32>
    tpu.vector_store %arg1[%swap3A_568, %swap3A_569], %add3A_567 {strides = array<i32>} : memref<100x30xi32, #tpu.memory_space<vmem>>, vector<100x1xi32>,
    %eq3A_571 = vector.broadcast %broadcast_in_dim3A_566 : vector<100x1xi32> to vector<100x128xi32>
    %eq3A_572 = arith.cmpi eq, %iota3A, %eq3A_571 : vector<100x128xi32>
    %jit3A_573 = arith.constant 0xFF800000 : f32
    %broadcast_in_dim3A_574 = vector.broadcast %jit3A_573 : f32 to vector<100x128xf32>
    %select_n3A_575 = arith.select %eq3A_572, %broadcast_in_dim3A_574, %select_n3A_555 : vector<100x128xi1>, vector<100x128xf32>
    %reduce_max3A_576 = arith.constant dense<0xFF800000> : vector<100xf32>
    %reduce_max3A_577 = vector.multi_reduction <maximumf>, %select_n3A_575, %reduce_max3A_576 [1] : vector<100x128xf32> to vector<100xf32>
    %broadcast_in_dim3A_578 = vector.shape_cast %reduce_max3A_577 : vector<100xf32> to vector<100x1xf32>
    %ge3A_579 = vector.broadcast %broadcast_in_dim3A_578 : vector<100x1xf32> to vector<100x128xf32>
    %ge3A_580 = arith.cmpf oge, %select_n3A_575, %ge3A_579 : vector<100x128xf32>
    %jit3A_581 = arith.constant 1073741824 : i32
    %broadcast_in_dim3A_582 = vector.broadcast %jit3A_581 : i32 to vector<100x128xi32>
    %select_n3A_583 = arith.select %ge3A_580, %iota3A, %broadcast_in_dim3A_582 : vector<100x128xi1>, vector<100x128xi32>
    %reduce_min3A_584 = arith.constant dense<2147483647> : vector<100xi32>
    %reduce_min3A_585 = vector.multi_reduction <minsi>, %select_n3A_583, %reduce_min3A_584 [1] : vector<100x128xi32> to vector<100xi32>
    %broadcast_in_dim3A_586 = vector.shape_cast %reduce_min3A_585 : vector<100xi32> to vector<100x1xi32>
    %add3A_587 = arith.addi %broadcast_in_dim3A_586, %mul3A_4 : vector<100x1xi32>
    %swap3A_588 = arith.constant 0 : index
    %swap3A_589 = arith.constant 29 : index
    %swap3A_590 = vector.load %arg1[%swap3A_588, %swap3A_589] : memref<100x30xi32, #tpu.memory_space<vmem>>, vector<100x1xi32>
    tpu.vector_store %arg1[%swap3A_588, %swap3A_589], %add3A_587 {strides = array<i32>} : memref<100x30xi32, #tpu.memory_space<vmem>>, vector<100x1xi32>,
    return
  }
}

module attributes {stable_mosaic.version = 14 : i64} {
  func.func @_head_body(%arg0: memref<3000x97xf32, #tpu.memory_space<vmem>>, %arg1: memref<97x16xf32, #tpu.memory_space<vmem>>, %arg2: memref<16xf32, #tpu.memory_space<vmem>>, %arg3: memref<5x16x32xf32, #tpu.memory_space<vmem>>, %arg4: memref<32xf32, #tpu.memory_space<vmem>>, %arg5: memref<352x128xf32, #tpu.memory_space<vmem>>, %arg6: memref<128xf32, #tpu.memory_space<vmem>>, %arg7: memref<100x128xf32, #tpu.memory_space<vmem>>) attributes {dimension_semantics = [], scalar_prefetch = 0 : i64, scratch_operands = 0 : i64, tpu.core_type = #tpu.core_type<tc>} {
    %get3A = arith.constant 0 : index
    %get3A_0 = arith.constant 0 : index
    %get3A_1 = vector.load %arg0[%get3A, %get3A_0] : memref<3000x97xf32, #tpu.memory_space<vmem>>, vector<3000x97xf32>
    %get3A_2 = arith.constant 0 : index
    %get3A_3 = arith.constant 0 : index
    %get3A_4 = vector.load %arg1[%get3A_2, %get3A_3] : memref<97x16xf32, #tpu.memory_space<vmem>>, vector<97x16xf32>
    %dot_general3A = arith.constant dense<0.000000e+00> : vector<3000x16xf32>
    %dot_general3A_5 = tpu.matmul %get3A_1, %get3A_4, %dot_general3A {dimension_numbers = #tpu.dot_dimension_numbers<[1], [0], [0], [1], [0, 0, 1, 1], [], []>, transpose_lhs_hint = false} : vector<3000x97xf32>, vector<97x16xf32>, vector<3000x16xf32> -> vector<3000x16xf32>
    %get3A_6 = arith.constant 0 : index
    %get3A_7 = vector.load %arg2[%get3A_6] : memref<16xf32, #tpu.memory_space<vmem>>, vector<16xf32>
    %broadcast_in_dim3A = vector.shape_cast %get3A_7 : vector<16xf32> to vector<1x16xf32>
    %add3A = vector.broadcast %broadcast_in_dim3A : vector<1x16xf32> to vector<3000x16xf32>
    %add3A_8 = arith.addf %dot_general3A_5, %add3A : vector<3000x16xf32>
    %max3A = arith.constant 0.000000e+00 : f32
    %max3A_9 = vector.broadcast %max3A : f32 to vector<3000x16xf32>
    %max3A_10 = arith.maximumf %add3A_8, %max3A_9 : vector<3000x16xf32>
    %reshape3A = vector.shape_cast %max3A_10 : vector<3000x16xf32> to vector<1500x2x16xf32>
    %reduce_max3A = arith.constant dense<0xFF800000> : vector<1500x16xf32>
    %reduce_max3A_11 = vector.multi_reduction <maximumf>, %reshape3A, %reduce_max3A [1] : vector<1500x2x16xf32> to vector<1500x16xf32>
    %reshape3A_12 = vector.shape_cast %reduce_max3A_11 : vector<1500x16xf32> to vector<100x15x16xf32>
    %broadcast_in_dim3A_13 = arith.constant 0.000000e+00 : f32
    %broadcast_in_dim3A_14 = vector.broadcast %broadcast_in_dim3A_13 : f32 to vector<1100x32xf32>
    %slice3A = vector.extract_strided_slice %reshape3A_12 {offsets = [0, 0, 0], sizes = [100, 11, 16], strides = [1, 1, 1]} : vector<100x15x16xf32> to vector<100x11x16xf32>
    %reshape3A_15 = vector.shape_cast %slice3A : vector<100x11x16xf32> to vector<1100x16xf32>
    %get3A_16 = arith.constant 0 : index
    %get3A_17 = arith.constant 0 : index
    %get3A_18 = arith.constant 0 : index
    %get3A_19 = vector.load %arg3[%get3A_16, %get3A_17, %get3A_18] : memref<5x16x32xf32, #tpu.memory_space<vmem>>, vector<1x16x32xf32>
    %get3A_20 = vector.shape_cast %get3A_19 : vector<1x16x32xf32> to vector<16x32xf32>
    %dot_general3A_21 = arith.constant dense<0.000000e+00> : vector<1100x32xf32>
    %dot_general3A_22 = tpu.matmul %reshape3A_15, %get3A_20, %dot_general3A_21 {dimension_numbers = #tpu.dot_dimension_numbers<[1], [0], [0], [1], [0, 0, 1, 1], [], []>, transpose_lhs_hint = false} : vector<1100x16xf32>, vector<16x32xf32>, vector<1100x32xf32> -> vector<1100x32xf32>
    %add3A_23 = arith.addf %broadcast_in_dim3A_14, %dot_general3A_22 : vector<1100x32xf32>
    %slice3A_24 = vector.extract_strided_slice %reshape3A_12 {offsets = [0, 1, 0], sizes = [100, 11, 16], strides = [1, 1, 1]} : vector<100x15x16xf32> to vector<100x11x16xf32>
    %reshape3A_25 = vector.shape_cast %slice3A_24 : vector<100x11x16xf32> to vector<1100x16xf32>
    %get3A_26 = arith.constant 1 : index
    %get3A_27 = arith.constant 0 : index
    %get3A_28 = arith.constant 0 : index
    %get3A_29 = vector.load %arg3[%get3A_26, %get3A_27, %get3A_28] : memref<5x16x32xf32, #tpu.memory_space<vmem>>, vector<1x16x32xf32>
    %get3A_30 = vector.shape_cast %get3A_29 : vector<1x16x32xf32> to vector<16x32xf32>
    %dot_general3A_31 = arith.constant dense<0.000000e+00> : vector<1100x32xf32>
    %dot_general3A_32 = tpu.matmul %reshape3A_25, %get3A_30, %dot_general3A_31 {dimension_numbers = #tpu.dot_dimension_numbers<[1], [0], [0], [1], [0, 0, 1, 1], [], []>, transpose_lhs_hint = false} : vector<1100x16xf32>, vector<16x32xf32>, vector<1100x32xf32> -> vector<1100x32xf32>
    %add3A_33 = arith.addf %add3A_23, %dot_general3A_32 : vector<1100x32xf32>
    %slice3A_34 = vector.extract_strided_slice %reshape3A_12 {offsets = [0, 2, 0], sizes = [100, 11, 16], strides = [1, 1, 1]} : vector<100x15x16xf32> to vector<100x11x16xf32>
    %reshape3A_35 = vector.shape_cast %slice3A_34 : vector<100x11x16xf32> to vector<1100x16xf32>
    %get3A_36 = arith.constant 2 : index
    %get3A_37 = arith.constant 0 : index
    %get3A_38 = arith.constant 0 : index
    %get3A_39 = vector.load %arg3[%get3A_36, %get3A_37, %get3A_38] : memref<5x16x32xf32, #tpu.memory_space<vmem>>, vector<1x16x32xf32>
    %get3A_40 = vector.shape_cast %get3A_39 : vector<1x16x32xf32> to vector<16x32xf32>
    %dot_general3A_41 = arith.constant dense<0.000000e+00> : vector<1100x32xf32>
    %dot_general3A_42 = tpu.matmul %reshape3A_35, %get3A_40, %dot_general3A_41 {dimension_numbers = #tpu.dot_dimension_numbers<[1], [0], [0], [1], [0, 0, 1, 1], [], []>, transpose_lhs_hint = false} : vector<1100x16xf32>, vector<16x32xf32>, vector<1100x32xf32> -> vector<1100x32xf32>
    %add3A_43 = arith.addf %add3A_33, %dot_general3A_42 : vector<1100x32xf32>
    %slice3A_44 = vector.extract_strided_slice %reshape3A_12 {offsets = [0, 3, 0], sizes = [100, 11, 16], strides = [1, 1, 1]} : vector<100x15x16xf32> to vector<100x11x16xf32>
    %reshape3A_45 = vector.shape_cast %slice3A_44 : vector<100x11x16xf32> to vector<1100x16xf32>
    %get3A_46 = arith.constant 3 : index
    %get3A_47 = arith.constant 0 : index
    %get3A_48 = arith.constant 0 : index
    %get3A_49 = vector.load %arg3[%get3A_46, %get3A_47, %get3A_48] : memref<5x16x32xf32, #tpu.memory_space<vmem>>, vector<1x16x32xf32>
    %get3A_50 = vector.shape_cast %get3A_49 : vector<1x16x32xf32> to vector<16x32xf32>
    %dot_general3A_51 = arith.constant dense<0.000000e+00> : vector<1100x32xf32>
    %dot_general3A_52 = tpu.matmul %reshape3A_45, %get3A_50, %dot_general3A_51 {dimension_numbers = #tpu.dot_dimension_numbers<[1], [0], [0], [1], [0, 0, 1, 1], [], []>, transpose_lhs_hint = false} : vector<1100x16xf32>, vector<16x32xf32>, vector<1100x32xf32> -> vector<1100x32xf32>
    %add3A_53 = arith.addf %add3A_43, %dot_general3A_52 : vector<1100x32xf32>
    %slice3A_54 = vector.extract_strided_slice %reshape3A_12 {offsets = [0, 4, 0], sizes = [100, 11, 16], strides = [1, 1, 1]} : vector<100x15x16xf32> to vector<100x11x16xf32>
    %reshape3A_55 = vector.shape_cast %slice3A_54 : vector<100x11x16xf32> to vector<1100x16xf32>
    %get3A_56 = arith.constant 4 : index
    %get3A_57 = arith.constant 0 : index
    %get3A_58 = arith.constant 0 : index
    %get3A_59 = vector.load %arg3[%get3A_56, %get3A_57, %get3A_58] : memref<5x16x32xf32, #tpu.memory_space<vmem>>, vector<1x16x32xf32>
    %get3A_60 = vector.shape_cast %get3A_59 : vector<1x16x32xf32> to vector<16x32xf32>
    %dot_general3A_61 = arith.constant dense<0.000000e+00> : vector<1100x32xf32>
    %dot_general3A_62 = tpu.matmul %reshape3A_55, %get3A_60, %dot_general3A_61 {dimension_numbers = #tpu.dot_dimension_numbers<[1], [0], [0], [1], [0, 0, 1, 1], [], []>, transpose_lhs_hint = false} : vector<1100x16xf32>, vector<16x32xf32>, vector<1100x32xf32> -> vector<1100x32xf32>
    %add3A_63 = arith.addf %add3A_53, %dot_general3A_62 : vector<1100x32xf32>
    %get3A_64 = arith.constant 0 : index
    %get3A_65 = vector.load %arg4[%get3A_64] : memref<32xf32, #tpu.memory_space<vmem>>, vector<32xf32>
    %broadcast_in_dim3A_66 = vector.shape_cast %get3A_65 : vector<32xf32> to vector<1x32xf32>
    %add3A_67 = vector.broadcast %broadcast_in_dim3A_66 : vector<1x32xf32> to vector<1100x32xf32>
    %add3A_68 = arith.addf %add3A_63, %add3A_67 : vector<1100x32xf32>
    %max3A_69 = arith.constant 0.000000e+00 : f32
    %max3A_70 = vector.broadcast %max3A_69 : f32 to vector<1100x32xf32>
    %max3A_71 = arith.maximumf %add3A_68, %max3A_70 : vector<1100x32xf32>
    %reshape3A_72 = vector.shape_cast %max3A_71 : vector<1100x32xf32> to vector<100x11x32xf32>
    %broadcast_in_dim3A_73 = arith.constant 0.000000e+00 : f32
    %broadcast_in_dim3A_74 = vector.broadcast %broadcast_in_dim3A_73 : f32 to vector<100x128xf32>
    %slice3A_75 = vector.extract_strided_slice %reshape3A_72 {offsets = [0, 0, 0], sizes = [100, 1, 32], strides = [1, 1, 1]} : vector<100x11x32xf32> to vector<100x1x32xf32>
    %squeeze3A = vector.shape_cast %slice3A_75 : vector<100x1x32xf32> to vector<100x32xf32>
    %get3A_76 = arith.constant 0 : index
    %get3A_77 = arith.constant 0 : index
    %get3A_78 = vector.load %arg5[%get3A_76, %get3A_77] : memref<352x128xf32, #tpu.memory_space<vmem>>, vector<32x128xf32>
    %dot_general3A_79 = arith.constant dense<0.000000e+00> : vector<100x128xf32>
    %dot_general3A_80 = tpu.matmul %squeeze3A, %get3A_78, %dot_general3A_79 {dimension_numbers = #tpu.dot_dimension_numbers<[1], [0], [0], [1], [0, 0, 1, 1], [], []>, transpose_lhs_hint = false} : vector<100x32xf32>, vector<32x128xf32>, vector<100x128xf32> -> vector<100x128xf32>
    %add3A_81 = arith.addf %broadcast_in_dim3A_74, %dot_general3A_80 : vector<100x128xf32>
    %slice3A_82 = vector.extract_strided_slice %reshape3A_72 {offsets = [0, 1, 0], sizes = [100, 1, 32], strides = [1, 1, 1]} : vector<100x11x32xf32> to vector<100x1x32xf32>
    %squeeze3A_83 = vector.shape_cast %slice3A_82 : vector<100x1x32xf32> to vector<100x32xf32>
    %get3A_84 = arith.constant 32 : index
    %get3A_85 = arith.constant 0 : index
    %get3A_86 = vector.load %arg5[%get3A_84, %get3A_85] : memref<352x128xf32, #tpu.memory_space<vmem>>, vector<32x128xf32>
    %dot_general3A_87 = arith.constant dense<0.000000e+00> : vector<100x128xf32>
    %dot_general3A_88 = tpu.matmul %squeeze3A_83, %get3A_86, %dot_general3A_87 {dimension_numbers = #tpu.dot_dimension_numbers<[1], [0], [0], [1], [0, 0, 1, 1], [], []>, transpose_lhs_hint = false} : vector<100x32xf32>, vector<32x128xf32>, vector<100x128xf32> -> vector<100x128xf32>
    %add3A_89 = arith.addf %add3A_81, %dot_general3A_88 : vector<100x128xf32>
    %slice3A_90 = vector.extract_strided_slice %reshape3A_72 {offsets = [0, 2, 0], sizes = [100, 1, 32], strides = [1, 1, 1]} : vector<100x11x32xf32> to vector<100x1x32xf32>
    %squeeze3A_91 = vector.shape_cast %slice3A_90 : vector<100x1x32xf32> to vector<100x32xf32>
    %get3A_92 = arith.constant 64 : index
    %get3A_93 = arith.constant 0 : index
    %get3A_94 = vector.load %arg5[%get3A_92, %get3A_93] : memref<352x128xf32, #tpu.memory_space<vmem>>, vector<32x128xf32>
    %dot_general3A_95 = arith.constant dense<0.000000e+00> : vector<100x128xf32>
    %dot_general3A_96 = tpu.matmul %squeeze3A_91, %get3A_94, %dot_general3A_95 {dimension_numbers = #tpu.dot_dimension_numbers<[1], [0], [0], [1], [0, 0, 1, 1], [], []>, transpose_lhs_hint = false} : vector<100x32xf32>, vector<32x128xf32>, vector<100x128xf32> -> vector<100x128xf32>
    %add3A_97 = arith.addf %add3A_89, %dot_general3A_96 : vector<100x128xf32>
    %slice3A_98 = vector.extract_strided_slice %reshape3A_72 {offsets = [0, 3, 0], sizes = [100, 1, 32], strides = [1, 1, 1]} : vector<100x11x32xf32> to vector<100x1x32xf32>
    %squeeze3A_99 = vector.shape_cast %slice3A_98 : vector<100x1x32xf32> to vector<100x32xf32>
    %get3A_100 = arith.constant 96 : index
    %get3A_101 = arith.constant 0 : index
    %get3A_102 = vector.load %arg5[%get3A_100, %get3A_101] : memref<352x128xf32, #tpu.memory_space<vmem>>, vector<32x128xf32>
    %dot_general3A_103 = arith.constant dense<0.000000e+00> : vector<100x128xf32>
    %dot_general3A_104 = tpu.matmul %squeeze3A_99, %get3A_102, %dot_general3A_103 {dimension_numbers = #tpu.dot_dimension_numbers<[1], [0], [0], [1], [0, 0, 1, 1], [], []>, transpose_lhs_hint = false} : vector<100x32xf32>, vector<32x128xf32>, vector<100x128xf32> -> vector<100x128xf32>
    %add3A_105 = arith.addf %add3A_97, %dot_general3A_104 : vector<100x128xf32>
    %slice3A_106 = vector.extract_strided_slice %reshape3A_72 {offsets = [0, 4, 0], sizes = [100, 1, 32], strides = [1, 1, 1]} : vector<100x11x32xf32> to vector<100x1x32xf32>
    %squeeze3A_107 = vector.shape_cast %slice3A_106 : vector<100x1x32xf32> to vector<100x32xf32>
    %get3A_108 = arith.constant 128 : index
    %get3A_109 = arith.constant 0 : index
    %get3A_110 = vector.load %arg5[%get3A_108, %get3A_109] : memref<352x128xf32, #tpu.memory_space<vmem>>, vector<32x128xf32>
    %dot_general3A_111 = arith.constant dense<0.000000e+00> : vector<100x128xf32>
    %dot_general3A_112 = tpu.matmul %squeeze3A_107, %get3A_110, %dot_general3A_111 {dimension_numbers = #tpu.dot_dimension_numbers<[1], [0], [0], [1], [0, 0, 1, 1], [], []>, transpose_lhs_hint = false} : vector<100x32xf32>, vector<32x128xf32>, vector<100x128xf32> -> vector<100x128xf32>
    %add3A_113 = arith.addf %add3A_105, %dot_general3A_112 : vector<100x128xf32>
    %slice3A_114 = vector.extract_strided_slice %reshape3A_72 {offsets = [0, 5, 0], sizes = [100, 1, 32], strides = [1, 1, 1]} : vector<100x11x32xf32> to vector<100x1x32xf32>
    %squeeze3A_115 = vector.shape_cast %slice3A_114 : vector<100x1x32xf32> to vector<100x32xf32>
    %get3A_116 = arith.constant 160 : index
    %get3A_117 = arith.constant 0 : index
    %get3A_118 = vector.load %arg5[%get3A_116, %get3A_117] : memref<352x128xf32, #tpu.memory_space<vmem>>, vector<32x128xf32>
    %dot_general3A_119 = arith.constant dense<0.000000e+00> : vector<100x128xf32>
    %dot_general3A_120 = tpu.matmul %squeeze3A_115, %get3A_118, %dot_general3A_119 {dimension_numbers = #tpu.dot_dimension_numbers<[1], [0], [0], [1], [0, 0, 1, 1], [], []>, transpose_lhs_hint = false} : vector<100x32xf32>, vector<32x128xf32>, vector<100x128xf32> -> vector<100x128xf32>
    %add3A_121 = arith.addf %add3A_113, %dot_general3A_120 : vector<100x128xf32>
    %slice3A_122 = vector.extract_strided_slice %reshape3A_72 {offsets = [0, 6, 0], sizes = [100, 1, 32], strides = [1, 1, 1]} : vector<100x11x32xf32> to vector<100x1x32xf32>
    %squeeze3A_123 = vector.shape_cast %slice3A_122 : vector<100x1x32xf32> to vector<100x32xf32>
    %get3A_124 = arith.constant 192 : index
    %get3A_125 = arith.constant 0 : index
    %get3A_126 = vector.load %arg5[%get3A_124, %get3A_125] : memref<352x128xf32, #tpu.memory_space<vmem>>, vector<32x128xf32>
    %dot_general3A_127 = arith.constant dense<0.000000e+00> : vector<100x128xf32>
    %dot_general3A_128 = tpu.matmul %squeeze3A_123, %get3A_126, %dot_general3A_127 {dimension_numbers = #tpu.dot_dimension_numbers<[1], [0], [0], [1], [0, 0, 1, 1], [], []>, transpose_lhs_hint = false} : vector<100x32xf32>, vector<32x128xf32>, vector<100x128xf32> -> vector<100x128xf32>
    %add3A_129 = arith.addf %add3A_121, %dot_general3A_128 : vector<100x128xf32>
    %slice3A_130 = vector.extract_strided_slice %reshape3A_72 {offsets = [0, 7, 0], sizes = [100, 1, 32], strides = [1, 1, 1]} : vector<100x11x32xf32> to vector<100x1x32xf32>
    %squeeze3A_131 = vector.shape_cast %slice3A_130 : vector<100x1x32xf32> to vector<100x32xf32>
    %get3A_132 = arith.constant 224 : index
    %get3A_133 = arith.constant 0 : index
    %get3A_134 = vector.load %arg5[%get3A_132, %get3A_133] : memref<352x128xf32, #tpu.memory_space<vmem>>, vector<32x128xf32>
    %dot_general3A_135 = arith.constant dense<0.000000e+00> : vector<100x128xf32>
    %dot_general3A_136 = tpu.matmul %squeeze3A_131, %get3A_134, %dot_general3A_135 {dimension_numbers = #tpu.dot_dimension_numbers<[1], [0], [0], [1], [0, 0, 1, 1], [], []>, transpose_lhs_hint = false} : vector<100x32xf32>, vector<32x128xf32>, vector<100x128xf32> -> vector<100x128xf32>
    %add3A_137 = arith.addf %add3A_129, %dot_general3A_136 : vector<100x128xf32>
    %slice3A_138 = vector.extract_strided_slice %reshape3A_72 {offsets = [0, 8, 0], sizes = [100, 1, 32], strides = [1, 1, 1]} : vector<100x11x32xf32> to vector<100x1x32xf32>
    %squeeze3A_139 = vector.shape_cast %slice3A_138 : vector<100x1x32xf32> to vector<100x32xf32>
    %get3A_140 = arith.constant 256 : index
    %get3A_141 = arith.constant 0 : index
    %get3A_142 = vector.load %arg5[%get3A_140, %get3A_141] : memref<352x128xf32, #tpu.memory_space<vmem>>, vector<32x128xf32>
    %dot_general3A_143 = arith.constant dense<0.000000e+00> : vector<100x128xf32>
    %dot_general3A_144 = tpu.matmul %squeeze3A_139, %get3A_142, %dot_general3A_143 {dimension_numbers = #tpu.dot_dimension_numbers<[1], [0], [0], [1], [0, 0, 1, 1], [], []>, transpose_lhs_hint = false} : vector<100x32xf32>, vector<32x128xf32>, vector<100x128xf32> -> vector<100x128xf32>
    %add3A_145 = arith.addf %add3A_137, %dot_general3A_144 : vector<100x128xf32>
    %slice3A_146 = vector.extract_strided_slice %reshape3A_72 {offsets = [0, 9, 0], sizes = [100, 1, 32], strides = [1, 1, 1]} : vector<100x11x32xf32> to vector<100x1x32xf32>
    %squeeze3A_147 = vector.shape_cast %slice3A_146 : vector<100x1x32xf32> to vector<100x32xf32>
    %get3A_148 = arith.constant 288 : index
    %get3A_149 = arith.constant 0 : index
    %get3A_150 = vector.load %arg5[%get3A_148, %get3A_149] : memref<352x128xf32, #tpu.memory_space<vmem>>, vector<32x128xf32>
    %dot_general3A_151 = arith.constant dense<0.000000e+00> : vector<100x128xf32>
    %dot_general3A_152 = tpu.matmul %squeeze3A_147, %get3A_150, %dot_general3A_151 {dimension_numbers = #tpu.dot_dimension_numbers<[1], [0], [0], [1], [0, 0, 1, 1], [], []>, transpose_lhs_hint = false} : vector<100x32xf32>, vector<32x128xf32>, vector<100x128xf32> -> vector<100x128xf32>
    %add3A_153 = arith.addf %add3A_145, %dot_general3A_152 : vector<100x128xf32>
    %slice3A_154 = vector.extract_strided_slice %reshape3A_72 {offsets = [0, 10, 0], sizes = [100, 1, 32], strides = [1, 1, 1]} : vector<100x11x32xf32> to vector<100x1x32xf32>
    %squeeze3A_155 = vector.shape_cast %slice3A_154 : vector<100x1x32xf32> to vector<100x32xf32>
    %get3A_156 = arith.constant 320 : index
    %get3A_157 = arith.constant 0 : index
    %get3A_158 = vector.load %arg5[%get3A_156, %get3A_157] : memref<352x128xf32, #tpu.memory_space<vmem>>, vector<32x128xf32>
    %dot_general3A_159 = arith.constant dense<0.000000e+00> : vector<100x128xf32>
    %dot_general3A_160 = tpu.matmul %squeeze3A_155, %get3A_158, %dot_general3A_159 {dimension_numbers = #tpu.dot_dimension_numbers<[1], [0], [0], [1], [0, 0, 1, 1], [], []>, transpose_lhs_hint = false} : vector<100x32xf32>, vector<32x128xf32>, vector<100x128xf32> -> vector<100x128xf32>
    %add3A_161 = arith.addf %add3A_153, %dot_general3A_160 : vector<100x128xf32>
    %get3A_162 = arith.constant 0 : index
    %get3A_163 = vector.load %arg6[%get3A_162] : memref<128xf32, #tpu.memory_space<vmem>>, vector<128xf32>
    %broadcast_in_dim3A_164 = vector.shape_cast %get3A_163 : vector<128xf32> to vector<1x128xf32>
    %add3A_165 = vector.broadcast %broadcast_in_dim3A_164 : vector<1x128xf32> to vector<100x128xf32>
    %add3A_166 = arith.addf %add3A_161, %add3A_165 : vector<100x128xf32>
    %max3A_167 = arith.constant 0.000000e+00 : f32
    %max3A_168 = vector.broadcast %max3A_167 : f32 to vector<100x128xf32>
    %max3A_169 = arith.maximumf %add3A_166, %max3A_168 : vector<100x128xf32>
    %swap3A = arith.constant 0 : index
    %swap3A_170 = arith.constant 0 : index
    %swap3A_171 = vector.load %arg7[%swap3A, %swap3A_170] : memref<100x128xf32, #tpu.memory_space<vmem>>, vector<100x128xf32>
    tpu.vector_store %arg7[%swap3A, %swap3A_170], %max3A_169 {strides = array<i32>} : memref<100x128xf32, #tpu.memory_space<vmem>>, vector<100x128xf32>,
    return
  }
}

</mosaic_0001>

<sc_bundles>
// kernel: gather_offload_async_start.1
scs
__scs_entry_jumppad:
0x0: {  	(pc) =	sbr.rel $0x88, $3  }
0x1: {  	(tag) =	ssettag $0x0;
	lr =	simm.s32 $0x1  }
0x2: {  	[smem:$0x3F91] =	sst lr;
	_ =	strace $0xD0000000  }
0x3: {  	_ = 	snop  }
0x4: {  	_ = 	snop  }
0x5: {  	_ = 	snop  }
0x6: {  	_ = 	snop  }
0x7: {  	_ = 	snop  }
__scs_overlays_trampoline_lowered:
0x8: {  	[smem:$0x3FA0] =	sst s0  }
0x9: {  	[smem:$0x3FA1] =	sst s1  }
0xa: {  	[smem:$0x3FA2] =	sst s2  }
0xb: {  	[smem:$0x3FA3] =	sst s3  }
0xc: {  	[smem:$0x3FA4] =	sst s4  }
0xd: {  	[smem:$0x3FA5] =	sst s5  }
0xe: {  	[smem:$0x3FA6] =	sst s6  }
0xf: {  	[smem:$0x3FA7] =	sst s7  }
0x10: {  	[smem:$0x3FA8] =	sst s8  }
0x11: {  	[smem:$0x3FA9] =	sst s9;
	s0 =	simm.s32 @!p0 $0x0  }
0x12: {  	s1 =	sld [smem:$0x3F8F];
	s0 =	simm.s32 @p0 $0x1  }
0x13: {  	[smem:$0x3FAA] =	sst s0;
	s0 =	simm.s32 @!p1 $0x0  }
0x14: {  	s2 =	sld [smem:$0x3F8E];
	s0 =	simm.s32 @p1 $0x1  }
0x15: {  	[smem:$0x3FAB] =	sst s0;
	s0 =	simm.s32 @!p2 $0x0  }
0x16: {  	s3 =	sld [smem:$0x3FDB];
	s0 =	simm.s32 @p2 $0x1  }
0x17: {  	s4 =	simm.s32 $0x1BF5;
	[smem:$0x3FAD] =	sst s0  }
0x18: {  	s0 =	sld [smem:$0x3F90];
	_ =	swait.ge [sflag:s4], $0x0  }
0x19: {  	s7 =	sld [smem:$0x3F91]  }
0x1a: {  	s8 =	sadd.s32 $0xFFFFE003, lr  }
0x1b: {  	s9 =	sadd.s32 $0xFFFFFEF7, lr;
	s5 =	simm.s32 $0xFFFFFFFF;
	p2 =	slt.u32 s8, $0xFFFFF086  }
0x1c: {  	p1 =	slt.u32 s9, $0xF7A;
	s5 =	simm.s32 @!p2 $0x0  }
0x1d: {  	s5 =	simm.s32 @p1 $0x1;
	p0 =	seq.s32 s7, s2  }
0x1e: {  	s7 =	smul.u32 @!p0 $0xF7A, s2;
	p2 =	seq.s32 @!p0 s5, $0x0  }
0x1f: {  	s9 =	smul.u32 $0xF7A, s1;
	s8 =	simm.s32 @!p0 $0x1BF5;
	p2 =	por !p2, p0  }
0x20: {  	[sflag:s8] =	ssyncset.s32 @!p0 $0xFFFFF086;
	s6 =	sadd.s32 @!p0 s3, s7;
	s7 =	simm.s32 @!p0 $0x108  }
0x21: {  	s3 =	sadd.s32 s3, s9;
	s6 =	sadd.s32 @!p0 $0x88, s6;
	s7 =	simm.s32 @p2 $0x1082  }
0x22: {  	[simem:s7], [sflag:s8] =	dma.local @!p0 [hbm:s6], $0xF7A  }
0x23: {  	s9 =	sor.u32 $0xD0000000, s2;
	s6 =	simm.s32 $0x108;
	_ =	swait.ge @!p0 [sflag:s8], $0x0  }
0x24: {  	s3 =	sadd.s32 $0x88, s3;
	s6 =	simm.s32 @!p1 $0x1082;
	[sflag:s4] =	ssyncset.s32 $0xFFFFF086  }
0x25: {  	[simem:s6], [sflag:s4] =	dma.local [hbm:s3], $0xF7A  }
0x26: {  	[smem:$0x3F91] =	sst s1;
	(tag) =	ssettag s2;
	_ =	strace s9  }
0x27: {  	s1 =	sld [smem:$0x3FA1]  }
0x28: {  	s2 =	sld [smem:$0x3FA2]  }
0x29: {  	s4 =	sld [smem:$0x3FA4]  }
0x2a: {  	p0 =	seq.s32 s5, $0x0;
	s5 =	sld [smem:$0x3FA5]  }
0x2b: {  	s6 =	sld [smem:$0x3FA6]  }
0x2c: {  	s7 =	sld [smem:$0x3FA7]  }
0x2d: {  	s3 =	simm.s32 $0x108;
	s8 =	sld [smem:$0x3FA8]  }
0x2e: {  	s3 =	simm.s32 @!p0 $0x1082;
	s9 =	sld [smem:$0x3FA9]  }
0x2f: {  	lr =	sadd.s32 s0, s3;
	s0 =	sld [smem:$0x3FA0]  }
0x30: {  	s3 =	sld [smem:$0x3FA3]  }
0x31: {  	[smem:$0x3FAC] =	sst s10  }
0x32: {  	s10 =	sld [smem:$0x3FAA];
	_ =	sdelay $0x3  }
0x33: {  	p0 =	seq.s32 s10, $0x1;
	s10 =	sld [smem:$0x3FAC];
	_ =	sdelay $0x3  }
0x34: {  	[smem:$0x3FAC] =	sst s10  }
0x35: {  	s10 =	sld [smem:$0x3FAB];
	_ =	sdelay $0x3  }
0x36: {  	p1 =	seq.s32 s10, $0x1;
	s10 =	sld [smem:$0x3FAC];
	_ =	sdelay $0x3  }
0x37: {  	[smem:$0x3FAC] =	sst s10  }
0x38: {  	s10 =	sld [smem:$0x3FAD]  }
0x39: {  	_ = 	snop;
	(pc) =	sbr.ind lr, $3  }
0x3a: {  	_ = 	snop  }
0x3b: {  	_ = 	snop  }
0x3c: {  	p2 =	seq.s32 s10, $0x1;
	s10 =	sld [smem:$0x3FAC]  }
0x3d: {  	_ =	shalt  }
0x3e: {  	_ =	shalt  }
0x3f: {  	_ =	shalt  }
0x40: {  	_ =	shalt  }
0x41: {  	_ =	shalt  }
0x42: {  	_ =	shalt  }
0x43: {  	_ =	shalt  }
0x44: {  	_ =	shalt  }
0x45: {  	_ =	shalt  }
0x46: {  	_ =	shalt  }
0x47: {  	_ =	shalt  }
0x48: {  	_ =	shalt  }
0x49: {  	_ =	shalt  }
0x4a: {  	_ =	shalt  }
0x4b: {  	_ =	shalt  }
0x4c: {  	_ =	shalt  }
0x4d: {  	_ =	shalt  }
0x4e: {  	_ =	shalt  }
0x4f: {  	_ =	shalt  }
0x50: {  	_ =	shalt  }
0x51: {  	_ =	shalt  }
0x52: {  	_ =	shalt  }
0x53: {  	_ =	shalt  }
0x54: {  	_ =	shalt  }
0x55: {  	_ =	shalt  }
0x56: {  	_ =	shalt  }
0x57: {  	_ =	shalt  }
0x58: {  	_ =	shalt  }
0x59: {  	_ =	shalt  }
0x5a: {  	_ =	shalt  }
0x5b: {  	_ =	shalt  }
0x5c: {  	_ =	shalt  }
0x5d: {  	_ =	shalt  }
0x5e: {  	_ =	shalt  }
0x5f: {  	_ =	shalt  }
0x60: {  	_ =	shalt  }
0x61: {  	_ =	shalt  }
0x62: {  	_ =	shalt  }
0x63: {  	_ =	shalt  }
0x64: {  	_ =	shalt  }
0x65: {  	_ =	shalt  }
0x66: {  	_ =	shalt  }
0x67: {  	_ =	shalt  }
0x68: {  	_ =	shalt  }
0x69: {  	_ =	shalt  }
0x6a: {  	_ =	shalt  }
0x6b: {  	_ =	shalt  }
0x6c: {  	_ =	shalt  }
0x6d: {  	_ =	shalt  }
0x6e: {  	_ =	shalt  }
0x6f: {  	_ =	shalt  }
0x70: {  	_ =	shalt  }
0x71: {  	_ =	shalt  }
0x72: {  	_ =	shalt  }
0x73: {  	_ =	shalt  }
0x74: {  	_ =	shalt  }
0x75: {  	_ =	shalt  }
0x76: {  	_ =	shalt  }
0x77: {  	_ =	shalt  }
0x78: {  	_ =	shalt  }
0x79: {  	_ =	shalt  }
0x7a: {  	_ =	shalt  }
0x7b: {  	_ =	shalt  }
0x7c: {  	_ =	shalt  }
0x7d: {  	_ =	shalt  }
0x7e: {  	_ =	shalt  }
0x7f: {  	_ =	shalt  }
0x80: {  	_ =	shalt  }
0x81: {  	_ =	shalt  }
0x82: {  	_ =	shalt  }
0x83: {  	_ =	shalt  }
0x84: {  	_ =	shalt  }
0x85: {  	_ =	shalt  }
0x86: {  	_ =	shalt  }
0x87: {  	_ =	shalt  }
.Lfunc_end0:
.L_simem_size_0:
called_computation.3_lowered:
.L_overlay_start_0:
0x88: {  	s2 =	sld [smem:$0x3FD9]  }
0x89: {  	s3 =	sld [smem:$0x3FFE];
	_ =	sdelay $0x1  }
0x8a: {  	s1 =	srdreg.scid  }
0x8b: {  	s0 =	sand.u32 $0x1, s1  }
0x8c: {  	s16 =	sshll.u32 s0, $0xA;
	s2 =	sadd.s32 s3, s2  }
0x8d: {  	s2 =	sadd.s32 s2, s16  }
0x8e: {  	[smem:$0x3FB8] =	sst s2  }
0x8f: {  	_ = 	snop  }
0x90: {  	(tm) =	ssettm $0x1  }
0x91: {  	s17 =	sld [smem:$0x3FFB];
	_ =	sdelay $0x3  }
0x92: {  	_ =	strace s17  }
0x93: {  	s2 =	sld [smem:$0x3FFC];
	_ =	sdelay $0x3  }
0x94: {  	_ =	strace s2  }
0x95: {  	s2 =	sld [smem:$0x3FFD];
	_ =	sdelay $0x3  }
0x96: {  	_ =	strace s2  }
0x97: {  	_ =	strace $0x8FFFFFFF  }
0x98: {  	s18 =	sld [smem:$0x3FDB];
	_ =	sdelay $0x1  }
0x99: {  	s19 =	simm.s32 $_scs_section_size  }
0x9a: {  	s4 =	simm.s32 $_size__tile_overlayer_lowered;
	s5 =	simm.s32 $_tile_overlayer_lowered  }
0x9b: {  	s22 =	simm.s32 $0x1BFF;
	s21 =	sshll.u32 s5, $0x1;
	s2 =	sadd.s32 s19, s18  }
0x9c: {  	s6 =	simm.s32 $0x0;
	s20 =	sshll.u32 s4, $0x1;
	s4 =	sadd.s32 s21, s2  }
0x9d: {  	[timem:s6], [sflag:s22] =	dma.local [hbm:s4], s20  }
0x9e: {  	_ =	swait.ge [sflag:s22], s20  }
0x9f: {  	s3 =	ssub.s32 $0x0, s20;
	[sflag:s22] =	ssyncset.done $0x0  }
0xa0: {  	[sflag:s22] =	ssyncadd.s32 s3;
	_ =	sdelay $0x1  }
0xa1: {  	s23 =	simm.s32 $0x1B8B  }
0xa2: {  	_ =	swait.ge [sflag:s23], $0x1  }
0xa3: {  	[sflag:s23] =	ssyncset.done $0x0  }
0xa4: {  	s25 =	simm.s32 $0x1B8E;
	s24 =	sld [smem:$0x3FFE];
	[sflag:s23] =	ssyncadd.s32 $0xFFFFFFFF  }
0xa5: {  	s26 =	simm.s32 $execute0_lowered;
	[smem:$0x3FD2] =	sst s25  }
0xa6: {  	s4 =	sshll.u32 s26, $0x1;
	_ =	strace $0x8000004C;
	[dreg:$0x1] =	wrdreg $0xFFFFFFFF  }
0xa7: {  	s28 =	simm.s32 $_size_execute0_lowered;
	s2 =	sadd.s32 s2, s4;
	[dreg:$0x0] =	wrdreg $0x0  }
0xa8: {  	s4 =	sshll.u32 s28, $0x1;
	[dreg:$0x2] =	wrdreg s2  }
0xa9: {  	[dreg:$0x3] =	wrdreg s4  }
0xaa: {  	[dreg:$0x4] =	wrdreg $0xC0  }
0xab: {  	_ =	task [dreg:s6], $0x5FFFF  }
0xac: {  	[dreg:$0x1] =	wrdreg $0xFFFFFFFF  }
0xad: {  	[dreg:$0x0] =	wrdreg $0x60  }
0xae: {  	[dreg:$0x2] =	wrdreg s24  }
0xaf: {  	[dreg:$0x3] =	wrdreg $0x9  }
0xb0: {  	_ =	task.clear_ibuf [dreg:s6], $0x4FFFF;
	_ =	strace $0x9000004C  }
0xb1: {  	s29 =	simm.s32 $0x9;
	_ =	strace $0x8000004E  }
0xb2: {  	_ =	swait.ge [sflag:s29], $0x1  }
0xb3: {  	[sflag:s29] =	ssyncadd.s32 $0xFFFFFFFF  }
0xb4: {  	_ =	strace $0x9000004E  }
0xb5: {  	_ =	sfence  }
0xb6: {  	s30 =	sld [smem:$0x0];
	_ =	sdelay $0x2  }
0xb7: {  	s31 =	sshll.u32 s1, $0xD;
	s1 =	sshrl.u32 s1, $0x2  }
0xb8: {  	s3 =	sand.u32 $0x4000, s31;
	s1 =	sadd.s32 s1, s30  }
0xb9: {  	s0 =	sor.u32 s3, s0;
	s1 =	sshll.u32 s1, $0x11  }
0xba: {  	s0 =	sor.u32 s1, s0  }
0xbb: {  	s0 =	sadd.s32 $0x8F2B, s0  }
0xbc: {  	[sflag:s0] =	ssyncadd.remote.s32 $0x1  }
0xbd: {  	_ =	sfence.sel $0xFFFF  }
0xbe: {  	[dreg:$0x0] =	wrdreg $0xFFFFFFFF;
	(pc) =	sbr.abs _section_cstart, $3  }
0xbf: {  	[dreg:$0x1] =	wrdreg $0xFFFFFFFF  }
0xc0: {  	_ =	task.clear_ibuf [dreg:s6], $0x2FFFF;
	_ =	strace $0x9FFFFFFF  }
0xc1: {  	(tm) =	ssettm $0x7FFFFFFF  }
tec
execute0_lowered:
.L_overlay_start_1:
0x0: {  	(tag) =	ssettag $0x1  }
0x1: {  	s8 =	rddreg [dreg:$0x0]  }
0x2: {  	s0 =	rddreg [dreg:$0x1];
	_ =	strace $0x8000004D;
	s1 =	stileid.u32  }
0x3: {  	s3 =	srdreg.scid;
	s4 =	simm.s32 $0x1;
	s7 =	simm.s32 $0x1  }
0x4: {  	s9 =	simm.s32 $0x1;
	s10 =	simm.s32 $0x3;
	s13 =	simm.s32 $0x0  }
0x5: {  	s12 =	simm.s32 $0x0;
	s5 =	sand.u32 $0x1, s3;
	s6 =	sshll.u32 s1, $0x1  }
0x6: {  	s2 =	sadd.s32 $0x16800, s8;
	s3 =	sadd.s32 $0x2AE000, s8;
	s5 =	sor.u32 s6, s5  }
.Ltmp0:
0x7: {  	[sflag:s4] =	ssyncpa.u1 $0x0;
	p0 =	slt.u32 s5, $0x9;
	(pc) =	sbr.rel .LBB2_1-.Ltmp0, $4  }
0x8: {  	s6 =	simm.s32 $0x2;
	s7 =	simm.s32 @!p0 $0x0;
	p0 =	sne.s32 s5, $0x8  }
0x9: {  	[sflag:s6] =	ssyncpa.u1 $0x0;
	s5 =	smul.u32 $0x1F40, s5;
	s9 =	simm.s32 @!p0 $0x0  }
0xa: {  	s8 =	sadd.s32 $0x14F000, s8;
	[sflag:s10] =	ssyncpa.u1 $0x0;
	s7 =	sadd.s32 s9, s7  }
0xb: {  	vm0 =	vmmov $0xffff;
	s10 =	simm.s32 $0x0;
	s11 =	smov.u32 s5;
	s9 =	sadd.s32 $0x1, s7  }
.LBB2_4:
0xc: {  	vm2 =	veq.s32 v2, $0x80000000;
	v4 =	vand.u32 $0x1F, v4;
	v5 =	vor.u32 v6, v5  }
0xd: {  	v1 =	vand.u32 $0x7FFFF, v1;
	v7 =	vshrl.u32 v2, $0x13;
	v56 =	vand.u32 $0x7FFFF, v2  }
0xe: {  	v4 =	vsel vm1, $0xFFFFFFFF, v4;
	v3 =	vor.u32 v3, v5;
	v1 =	vsel vm1, $0xFFFFFFFF, v1  }
0xf: {  	vm1 =	vmmov vm2;
	v7 =	vand.u32 $0x1F, v7;
	v54 =	vshrl.u32 v4, $0x3  }
0x10: {  	v4 =	vshll.u32 v4, $0x7;
	v55 =	vshll.u32 v1, $0x3;
	v57 =	vsel vm1, $0xFFFFFFFF, v7  }
0x11: {  	v2 =	vsel vm1, $0xFFFFFFFF, v56;
	v1 =	vand.u32 $0x7F, v1;
	v5 =	vmul.u32 $0x271000, v54  }
0x12: {  	v6 =	vand.u32 $0xFFFFFC00, v55;
	v4 =	vand.u32 $0x380, v4;
	v7 =	vshrl.u32 v57, $0x3  }
0x13: {  	v59 =	vshll.u32 v2, $0x3;
	v58 =	vmul.u32 $0x271000, v7;
	v5 =	vadd.s32 v6, v5  }
0x14: {  	v7 =	vand.u32 $0xFFFFFC00, v59;
	v6 =	vshll.u32 v57, $0x7;
	v4 =	vor.u32 v4, v5  }
0x15: {  	v60 =	vadd.s32 v7, v58;
	v61 =	vand.u32 $0x380, v6;
	v1 =	vor.u32 v1, v4  }
0x16: {  	[tilespmem:s16], [sflag:$0x1] =	stream.indirect_vreg.gather [hbm4b:s2+s10], $0x1, v0, vm0, $0x4038;
	v62 =	vand.u32 $0x7F, v2;
	v63 =	vor.u32 v61, v60;
	[tilespmem:$0x7D00] =	vst v63  }
0x17: {  	(ifvalue) =	ssetifvalue $0x7FFFFFFF;
	v0 =	vor.u32 v62, v63  }
0x18: {  	[tilespmem:s15], [sflag:$0x1] =	stream.indirect_vreg.gather [hbm4b:s2+s10], $0x1, v3, vm0, $0x4038;
	[tilespmem:$0x7D00] =	vst v63  }
0x19: {  	s29 =	sadd.s32 $0x10, s15;
	(ifvalue) =	ssetifvalue $0x7FFFFFFF  }
0x1a: {  	[tilespmem:s29], [sflag:$0x1] =	stream.indirect_vreg.gather [hbm4b:s2+s10], $0x1, v1, vm0, $0x4038;
	[tilespmem:$0x7D00] =	vst v63  }
0x1b: {  	s15 =	sadd.s32 $0x10, s29;
	(ifvalue) =	ssetifvalue $0x7FFFFFFF  }
0x1c: {  	[tilespmem:s15], [sflag:$0x1] =	stream.indirect_vreg.gather [hbm4b:s2+s10], $0x1, v0, vm0, $0x4038;
	[tilespmem:$0x7D00] =	vst v63  }
0x1d: {  	_ =	swait.ge [sflag:s4], $0x1F40  }
0x1e: {  	s30 =	sshrl.u32 s13, $0x3;
	[sflag:s4] =	ssyncset.done $0x0  }
0x1f: {  	s31 =	sand.u32 $0x7, s13;
	s15 =	sadd.s32 s8, s30;
	[sflag:s4] =	ssyncadd.s32 $0xFFFFE0C0  }
0x20: {  	[hbm4b:s15+s31] =	stream.linear.scatter [tilespmem:s14], [sflag:$0x3], $0x1F40, $0x38;
	[tilespmem:$0x7D00] =	vst v63  }
.LBB2_5:
0x21: {  	s15 =	sadd.s32 $0x3E800, s11  }
0x22: {  	p1 =	sgt.s32 s15, $0x4E1FF  }
0x23: {  	s15 =	smov.u32 @p1 s5;
	p1 =	sne.s32 s12, s9  }
.Ltmp1:
0x24: {  	p0 =	slt.u32 s12, $0x2;
	(pc) =	sbr.rel @!p1 .LBB2_6-.Ltmp1, $4  }
0x25: {  	s14 =	simm.s32 @!p0 $0x3  }
0x26: {  	_ =	swait.ge @!p0 [sflag:s14], $0x1F40  }
0x27: {  	s16 =	sadd.s32 $0x1, s12;
	s13 =	smov.u32 s11;
	[sflag:s14] =	ssyncset.done @!p0 $0x0  }
0x28: {  	s12 =	smov.u32 s16;
	s11 =	smov.u32 s15;
	[sflag:s14] =	ssyncadd.s32 @!p0 $0xFFFFE0C0  }
.LBB2_1:
0x29: {  	p0 =	sge.u32 s12, s7  }
0x2a: {  	s14 =	sxor.u32 @!p0 $0x1, s12  }
0x2b: {  	s14 =	smul.u32 @!p0 $0x7D00, s14  }
0x2c: {  	s31 =	sadd.s32 $0xFFFFFFFF, s12;
	s15 =	sshrl.u32 @!p0 s11, $0x3  }
0x2d: {  	s16 =	sand.u32 @!p0 $0x7, s11;
	s15 =	sadd.s32 @!p0 s3, s15;
	s14 =	sshra.s32 @!p0 s14, $0x2  }
0x2e: {  	[tilespmem:s14], [sflag:$0x2] =	stream.linear.gather @!p0 [hbm4b:s15+s16], $0x1F40, $0x38;
	[tilespmem:$0x7D00] =	vst v63  }
0x2f: {  	p0 =	sge.u32 s31, s7  }
.Ltmp2:
0x30: {  	_ = 	snop;
	(pc) =	sbr.rel @p0 .LBB2_5-.Ltmp2, $1  }
0x31: {  	_ =	sdelay $0x3  }
0x32: {  	s14 =	sand.u32 $0x1, s12  }
0x33: {  	_ =	swait.ge [sflag:s6], $0x1F40;
	p0 =	seq.s32 s14, $0x1;
	s14 =	simm.s32 $0x1F40  }
0x34: {  	[sflag:s6] =	ssyncset.done $0x0;
	s14 =	simm.s32 @!p0 $0x0  }
0x35: {  	[sflag:s6] =	ssyncadd.s32 $0xFFFFE0C0;
	(ifvalue) =	ssetifvalue $0x7FFFFFFF;
	v0 =	vld.msk [tilespmem:s14+$0x0 ss:$0x1], $0xffff;
	_ =	sdelay $0x2  }
0x36: {  	s15 =	sadd.s32 $0x10, s14  }
0x37: {  	v2 =	vld.msk [tilespmem:s15+$0x0 ss:$0x1], $0xffff  }
0x38: {  	vm1 =	veq.s32 v0, $0x80000000;
	v1 =	vshrl.u32 v0, $0x13  }
0x39: {  	vm1 =	vmmov vm1;
	v3 =	vand.u32 $0x1F, v1  }
0x3a: {  	v0 =	vand.u32 $0x7FFFF, v0;
	v3 =	vsel vm1, $0xFFFFFFFF, v3  }
0x3b: {  	s15 =	sadd.s32 $0x10, s15;
	v0 =	vsel vm1, $0xFFFFFFFF, v0;
	v4 =	vshrl.u32 v3, $0x3  }
0x3c: {  	v1 =	vld.msk [tilespmem:s15+$0x0 ss:$0x1], $0xffff;
	v6 =	vshrl.u32 v2, $0x13;
	v5 =	vshll.u32 v0, $0x3;
	v4 =	vmul.u32 $0x271000, v4  }
0x3d: {  	vm1 =	veq.s32 v2, $0x80000000;
	v3 =	vshll.u32 v3, $0x7;
	v5 =	vand.u32 $0xFFFFFC00, v5  }
0x3e: {  	v0 =	vand.u32 $0x7F, v0;
	v3 =	vand.u32 $0x380, v3;
	v4 =	vadd.s32 v5, v4  }
0x3f: {  	vm1 =	vmmov vm1;
	v5 =	vand.u32 $0x1F, v6;
	v3 =	vor.u32 v3, v4  }
0x40: {  	v2 =	vand.u32 $0x7FFFF, v2;
	v4 =	vsel vm1, $0xFFFFFFFF, v5;
	v0 =	vor.u32 v0, v3  }
0x41: {  	s15 =	sadd.s32 $0x10, s15;
	vm2 =	veq.s32 v1, $0x80000000;
	v3 =	vsel vm1, $0xFFFFFFFF, v2;
	v2 =	vshrl.u32 v4, $0x3  }
0x42: {  	s14 =	sadd.s32 $0x3E80, s14;
	v6 =	vshll.u32 v4, $0x7;
	v5 =	vmul.u32 $0x271000, v2;
	v4 =	vshll.u32 v3, $0x3;
	v2 =	vld.msk [tilespmem:s15+$0x0 ss:$0x1], $0xffff  }
0x43: {  	s17 =	simm.s32 $0x30;
	s16 =	smov.u32 s14;
	vm1 =	vmmov vm2;
	v3 =	vand.u32 $0x7F, v3;
	v7 =	vand.u32 $0xFFFFFC00, v4  }
0x44: {  	s18 =	sadd.s32 $0x10, s15;
	v6 =	vand.u32 $0x380, v6;
	(ifvalue) =	ssetifvalue $0x7FFFFFFF;
	s15 =	sadd.s32 $0x10, s14;
	v4 =	vshrl.u32 v1, $0x13;
	v5 =	vadd.s32 v7, v5  }
.LBB2_3:
0x45: {  	[tilespmem:s16], [sflag:$0x1] =	stream.indirect_vreg.gather [hbm4b:s2+s10], $0x1, v0, vm0, $0x4038;
	[tilespmem:$0x7D00] =	vst v63  }
0x46: {  	s17 =	sadd.s32 $0x10, s17  }
0x47: {  	vm2 =	veq.s32 v2, $0x80000000;
	v4 =	vand.u32 $0x1F, v4;
	v5 =	vor.u32 v6, v5;
	v6 =	vmovc v2;
	v2 =	vld.msk [tilespmem:s18+$0x0 ss:$0x1], $0xffff;
	p0 =	slt.u32 s17, $0x1F30  }
.Ltmp3:
0x48: {  	v7 =	vand.u32 $0x7FFFF, v1;
	s16 =	smov.u32 s15;
	v4 =	vsel vm1, $0xFFFFFFFF, v4;
	v0 =	vor.u32 v3, v5;
	v1 =	vmovc v6;
	(pc) =	sbr.rel @p0 .LBB2_3-.Ltmp3, $4  }
0x49: {  	v5 =	vsel vm1, $0xFFFFFFFF, v7;
	v6 =	vshrl.u32 v4, $0x3;
	v7 =	vshll.u32 v4, $0x7  }
0x4a: {  	v3 =	vand.u32 $0x7F, v5;
	v4 =	vshll.u32 v5, $0x3;
	v6 =	vmul.u32 $0x271000, v6  }
0x4b: {  	vm1 =	vmmov vm2;
	v5 =	vand.u32 $0xFFFFFC00, v4  }
0x4c: {  	s18 =	sadd.s32 $0x10, s18;
	s15 =	sadd.s32 $0x10, s15;
	v4 =	vshrl.u32 v1, $0x13;
	v5 =	vadd.s32 v5, v6;
	v6 =	vand.u32 $0x380, v7;
	(ifvalue) =	ssetifvalue $0x7FFFFFFF  }
.Ltmp4:
0x4d: {  	_ = 	snop;
	(pc) =	sbr.rel .LBB2_4-.Ltmp4, $1  }
0x4e: {  	_ =	sdelay $0x3  }
.LBB2_6:
0x4f: {  	_ =	sfence.sel $0x180000  }
0x50: {  	s2 =	simm.s32 $0x2;
	[bflag:$0x0] =	sbarrier.arrive $0xFFFF  }
0x51: {  	s30 =	simm.s32 $0x3;
	[sflag:s2] =	ssyncpa.u1 $0x1  }
0x52: {  	s31 =	simm.s32 $0x1;
	[sflag:s30] =	ssyncpa.u1 $0x1  }
0x53: {  	[sflag:s31] =	ssyncpa.u1 $0x1  }
0x54: {  	p0 =	sne.s32 s1, $0x0;
	_ =	strace $0x9000004D  }
0x55: {  	s0 =	sadd.s32 @!p0 $0x100000, s0;
	[bflag:$0x2] =	sbarrier.arrive $0xFFFF  }
0x56: {  	[sflag:s0] =	ssyncadd.tile.s32 @!p0 $0x1;
	_ =	shalt  }
.Lfunc_end2:
_tile_overlayer_lowered:
.L_overlay_start_2:
0x57: {  	(tag) =	ssettag $0x2  }
0x58: {  	s0 =	rddreg [dreg:$0x0];
	s2 =	stileid.u32  }
0x59: {  	s1 =	rddreg [dreg:$0x1];
	p0 =	sne.s32 s2, $0x0  }
0x5a: {  	s3 =	rddreg [dreg:$0x2];
	[bflag:$0x3] =	sbarrier.arrive $0xFFFF;
	s2 =	simm.s32 @!p0 $0x1C01  }
0x5b: {  	[timem:s3], [sflag:s2] =	dma.local @!p0 [hbm:s0], s1  }
0x5c: {  	s0 =	simm.s32 @!p0 $0x1  }
0x5d: {  	_ =	swait.ge @!p0 [sflag:s0], s1  }
0x5e: {  	s1 =	ssub.s32 @!p0 $0x0, s1;
	[sflag:s0] =	ssyncset.done @!p0 $0x0  }
0x5f: {  	[sflag:s0] =	ssyncadd.s32 @!p0 s1  }
0x60: {  	[bflag:$0x3] =	sbarrier.arrive $0xFFFF  }
0x61: {  	_ =	shalt  }

// kernel: gather_offload_async_start
scs
__scs_entry_jumppad:
0x0: {  	(pc) =	sbr.rel $0x88, $3  }
0x1: {  	(tag) =	ssettag $0x0;
	lr =	simm.s32 $0x1  }
0x2: {  	[smem:$0x3F91] =	sst lr;
	_ =	strace $0xD0000000  }
0x3: {  	_ = 	snop  }
0x4: {  	_ = 	snop  }
0x5: {  	_ = 	snop  }
0x6: {  	_ = 	snop  }
0x7: {  	_ = 	snop  }
__scs_overlays_trampoline_lowered:
0x8: {  	[smem:$0x3FA0] =	sst s0  }
0x9: {  	[smem:$0x3FA1] =	sst s1  }
0xa: {  	[smem:$0x3FA2] =	sst s2  }
0xb: {  	[smem:$0x3FA3] =	sst s3  }
0xc: {  	[smem:$0x3FA4] =	sst s4  }
0xd: {  	[smem:$0x3FA5] =	sst s5  }
0xe: {  	[smem:$0x3FA6] =	sst s6  }
0xf: {  	[smem:$0x3FA7] =	sst s7  }
0x10: {  	[smem:$0x3FA8] =	sst s8  }
0x11: {  	[smem:$0x3FA9] =	sst s9;
	s0 =	simm.s32 @!p0 $0x0  }
0x12: {  	s1 =	sld [smem:$0x3F8F];
	s0 =	simm.s32 @p0 $0x1  }
0x13: {  	[smem:$0x3FAA] =	sst s0;
	s0 =	simm.s32 @!p1 $0x0  }
0x14: {  	s2 =	sld [smem:$0x3F8E];
	s0 =	simm.s32 @p1 $0x1  }
0x15: {  	[smem:$0x3FAB] =	sst s0;
	s0 =	simm.s32 @!p2 $0x0  }
0x16: {  	s3 =	sld [smem:$0x3FDB];
	s0 =	simm.s32 @p2 $0x1  }
0x17: {  	s4 =	simm.s32 $0x1BF5;
	[smem:$0x3FAD] =	sst s0  }
0x18: {  	s0 =	sld [smem:$0x3F90];
	_ =	swait.ge [sflag:s4], $0x0  }
0x19: {  	s7 =	sld [smem:$0x3F91]  }
0x1a: {  	s8 =	sadd.s32 $0xFFFFE003, lr  }
0x1b: {  	s9 =	sadd.s32 $0xFFFFFEF7, lr;
	s5 =	simm.s32 $0xFFFFFFFF;
	p2 =	slt.u32 s8, $0xFFFFF086  }
0x1c: {  	p1 =	slt.u32 s9, $0xF7A;
	s5 =	simm.s32 @!p2 $0x0  }
0x1d: {  	s5 =	simm.s32 @p1 $0x1;
	p0 =	seq.s32 s7, s2  }
0x1e: {  	s7 =	smul.u32 @!p0 $0xF7A, s2;
	p2 =	seq.s32 @!p0 s5, $0x0  }
0x1f: {  	s9 =	smul.u32 $0xF7A, s1;
	s8 =	simm.s32 @!p0 $0x1BF5;
	p2 =	por !p2, p0  }
0x20: {  	[sflag:s8] =	ssyncset.s32 @!p0 $0xFFFFF086;
	s6 =	sadd.s32 @!p0 s3, s7;
	s7 =	simm.s32 @!p0 $0x108  }
0x21: {  	s3 =	sadd.s32 s3, s9;
	s6 =	sadd.s32 @!p0 $0x88, s6;
	s7 =	simm.s32 @p2 $0x1082  }
0x22: {  	[simem:s7], [sflag:s8] =	dma.local @!p0 [hbm:s6], $0xF7A  }
0x23: {  	s9 =	sor.u32 $0xD0000000, s2;
	s6 =	simm.s32 $0x108;
	_ =	swait.ge @!p0 [sflag:s8], $0x0  }
0x24: {  	s3 =	sadd.s32 $0x88, s3;
	s6 =	simm.s32 @!p1 $0x1082;
	[sflag:s4] =	ssyncset.s32 $0xFFFFF086  }
0x25: {  	[simem:s6], [sflag:s4] =	dma.local [hbm:s3], $0xF7A  }
0x26: {  	[smem:$0x3F91] =	sst s1;
	(tag) =	ssettag s2;
	_ =	strace s9  }
0x27: {  	s1 =	sld [smem:$0x3FA1]  }
0x28: {  	s2 =	sld [smem:$0x3FA2]  }
0x29: {  	s4 =	sld [smem:$0x3FA4]  }
0x2a: {  	p0 =	seq.s32 s5, $0x0;
	s5 =	sld [smem:$0x3FA5]  }
0x2b: {  	s6 =	sld [smem:$0x3FA6]  }
0x2c: {  	s7 =	sld [smem:$0x3FA7]  }
0x2d: {  	s3 =	simm.s32 $0x108;
	s8 =	sld [smem:$0x3FA8]  }
0x2e: {  	s3 =	simm.s32 @!p0 $0x1082;
	s9 =	sld [smem:$0x3FA9]  }
0x2f: {  	lr =	sadd.s32 s0, s3;
	s0 =	sld [smem:$0x3FA0]  }
0x30: {  	s3 =	sld [smem:$0x3FA3]  }
0x31: {  	[smem:$0x3FAC] =	sst s10  }
0x32: {  	s10 =	sld [smem:$0x3FAA];
	_ =	sdelay $0x3  }
0x33: {  	p0 =	seq.s32 s10, $0x1;
	s10 =	sld [smem:$0x3FAC];
	_ =	sdelay $0x3  }
0x34: {  	[smem:$0x3FAC] =	sst s10  }
0x35: {  	s10 =	sld [smem:$0x3FAB];
	_ =	sdelay $0x3  }
0x36: {  	p1 =	seq.s32 s10, $0x1;
	s10 =	sld [smem:$0x3FAC];
	_ =	sdelay $0x3  }
0x37: {  	[smem:$0x3FAC] =	sst s10  }
0x38: {  	s10 =	sld [smem:$0x3FAD]  }
0x39: {  	_ = 	snop;
	(pc) =	sbr.ind lr, $3  }
0x3a: {  	_ = 	snop  }
0x3b: {  	_ = 	snop  }
0x3c: {  	p2 =	seq.s32 s10, $0x1;
	s10 =	sld [smem:$0x3FAC]  }
0x3d: {  	_ =	shalt  }
0x3e: {  	_ =	shalt  }
0x3f: {  	_ =	shalt  }
0x40: {  	_ =	shalt  }
0x41: {  	_ =	shalt  }
0x42: {  	_ =	shalt  }
0x43: {  	_ =	shalt  }
0x44: {  	_ =	shalt  }
0x45: {  	_ =	shalt  }
0x46: {  	_ =	shalt  }
0x47: {  	_ =	shalt  }
0x48: {  	_ =	shalt  }
0x49: {  	_ =	shalt  }
0x4a: {  	_ =	shalt  }
0x4b: {  	_ =	shalt  }
0x4c: {  	_ =	shalt  }
0x4d: {  	_ =	shalt  }
0x4e: {  	_ =	shalt  }
0x4f: {  	_ =	shalt  }
0x50: {  	_ =	shalt  }
0x51: {  	_ =	shalt  }
0x52: {  	_ =	shalt  }
0x53: {  	_ =	shalt  }
0x54: {  	_ =	shalt  }
0x55: {  	_ =	shalt  }
0x56: {  	_ =	shalt  }
0x57: {  	_ =	shalt  }
0x58: {  	_ =	shalt  }
0x59: {  	_ =	shalt  }
0x5a: {  	_ =	shalt  }
0x5b: {  	_ =	shalt  }
0x5c: {  	_ =	shalt  }
0x5d: {  	_ =	shalt  }
0x5e: {  	_ =	shalt  }
0x5f: {  	_ =	shalt  }
0x60: {  	_ =	shalt  }
0x61: {  	_ =	shalt  }
0x62: {  	_ =	shalt  }
0x63: {  	_ =	shalt  }
0x64: {  	_ =	shalt  }
0x65: {  	_ =	shalt  }
0x66: {  	_ =	shalt  }
0x67: {  	_ =	shalt  }
0x68: {  	_ =	shalt  }
0x69: {  	_ =	shalt  }
0x6a: {  	_ =	shalt  }
0x6b: {  	_ =	shalt  }
0x6c: {  	_ =	shalt  }
0x6d: {  	_ =	shalt  }
0x6e: {  	_ =	shalt  }
0x6f: {  	_ =	shalt  }
0x70: {  	_ =	shalt  }
0x71: {  	_ =	shalt  }
0x72: {  	_ =	shalt  }
0x73: {  	_ =	shalt  }
0x74: {  	_ =	shalt  }
0x75: {  	_ =	shalt  }
0x76: {  	_ =	shalt  }
0x77: {  	_ =	shalt  }
0x78: {  	_ =	shalt  }
0x79: {  	_ =	shalt  }
0x7a: {  	_ =	shalt  }
0x7b: {  	_ =	shalt  }
0x7c: {  	_ =	shalt  }
0x7d: {  	_ =	shalt  }
0x7e: {  	_ =	shalt  }
0x7f: {  	_ =	shalt  }
0x80: {  	_ =	shalt  }
0x81: {  	_ =	shalt  }
0x82: {  	_ =	shalt  }
0x83: {  	_ =	shalt  }
0x84: {  	_ =	shalt  }
0x85: {  	_ =	shalt  }
0x86: {  	_ =	shalt  }
0x87: {  	_ =	shalt  }
.Lfunc_end0:
.L_simem_size_0:
called_computation.2_lowered:
.L_overlay_start_0:
0x88: {  	s0 =	sld [smem:$0x3FD9]  }
0x89: {  	s1 =	sld [smem:$0x3FFE];
	_ =	sdelay $0x3  }
0x8a: {  	s0 =	sadd.s32 s1, s0  }
0x8b: {  	[smem:$0x3FB8] =	sst s0  }
0x8c: {  	_ = 	snop  }
0x8d: {  	s0 =	sld [smem:$0x3FD0];
	(tm) =	ssettm $0x1  }
0x8e: {  	s16 =	sld [smem:$0x3FFB];
	_ =	sdelay $0x3  }
0x8f: {  	_ =	strace s16  }
0x90: {  	s1 =	sld [smem:$0x3FFC];
	_ =	sdelay $0x3  }
0x91: {  	_ =	strace s1  }
0x92: {  	s1 =	sld [smem:$0x3FFD];
	_ =	sdelay $0x3  }
0x93: {  	_ =	strace s1  }
0x94: {  	_ =	strace $0x8FFFFFFF  }
0x95: {  	s17 =	sld [smem:$0x3FDB];
	_ =	sdelay $0x1  }
0x96: {  	s2 =	simm.s32 $_scs_section_size  }
0x97: {  	s3 =	simm.s32 $_size__tile_overlayer_lowered;
	s4 =	simm.s32 $_tile_overlayer_lowered  }
0x98: {  	s20 =	simm.s32 $0x1BFF;
	s19 =	sshll.u32 s4, $0x1;
	s1 =	sadd.s32 s2, s17  }
0x99: {  	s5 =	simm.s32 $0x0;
	s18 =	sshll.u32 s3, $0x1;
	s3 =	sadd.s32 s19, s1  }
0x9a: {  	[timem:s5], [sflag:s20] =	dma.local [hbm:s3], s18  }
0x9b: {  	_ =	swait.ge [sflag:s20], s18  }
0x9c: {  	s2 =	ssub.s32 $0x0, s18;
	[sflag:s20] =	ssyncset.done $0x0  }
0x9d: {  	[sflag:s20] =	ssyncadd.s32 s2;
	_ =	sdelay $0x1  }
0x9e: {  	s21 =	simm.s32 $0x1B8B  }
0x9f: {  	_ =	swait.ge [sflag:s21], $0x1  }
0xa0: {  	[sflag:s21] =	ssyncset.done $0x0  }
0xa1: {  	s23 =	simm.s32 $0x1B8E;
	s22 =	sld [smem:$0x3FFE];
	[sflag:s21] =	ssyncadd.s32 $0xFFFFFFFF  }
0xa2: {  	s24 =	simm.s32 $execute0_lowered;
	[smem:$0x3FD2] =	sst s23  }
0xa3: {  	s3 =	sshll.u32 s24, $0x1;
	_ =	strace $0x8000005B;
	[dreg:$0x1] =	wrdreg $0xFFFFFFFF  }
0xa4: {  	s25 =	simm.s32 $_size_execute0_lowered;
	s1 =	sadd.s32 s1, s3;
	[dreg:$0x0] =	wrdreg $0x0  }
0xa5: {  	s3 =	sshll.u32 s25, $0x1;
	[dreg:$0x2] =	wrdreg s1  }
0xa6: {  	[dreg:$0x3] =	wrdreg s3  }
0xa7: {  	[dreg:$0x4] =	wrdreg $0xC0  }
0xa8: {  	_ =	task [dreg:s5], $0x5FFFF  }
0xa9: {  	[dreg:$0x1] =	wrdreg $0xFFFFFFFF  }
0xaa: {  	[dreg:$0x0] =	wrdreg $0x60  }
0xab: {  	[dreg:$0x2] =	wrdreg s22  }
0xac: {  	[dreg:$0x3] =	wrdreg s0  }
0xad: {  	[dreg:$0x4] =	wrdreg $0x9  }
0xae: {  	_ =	task.clear_ibuf [dreg:s5], $0x5FFFF;
	_ =	strace $0x9000005B  }
0xaf: {  	s26 =	simm.s32 $0x9;
	_ =	strace $0x8000005D  }
0xb0: {  	_ =	swait.ge [sflag:s26], $0x1  }
0xb1: {  	[sflag:s26] =	ssyncadd.s32 $0xFFFFFFFF  }
0xb2: {  	_ =	strace $0x9000005D  }
0xb3: {  	_ =	sfence  }
0xb4: {  	s28 =	sld [smem:$0x0];
	_ =	sdelay $0x1  }
0xb5: {  	s29 =	srdreg.scid  }
0xb6: {  	s30 =	sshll.u32 s29, $0xD;
	s31 =	sshrl.u32 s29, $0x2  }
0xb7: {  	s2 =	sand.u32 $0x4000, s30;
	s1 =	sand.u32 $0x1, s29;
	s0 =	sadd.s32 s31, s28  }
0xb8: {  	s1 =	sor.u32 s2, s1;
	s0 =	sshll.u32 s0, $0x11  }
0xb9: {  	s0 =	sor.u32 s0, s1  }
0xba: {  	s0 =	sadd.s32 $0x8F2B, s0  }
0xbb: {  	[sflag:s0] =	ssyncadd.remote.s32 $0x1  }
0xbc: {  	_ =	sfence.sel $0xFFFF  }
0xbd: {  	[dreg:$0x0] =	wrdreg $0xFFFFFFFF;
	(pc) =	sbr.abs _section_cstart, $3  }
0xbe: {  	[dreg:$0x1] =	wrdreg $0xFFFFFFFF  }
0xbf: {  	_ =	task.clear_ibuf [dreg:s5], $0x2FFFF;
	_ =	strace $0x9FFFFFFF  }
0xc0: {  	(tm) =	ssettm $0x7FFFFFFF  }
0xc1: {  	_ =	shalt  }
tec
execute0_lowered:
.L_overlay_start_1:
0x0: {  	(tag) =	ssettag $0x1  }
0x1: {  	s0 =	stileid.u32  }
0x2: {  	s1 =	smin.u32 s0, $0x9  }
0x3: {  	s1 =	sadd.s32 s0, s1  }
0x4: {  	s2 =	simm.s32 $0xF0;
	p0 =	slt.u32 s0, $0x9;
	s1 =	smul.u32 $0x78, s1  }
0x5: {  	s2 =	simm.s32 @!p0 $0x78  }
0x6: {  	s2 =	sadd.s32 s2, s1  }
0x7: {  	s3 =	smin.u32 s2, $0xBB8  }
0x8: {  	s7 =	ssub.s32 s3, s1  }
0x9: {  	p0 =	sgt.s32 s7, $0x0  }
0xa: {  	s7 =	simm.s32 @!p0 $0x0  }
0xb: {  	s9 =	rddreg [dreg:$0x0];
	s31 =	smul.u32 $0x8889, s7  }
0xc: {  	s4 =	rddreg [dreg:$0x1];
	s6 =	simm.s32 $0x1  }
0xd: {  	s11 =	simm.s32 $0x3;
	s13 =	simm.s32 $0x0;
	s8 =	sshrl.u32 s31, $0x16  }
0xe: {  	s12 =	simm.s32 $0x0;
	s5 =	sadd.s32 $0x2C00, s9;
	s10 =	smul.u32 $0x78, s8  }
.Ltmp0:
0xf: {  	s9 =	sadd.s32 $0x29E00, s9;
	s2 =	rddreg [dreg:$0x2];
	(pc) =	sbr.rel .LBB2_1-.Ltmp0, $4  }
0x10: {  	_ =	strace $0x8000005C;
	p0 =	sne.s32 s7, s10;
	s10 =	simm.s32 $0x1  }
0x11: {  	[sflag:s6] =	ssyncpa.u1 $0x0;
	s7 =	simm.s32 $0x2;
	s10 =	simm.s32 @!p0 $0x0  }
0x12: {  	[sflag:s7] =	ssyncpa.u1 $0x0;
	p0 =	por $0x0, $0x0;
	s8 =	sadd.s32 s8, s10  }
0x13: {  	vm0 =	vmmov $0xff;
	vm1 =	vcmask $0x3F20;
	[sflag:s11] =	ssyncpa.u1 $0x0;
	s11 =	smov.u32 s1;
	s10 =	sadd.s32 $0x1, s8  }
.LBB2_6:
0x14: {  	[hbm:s17] =	stream.linear.scatter [tilespmem:s14], [sflag:$0x3], $0x400, $0x38;
	[tilespmem:$0x78F0] =	vst v63  }
.LBB2_7:
0x15: {  	s13 =	sadd.s32 $0x78, s11  }
0x16: {  	s15 =	smov.u32 s1;
	p2 =	slt.s32 s13, s3  }
0x17: {  	s15 =	smov.u32 @p2 s13;
	p2 =	sne.s32 s12, s10  }
.Ltmp1:
0x18: {  	p1 =	slt.u32 s12, $0x2;
	(pc) =	sbr.rel @!p2 .LBB2_8-.Ltmp1, $4  }
0x19: {  	s14 =	simm.s32 @!p1 $0x3  }
0x1a: {  	s16 =	sadd.s32 $0x1, s12;
	_ =	swait.ge @!p1 [sflag:s14], $0x3C00  }
0x1b: {  	p0 =	por !p0, !p0;
	s13 =	smov.u32 s11;
	[sflag:s14] =	ssyncset.done @!p1 $0x0  }
0x1c: {  	s12 =	smov.u32 s16;
	s11 =	smov.u32 s15;
	[sflag:s14] =	ssyncadd.s32 @!p1 $0xFFFFC400  }
.LBB2_1:
0x1d: {  	p1 =	sge.u32 s12, s8  }
0x1e: {  	s14 =	sxor.u32 @!p1 $0xFFFFFFFF, s12  }
0x1f: {  	s14 =	sand.u32 @!p1 $0x1, s14  }
0x20: {  	s14 =	smul.u32 @!p1 $0x1E0, s14  }
0x21: {  	s31 =	sadd.s32 $0xFFFFFFFF, s12;
	s15 =	sshrl.u32 @!p1 s11, $0x3  }
0x22: {  	s16 =	sand.u32 @!p1 $0x7, s11;
	s15 =	sadd.s32 @!p1 s4, s15;
	s14 =	sshrl.u32 @!p1 s14, $0x2  }
0x23: {  	[tilespmem:s14], [sflag:$0x2] =	stream.linear.gather @!p1 [hbm4b:s15+s16], $0x78, $0x38;
	[tilespmem:$0x78F0] =	vst v63  }
0x24: {  	p1 =	sge.u32 s31, s8  }
.Ltmp2:
0x25: {  	_ = 	snop;
	(pc) =	sbr.rel @p1 .LBB2_7-.Ltmp2, $1  }
0x26: {  	_ =	sdelay $0x3  }
0x27: {  	s14 =	simm.s32 $0x1  }
0x28: {  	s14 =	simm.s32 @!p0 $0x0  }
0x29: {  	s15 =	smul.u32 $0x1E0, s14  }
0x2a: {  	_ =	swait.ge [sflag:s7], $0x78  }
0x2b: {  	[sflag:s7] =	ssyncset.done $0x0;
	s16 =	sshrl.u32 s15, $0x2  }
0x2c: {  	[sflag:s7] =	ssyncadd.s32 $0xFFFFFF88;
	s15 =	sadd.s32 $0x0, s16  }
0x2d: {  	v0 =	vld.msk [tilespmem:s15+$0x0 ss:$0x1], $0xffff;
	_ =	sdelay $0x4  }
0x2e: {  	vm2 =	vgt.s32 v0, $0x0  }
0x2f: {  	v0 =	vnsel vm2, $0x0, v0  }
0x30: {  	v0 =	vmin.u32 v0, $0x270F  }
0x31: {  	v0 =	vshll.u32 v0, $0x4  }
0x32: {  	s14 =	smul.u32 $0xF000, s14  }
0x33: {  	s31 =	sand.u32 $0x1, s12  }
0x34: {  	s17 =	smul.u32 $0x1E0, s31;
	s14 =	sshrl.u32 s14, $0x2  }
0x35: {  	s19 =	smul.u32 $0xF000, s31;
	s14 =	sor.u32 $0xF0, s14  }
0x36: {  	[tilespmem:s14], [sflag:$0x1] =	stream.indirect_vreg.gather [hbm:s5], $0x80, v0, vm0, $0x38;
	[tilespmem:$0x78F0] =	vst v63  }
0x37: {  	s18 =	sshrl.u32 s17, $0x2;
	s20 =	sadd.s32 $0x10, s16;
	s15 =	sadd.s32 $0x400, s14  }
0x38: {  	[tilespmem:s15], [sflag:$0x1] =	stream.indirect_vreg.gather [hbm:s5], $0x80, v0, vm1, $0x38;
	[tilespmem:$0x78F0] =	vst v63  }
0x39: {  	s17 =	sshrl.u32 s19, $0x2;
	s19 =	smov.u32 s14;
	v0 =	vld.msk [tilespmem:s20+$0x0 ss:$0x1], $0xffff;
	s20 =	simm.s32 $0x80  }
.LBB2_3:
0x3a: {  	p1 =	sne.s32 s20, $0x180;
	_ =	sdelay $0x4  }
0x3b: {  	vm2 =	vgt.s32 v0, $0x0  }
0x3c: {  	v0 =	vnsel vm2, $0x0, v0  }
0x3d: {  	v0 =	vmin.u32 v0, $0x270F  }
0x3e: {  	v0 =	vshll.u32 v0, $0x4;
	_ =	sdelay $0x3  }
.Ltmp3:
0x3f: {  	s21 =	sshra.s32 s20, $0x2;
	s19 =	sadd.s32 $0x800, s19;
	(pc) =	sbr.rel @p1 .LBB2_3-.Ltmp3, $4  }
0x40: {  	[tilespmem:s19], [sflag:$0x1] =	stream.indirect_vreg.gather [hbm:s5], $0x80, v0, vm0, $0x38;
	[tilespmem:$0x78F0] =	vst v63  }
0x41: {  	s21 =	sadd.s32 s21, s16;
	s22 =	sadd.s32 $0x400, s19  }
0x42: {  	[tilespmem:s22], [sflag:$0x1] =	stream.indirect_vreg.gather [hbm:s5], $0x80, v0, vm1, $0x38;
	[tilespmem:$0x78F0] =	vst v63  }
0x43: {  	s20 =	sadd.s32 $0x40, s20;
	v0 =	vld.msk [tilespmem:s21+$0x0 ss:$0x1], $0xffff  }
0x44: {  	_ =	sdelay $0x3  }
0x45: {  	vm2 =	vgt.s32 v0, $0x0  }
0x46: {  	v0 =	vnsel vm2, $0x0, v0  }
0x47: {  	v0 =	vmin.u32 v0, $0x270F  }
0x48: {  	v0 =	vshll.u32 v0, $0x4;
	_ =	sdelay $0x3  }
0x49: {  	s16 =	sadd.s32 $0x800, s19  }
0x4a: {  	[tilespmem:s16], [sflag:$0x1] =	stream.indirect_vreg.gather [hbm:s5], $0x80, v0, vm0, $0x38;
	[tilespmem:$0x78F0] =	vst v63  }
0x4b: {  	s16 =	sadd.s32 $0x400, s16  }
0x4c: {  	[tilespmem:s16], [sflag:$0x1] =	stream.indirect_vreg.gather [hbm:s5], $0x80, v0, vm1, $0x38;
	[tilespmem:$0x78F0] =	vst v63  }
0x4d: {  	v0 =	vld.msk [tilespmem:s18+$0x70 ss:$0x1], $0xff;
	_ =	sdelay $0x4  }
0x4e: {  	vm2 =	vgt.s32 v0, $0x0  }
0x4f: {  	v0 =	vnsel vm2, $0x0, v0  }
0x50: {  	v0 =	vmin.u32 v0, $0x270F  }
0x51: {  	v0 =	vshll.u32 v0, $0x4;
	_ =	sdelay $0x3  }
0x52: {  	s31 =	sadd.s32 $0x38F0, s17  }
0x53: {  	[tilespmem:s31], [sflag:$0x1] =	stream.indirect_vreg.gather [hbm:s5], $0x80, v0, vm0, $0x38;
	[tilespmem:$0x78F0] =	vst v63  }
0x54: {  	s13 =	sshll.u32 s13, $0x4;
	_ =	swait.ge [sflag:s6], $0x3C00  }
0x55: {  	s13 =	sadd.s32 s13, s9;
	[sflag:s6] =	ssyncset.done $0x0  }
0x56: {  	s17 =	sadd.s32 $0x0, s13;
	s16 =	simm.s32 $0x80;
	[sflag:s6] =	ssyncadd.s32 $0xFFFFC400  }
.LBB2_5:
0x57: {  	[hbm:s17] =	stream.linear.scatter [tilespmem:s14], [sflag:$0x3], $0x400, $0x38;
	[tilespmem:$0x78F0] =	vst v63  }
0x58: {  	s17 =	smov.u32 s16;
	s14 =	smov.u32 s15;
	p1 =	sne.s32 s16, $0x700  }
.Ltmp4:
0x59: {  	s16 =	sadd.s32 $0x80, s16;
	(pc) =	sbr.rel @p1 .LBB2_5-.Ltmp4, $2  }
0x5a: {  	_ =	sdelay $0x2  }
0x5b: {  	s15 =	sadd.s32 $0x400, s15;
	s17 =	sadd.s32 s17, s13  }
.Ltmp5:
0x5c: {  	_ = 	snop;
	(pc) =	sbr.rel .LBB2_6-.Ltmp5, $1  }
0x5d: {  	_ =	sdelay $0x3  }
.LBB2_8:
0x5e: {  	_ =	sfence.sel $0x180000  }
0x5f: {  	s1 =	simm.s32 $0x2;
	[bflag:$0x0] =	sbarrier.arrive $0xFFFF  }
0x60: {  	s30 =	simm.s32 $0x3;
	[sflag:s1] =	ssyncpa.u1 $0x1  }
0x61: {  	s31 =	simm.s32 $0x1;
	[sflag:s30] =	ssyncpa.u1 $0x1  }
0x62: {  	[sflag:s31] =	ssyncpa.u1 $0x1  }
0x63: {  	p0 =	sne.s32 s0, $0x0;
	_ =	strace $0x9000005C  }
0x64: {  	s0 =	sadd.s32 @!p0 $0x100000, s2;
	[bflag:$0x2] =	sbarrier.arrive $0xFFFF  }
0x65: {  	[sflag:s0] =	ssyncadd.tile.s32 @!p0 $0x1;
	_ =	shalt  }
.Lfunc_end2:
_tile_overlayer_lowered:
.L_overlay_start_2:
0x66: {  	(tag) =	ssettag $0x2  }
0x67: {  	s0 =	rddreg [dreg:$0x0];
	s2 =	stileid.u32  }
0x68: {  	s1 =	rddreg [dreg:$0x1];
	p0 =	sne.s32 s2, $0x0  }
0x69: {  	s3 =	rddreg [dreg:$0x2];
	[bflag:$0x3] =	sbarrier.arrive $0xFFFF;
	s2 =	simm.s32 @!p0 $0x1C01  }
0x6a: {  	[timem:s3], [sflag:s2] =	dma.local @!p0 [hbm:s0], s1  }
0x6b: {  	s0 =	simm.s32 @!p0 $0x1  }
0x6c: {  	_ =	swait.ge @!p0 [sflag:s0], s1  }
0x6d: {  	s1 =	ssub.s32 @!p0 $0x0, s1;
	[sflag:s0] =	ssyncset.done @!p0 $0x0  }
0x6e: {  	[sflag:s0] =	ssyncadd.s32 @!p0 s1  }
0x6f: {  	[bflag:$0x3] =	sbarrier.arrive $0xFFFF  }
0x70: {  	_ =	shalt  }

// kernel: kernel.12.cloned.1.call-start
scs
__scs_entry_jumppad:
0x0: {  	(pc) =	sbr.rel $0x88, $3  }
0x1: {  	(tag) =	ssettag $0x0;
	lr =	simm.s32 $0x1  }
0x2: {  	[smem:$0x3F91] =	sst lr;
	_ =	strace $0xD0000000  }
0x3: {  	_ = 	snop  }
0x4: {  	_ = 	snop  }
0x5: {  	_ = 	snop  }
0x6: {  	_ = 	snop  }
0x7: {  	_ = 	snop  }
__scs_overlays_trampoline_lowered:
0x8: {  	[smem:$0x3FA0] =	sst s0  }
0x9: {  	[smem:$0x3FA1] =	sst s1  }
0xa: {  	[smem:$0x3FA2] =	sst s2  }
0xb: {  	[smem:$0x3FA3] =	sst s3  }
0xc: {  	[smem:$0x3FA4] =	sst s4  }
0xd: {  	[smem:$0x3FA5] =	sst s5  }
0xe: {  	[smem:$0x3FA6] =	sst s6  }
0xf: {  	[smem:$0x3FA7] =	sst s7  }
0x10: {  	[smem:$0x3FA8] =	sst s8  }
0x11: {  	[smem:$0x3FA9] =	sst s9;
	s0 =	simm.s32 @!p0 $0x0  }
0x12: {  	s1 =	sld [smem:$0x3F8F];
	s0 =	simm.s32 @p0 $0x1  }
0x13: {  	[smem:$0x3FAA] =	sst s0;
	s0 =	simm.s32 @!p1 $0x0  }
0x14: {  	s2 =	sld [smem:$0x3F8E];
	s0 =	simm.s32 @p1 $0x1  }
0x15: {  	[smem:$0x3FAB] =	sst s0;
	s0 =	simm.s32 @!p2 $0x0  }
0x16: {  	s3 =	sld [smem:$0x3FDB];
	s0 =	simm.s32 @p2 $0x1  }
0x17: {  	s4 =	simm.s32 $0x1BF5;
	[smem:$0x3FAD] =	sst s0  }
0x18: {  	s0 =	sld [smem:$0x3F90];
	_ =	swait.ge [sflag:s4], $0x0  }
0x19: {  	s7 =	sld [smem:$0x3F91]  }
0x1a: {  	s8 =	sadd.s32 $0xFFFFE003, lr  }
0x1b: {  	s9 =	sadd.s32 $0xFFFFFEF7, lr;
	s5 =	simm.s32 $0xFFFFFFFF;
	p2 =	slt.u32 s8, $0xFFFFF086  }
0x1c: {  	p1 =	slt.u32 s9, $0xF7A;
	s5 =	simm.s32 @!p2 $0x0  }
0x1d: {  	s5 =	simm.s32 @p1 $0x1;
	p0 =	seq.s32 s7, s2  }
0x1e: {  	s7 =	smul.u32 @!p0 $0xF7A, s2;
	p2 =	seq.s32 @!p0 s5, $0x0  }
0x1f: {  	s9 =	smul.u32 $0xF7A, s1;
	s8 =	simm.s32 @!p0 $0x1BF5;
	p2 =	por !p2, p0  }
0x20: {  	[sflag:s8] =	ssyncset.s32 @!p0 $0xFFFFF086;
	s6 =	sadd.s32 @!p0 s3, s7;
	s7 =	simm.s32 @!p0 $0x108  }
0x21: {  	s3 =	sadd.s32 s3, s9;
	s6 =	sadd.s32 @!p0 $0x88, s6;
	s7 =	simm.s32 @p2 $0x1082  }
0x22: {  	[simem:s7], [sflag:s8] =	dma.local @!p0 [hbm:s6], $0xF7A  }
0x23: {  	s9 =	sor.u32 $0xD0000000, s2;
	s6 =	simm.s32 $0x108;
	_ =	swait.ge @!p0 [sflag:s8], $0x0  }
0x24: {  	s3 =	sadd.s32 $0x88, s3;
	s6 =	simm.s32 @!p1 $0x1082;
	[sflag:s4] =	ssyncset.s32 $0xFFFFF086  }
0x25: {  	[simem:s6], [sflag:s4] =	dma.local [hbm:s3], $0xF7A  }
0x26: {  	[smem:$0x3F91] =	sst s1;
	(tag) =	ssettag s2;
	_ =	strace s9  }
0x27: {  	s1 =	sld [smem:$0x3FA1]  }
0x28: {  	s2 =	sld [smem:$0x3FA2]  }
0x29: {  	s4 =	sld [smem:$0x3FA4]  }
0x2a: {  	p0 =	seq.s32 s5, $0x0;
	s5 =	sld [smem:$0x3FA5]  }
0x2b: {  	s6 =	sld [smem:$0x3FA6]  }
0x2c: {  	s7 =	sld [smem:$0x3FA7]  }
0x2d: {  	s3 =	simm.s32 $0x108;
	s8 =	sld [smem:$0x3FA8]  }
0x2e: {  	s3 =	simm.s32 @!p0 $0x1082;
	s9 =	sld [smem:$0x3FA9]  }
0x2f: {  	lr =	sadd.s32 s0, s3;
	s0 =	sld [smem:$0x3FA0]  }
0x30: {  	s3 =	sld [smem:$0x3FA3]  }
0x31: {  	[smem:$0x3FAC] =	sst s10  }
0x32: {  	s10 =	sld [smem:$0x3FAA];
	_ =	sdelay $0x3  }
0x33: {  	p0 =	seq.s32 s10, $0x1;
	s10 =	sld [smem:$0x3FAC];
	_ =	sdelay $0x3  }
0x34: {  	[smem:$0x3FAC] =	sst s10  }
0x35: {  	s10 =	sld [smem:$0x3FAB];
	_ =	sdelay $0x3  }
0x36: {  	p1 =	seq.s32 s10, $0x1;
	s10 =	sld [smem:$0x3FAC];
	_ =	sdelay $0x3  }
0x37: {  	[smem:$0x3FAC] =	sst s10  }
0x38: {  	s10 =	sld [smem:$0x3FAD]  }
0x39: {  	_ = 	snop;
	(pc) =	sbr.ind lr, $3  }
0x3a: {  	_ = 	snop  }
0x3b: {  	_ = 	snop  }
0x3c: {  	p2 =	seq.s32 s10, $0x1;
	s10 =	sld [smem:$0x3FAC]  }
0x3d: {  	_ =	shalt  }
0x3e: {  	_ =	shalt  }
0x3f: {  	_ =	shalt  }
0x40: {  	_ =	shalt  }
0x41: {  	_ =	shalt  }
0x42: {  	_ =	shalt  }
0x43: {  	_ =	shalt  }
0x44: {  	_ =	shalt  }
0x45: {  	_ =	shalt  }
0x46: {  	_ =	shalt  }
0x47: {  	_ =	shalt  }
0x48: {  	_ =	shalt  }
0x49: {  	_ =	shalt  }
0x4a: {  	_ =	shalt  }
0x4b: {  	_ =	shalt  }
0x4c: {  	_ =	shalt  }
0x4d: {  	_ =	shalt  }
0x4e: {  	_ =	shalt  }
0x4f: {  	_ =	shalt  }
0x50: {  	_ =	shalt  }
0x51: {  	_ =	shalt  }
0x52: {  	_ =	shalt  }
0x53: {  	_ =	shalt  }
0x54: {  	_ =	shalt  }
0x55: {  	_ =	shalt  }
0x56: {  	_ =	shalt  }
0x57: {  	_ =	shalt  }
0x58: {  	_ =	shalt  }
0x59: {  	_ =	shalt  }
0x5a: {  	_ =	shalt  }
0x5b: {  	_ =	shalt  }
0x5c: {  	_ =	shalt  }
0x5d: {  	_ =	shalt  }
0x5e: {  	_ =	shalt  }
0x5f: {  	_ =	shalt  }
0x60: {  	_ =	shalt  }
0x61: {  	_ =	shalt  }
0x62: {  	_ =	shalt  }
0x63: {  	_ =	shalt  }
0x64: {  	_ =	shalt  }
0x65: {  	_ =	shalt  }
0x66: {  	_ =	shalt  }
0x67: {  	_ =	shalt  }
0x68: {  	_ =	shalt  }
0x69: {  	_ =	shalt  }
0x6a: {  	_ =	shalt  }
0x6b: {  	_ =	shalt  }
0x6c: {  	_ =	shalt  }
0x6d: {  	_ =	shalt  }
0x6e: {  	_ =	shalt  }
0x6f: {  	_ =	shalt  }
0x70: {  	_ =	shalt  }
0x71: {  	_ =	shalt  }
0x72: {  	_ =	shalt  }
0x73: {  	_ =	shalt  }
0x74: {  	_ =	shalt  }
0x75: {  	_ =	shalt  }
0x76: {  	_ =	shalt  }
0x77: {  	_ =	shalt  }
0x78: {  	_ =	shalt  }
0x79: {  	_ =	shalt  }
0x7a: {  	_ =	shalt  }
0x7b: {  	_ =	shalt  }
0x7c: {  	_ =	shalt  }
0x7d: {  	_ =	shalt  }
0x7e: {  	_ =	shalt  }
0x7f: {  	_ =	shalt  }
0x80: {  	_ =	shalt  }
0x81: {  	_ =	shalt  }
0x82: {  	_ =	shalt  }
0x83: {  	_ =	shalt  }
0x84: {  	_ =	shalt  }
0x85: {  	_ =	shalt  }
0x86: {  	_ =	shalt  }
0x87: {  	_ =	shalt  }
.Lfunc_end0:
.L_simem_size_0:
called_computation.4_lowered:
.L_overlay_start_0:
0x88: {  	s2 =	sld [smem:$0x3FD9]  }
0x89: {  	s3 =	sld [smem:$0x3FFE];
	_ =	sdelay $0x1  }
0x8a: {  	s1 =	srdreg.scid  }
0x8b: {  	s0 =	sand.u32 $0x1, s1  }
0x8c: {  	s17 =	sshll.u32 s0, $0xA;
	s2 =	sadd.s32 s3, s2  }
0x8d: {  	s2 =	sadd.s32 s2, s17  }
0x8e: {  	[smem:$0x3FB8] =	sst s2  }
0x8f: {  	_ = 	snop  }
0x90: {  	s2 =	sld [smem:$0x3FC9]  }
0x91: {  	s18 =	sld [smem:$0x3FD0];
	(tm) =	ssettm $0x1  }
0x92: {  	s4 =	sld [smem:$0x3FFB];
	_ =	sdelay $0x3  }
0x93: {  	_ =	strace s4  }
0x94: {  	s4 =	sld [smem:$0x3FFC];
	_ =	sdelay $0x3  }
0x95: {  	_ =	strace s4  }
0x96: {  	s4 =	sld [smem:$0x3FFD];
	_ =	sdelay $0x3  }
0x97: {  	_ =	strace s4  }
0x98: {  	_ =	strace $0x8FFFFFFF  }
0x99: {  	s19 =	sld [smem:$0x3FDB];
	_ =	sdelay $0x1  }
0x9a: {  	s5 =	simm.s32 $_scs_section_size  }
0x9b: {  	s6 =	simm.s32 $_size__tile_overlayer_lowered;
	s7 =	simm.s32 $_tile_overlayer_lowered  }
0x9c: {  	s22 =	simm.s32 $0x1BFF;
	s21 =	sshll.u32 s7, $0x1;
	s4 =	sadd.s32 s5, s19  }
0x9d: {  	s8 =	simm.s32 $0x0;
	s20 =	sshll.u32 s6, $0x1;
	s6 =	sadd.s32 s21, s4  }
0x9e: {  	[timem:s8], [sflag:s22] =	dma.local [hbm:s6], s20  }
0x9f: {  	_ =	swait.ge [sflag:s22], s20  }
0xa0: {  	s5 =	ssub.s32 $0x0, s20;
	[sflag:s22] =	ssyncset.done $0x0  }
0xa1: {  	[sflag:s22] =	ssyncadd.s32 s5;
	_ =	sdelay $0x1  }
0xa2: {  	s23 =	simm.s32 $0x1B8B  }
0xa3: {  	_ =	swait.ge [sflag:s23], $0x1  }
0xa4: {  	[sflag:s23] =	ssyncset.done $0x0  }
0xa5: {  	s25 =	simm.s32 $0x1B8E;
	s24 =	sld [smem:$0x3FFE];
	[sflag:s23] =	ssyncadd.s32 $0xFFFFFFFF  }
0xa6: {  	s26 =	simm.s32 $execute0_lowered;
	[smem:$0x3FD2] =	sst s25  }
0xa7: {  	s6 =	sshll.u32 s26, $0x1;
	_ =	strace $0x8000004F;
	[dreg:$0x1] =	wrdreg $0xFFFFFFFF  }
0xa8: {  	s28 =	simm.s32 $_size_execute0_lowered;
	s4 =	sadd.s32 s4, s6;
	[dreg:$0x0] =	wrdreg $0x0  }
0xa9: {  	s6 =	sshll.u32 s28, $0x1;
	[dreg:$0x2] =	wrdreg s4  }
0xaa: {  	[dreg:$0x3] =	wrdreg s6  }
0xab: {  	[dreg:$0x4] =	wrdreg $0xC0  }
0xac: {  	_ =	task [dreg:s8], $0x5FFFF  }
0xad: {  	[dreg:$0x1] =	wrdreg $0xFFFFFFFF  }
0xae: {  	[dreg:$0x0] =	wrdreg $0x60  }
0xaf: {  	[dreg:$0x2] =	wrdreg s2  }
0xb0: {  	[dreg:$0x3] =	wrdreg s24  }
0xb1: {  	[dreg:$0x4] =	wrdreg s18  }
0xb2: {  	[dreg:$0x5] =	wrdreg $0x96800  }
0xb3: {  	[dreg:$0x6] =	wrdreg $0x1D6800  }
0xb4: {  	[dreg:$0x7] =	wrdreg $0x9  }
0xb5: {  	_ =	task.clear_ibuf [dreg:s8], $0x8FFFF;
	_ =	strace $0x9000004F  }
0xb6: {  	s29 =	simm.s32 $0x9;
	_ =	strace $0x80000051  }
0xb7: {  	_ =	swait.ge [sflag:s29], $0x1  }
0xb8: {  	[sflag:s29] =	ssyncadd.s32 $0xFFFFFFFF  }
0xb9: {  	_ =	strace $0x90000051  }
0xba: {  	_ =	sfence  }
0xbb: {  	s30 =	sld [smem:$0x0];
	_ =	sdelay $0x2  }
0xbc: {  	s31 =	sshll.u32 s1, $0xD;
	s1 =	sshrl.u32 s1, $0x2  }
0xbd: {  	s3 =	sand.u32 $0x4000, s31;
	s1 =	sadd.s32 s1, s30  }
0xbe: {  	s0 =	sor.u32 s3, s0;
	s1 =	sshll.u32 s1, $0x11  }
0xbf: {  	s0 =	sor.u32 s1, s0  }
0xc0: {  	s0 =	sadd.s32 $0x8F2B, s0  }
0xc1: {  	[sflag:s0] =	ssyncadd.remote.s32 $0x1  }
0xc2: {  	_ =	sfence.sel $0xFFFF  }
0xc3: {  	[dreg:$0x0] =	wrdreg $0xFFFFFFFF;
	(pc) =	sbr.abs _section_cstart, $3  }
0xc4: {  	[dreg:$0x1] =	wrdreg $0xFFFFFFFF  }
0xc5: {  	_ =	task.clear_ibuf [dreg:s8], $0x2FFFF;
	_ =	strace $0x9FFFFFFF  }
0xc6: {  	(tm) =	ssettm $0x7FFFFFFF  }
0xc7: {  	_ =	shalt  }
tec
execute0_lowered:
.L_overlay_start_1:
0x0: {  	(tag) =	ssettag $0x1  }
0x1: {  	s1 =	rddreg [dreg:$0x0]  }
0x2: {  	s6 =	rddreg [dreg:$0x1]  }
0x3: {  	s8 =	rddreg [dreg:$0x2]  }
0x4: {  	s2 =	srdreg.scid;
	s3 =	rddreg [dreg:$0x3]  }
0x5: {  	s0 =	stileid.u32;
	s4 =	rddreg [dreg:$0x4];
	s5 =	simm.s32 $0x0  }
0x6: {  	s18 =	simm.s32 $0x80;
	s19 =	simm.s32 $0x5600;
	s20 =	simm.s32 $0x1  }
0x7: {  	s21 =	simm.s32 $0x9600;
	s22 =	simm.s32 $0x0;
	s10 =	smul.u32 $0x14000, s0  }
0x8: {  	s7 =	sand.u32 $0x1, s2;
	s28 =	sshll.u32 s0, $0x1;
	s11 =	smul.u32 $0x280, s0  }
0x9: {  	[smem:$0x7FF] =	sst s5;
	s2 =	sor.u32 s7, s28;
	s12 =	smul.u32 $0x2800, s7  }
0xa: {  	s30 =	sshll.u32 s0, $0x6;
	s7 =	ssub.s32 $0x2, s7;
	s9 =	smul.u32 $0x560, s2  }
0xb: {  	s2 =	rddreg [dreg:$0x5];
	_ =	strace $0x80000050;
	s29 =	sshrl.u32 s10, $0x3  }
0xc: {  	s15 =	sshrl.u32 s7, $0x1;
	s16 =	sadd.s32 s10, s3;
	s17 =	sadd.s32 s11, s4  }
0xd: {  	s31 =	sshrl.u32 s11, $0x3;
	s12 =	sadd.s32 s11, s12;
	s15 =	ssub.s32 s7, s15  }
0xe: {  	s7 =	sor.u32 $0x1C02, s30;
	s8 =	sadd.s32 s8, s31;
	s13 =	sadd.s32 s9, s6  }
0xf: {  	s9 =	sadd.s32 s29, s6;
	s14 =	sshll.u32 s12, $0x4;
	s12 =	sshrl.u32 s12, $0x3  }
0x10: {  	s14 =	sadd.s32 s14, s6;
	s12 =	sadd.s32 s12, s6;
	s6 =	sadd.s32 $0x18400, s9  }
0x11: {  	s9 =	sadd.s32 $0xD800, s13;
	s10 =	sadd.s32 $0x2C00, s13;
	s13 =	smax.u32 s15, $0x1  }
0x12: {  	s15 =	simm.s32 $0x2;
	s11 =	sadd.s32 $0x40400, s14;
	s12 =	sadd.s32 $0x90400, s12  }
0x13: {  	v0 =	vimm.f32 $1.000000000e+00;
	s14 =	sshrl.u32 s16, $0x3;
	s16 =	sshrl.u32 s17, $0x3;
	s17 =	simm.s32 $0x2B00  }
.LBB2_1:
0x14: {  	[spmem:s14], [sflag:s7] =	dma.local [hbm:s6], $0x2800  }
0x15: {  	_ =	swait.ge [sflag:s15], $0x2800  }
0x16: {  	[sflag:s15] =	ssyncset.done $0x0  }
0x17: {  	[sflag:s15] =	ssyncadd.s32 $0xFFFFD800  }
0x18: {  	[spmem:s16], [sflag:s7] =	dma.local [hbm:s8], $0x50  }
0x19: {  	_ =	swait.ge [sflag:s15], $0x50  }
0x1a: {  	[sflag:s15] =	ssyncset.done $0x0  }
0x1b: {  	[sflag:s15] =	ssyncadd.s32 $0xFFFFFFB0  }
0x1c: {  	[tilespmem:$0x9600] =	vst v0  }
0x1d: {  	[tilespmem:$0x9610] =	vst v0  }
0x1e: {  	[tilespmem:$0x9620] =	vst v0  }
0x1f: {  	[tilespmem:$0x9630] =	vst v0  }
0x20: {  	[tilespmem:$0x9640] =	vst v0  }
0x21: {  	[tilespmem:$0x9650] =	vst v0  }
0x22: {  	[tilespmem:$0x9660] =	vst v0  }
0x23: {  	[tilespmem:$0x9670] =	vst v0  }
0x24: {  	[bflag:$0x0] =	sbarrier.arrive $0xFFFF  }
0x25: {  	[tilespmem:s5], [sflag:$0x2] =	stream.linear.gather [hbm4b:s9+s5], $0x2B00, $0x38;
	[tilespmem:$0x1D900] =	vst v63  }
0x26: {  	_ =	swait.ge [sflag:s15], $0x2B00  }
0x27: {  	[sflag:s15] =	ssyncset.done $0x0  }
0x28: {  	[sflag:s15] =	ssyncadd.s32 $0xFFFFD500  }
0x29: {  	[tilespmem:s17], [sflag:$0x2] =	stream.linear.gather [hbm4b:s10+s5], $0x2B00, $0x38;
	[tilespmem:$0x1D900] =	vst v63  }
0x2a: {  	_ =	swait.ge [sflag:s15], $0x2B00  }
0x2b: {  	[sflag:s15] =	ssyncset.done $0x0  }
0x2c: {  	s23 =	simm.s32 $0x0;
	[sflag:s15] =	ssyncadd.s32 $0xFFFFD500  }
0x2d: {  	[tilespmem:s19], [sflag:$0x1] =	stream.indirect.gather [hbm4b:s1+s18], $0x80, s23, s18, $0xb8;
	[tilespmem:$0x1D900] =	vst v63  }
0x2e: {  	_ =	swait.ge [sflag:s20], $0x4000  }
0x2f: {  	[sflag:s20] =	ssyncset.done $0x0  }
0x30: {  	s31 =	simm.s32 $0x2B00;
	[sflag:s20] =	ssyncadd.s32 $0xFFFFC000  }
0x31: {  	[spmem:s3] =	stream.indirect.scatter.add.f32 [tilespmem:s19], [sflag:$0x2], $0x80, s31, s18, $0xb8;
	[tilespmem:$0x1D900] =	vst v63  }
0x32: {  	_ =	swait.ge [sflag:s15], $0x4000  }
0x33: {  	[sflag:s15] =	ssyncset.done $0x0  }
0x34: {  	[sflag:s15] =	ssyncadd.s32 $0xFFFFC000  }
0x35: {  	[spmem:s4] =	stream.indirect.scatter.add.f32 [tilespmem:s21], [sflag:$0x2], $0x1, s31, s18, $0xb8;
	[tilespmem:$0x1D900] =	vst v63  }
0x36: {  	_ =	swait.ge [sflag:s15], $0x80  }
0x37: {  	s24 =	simm.s32 $0x400;
	s23 =	simm.s32 $0x200;
	[sflag:s15] =	ssyncset.done $0x0  }
.LBB2_2:
0x38: {  	s25 =	sshra.s32 s23, $0x2  }
0x39: {  	[sflag:s15] =	ssyncadd.s32 $0xFFFFFF80;
	s23 =	smov.u32 s24;
	s26 =	sadd.s32 $0x200, s24  }
0x3a: {  	[tilespmem:s19], [sflag:$0x1] =	stream.indirect.gather [hbm4b:s1+s18], $0x80, s25, s18, $0xb8;
	[tilespmem:$0x1D900] =	vst v63  }
0x3b: {  	p0 =	sne.s32 s24, $0xAA00;
	_ =	swait.ge [sflag:s20], $0x4000  }
0x3c: {  	[sflag:s20] =	ssyncset.done $0x0  }
0x3d: {  	s24 =	sadd.s32 $0x2B00, s25;
	[sflag:s20] =	ssyncadd.s32 $0xFFFFC000  }
0x3e: {  	[spmem:s3] =	stream.indirect.scatter.add.f32 [tilespmem:s19], [sflag:$0x2], $0x80, s24, s18, $0xb8;
	[tilespmem:$0x1D900] =	vst v63  }
0x3f: {  	_ =	swait.ge [sflag:s15], $0x4000  }
.Ltmp0:
0x40: {  	[sflag:s15] =	ssyncset.done $0x0;
	(pc) =	sbr.rel @p0 .LBB2_2-.Ltmp0, $4  }
0x41: {  	[sflag:s15] =	ssyncadd.s32 $0xFFFFC000  }
0x42: {  	[spmem:s4] =	stream.indirect.scatter.add.f32 [tilespmem:s21], [sflag:$0x2], $0x1, s24, s18, $0xb8;
	[tilespmem:$0x1D900] =	vst v63  }
0x43: {  	_ =	swait.ge [sflag:s15], $0x80  }
0x44: {  	s24 =	smov.u32 s26;
	[sflag:s15] =	ssyncset.done $0x0  }
0x45: {  	s23 =	sshra.s32 s23, $0x2;
	[sflag:s15] =	ssyncadd.s32 $0xFFFFFF80  }
0x46: {  	[tilespmem:s19], [sflag:$0x1] =	stream.indirect.gather [hbm4b:s1+s18], $0x80, s23, s18, $0xb8;
	[tilespmem:$0x1D900] =	vst v63  }
0x47: {  	_ =	swait.ge [sflag:s20], $0x4000  }
0x48: {  	[sflag:s20] =	ssyncset.done $0x0  }
0x49: {  	s23 =	sadd.s32 $0x2B00, s23;
	[sflag:s20] =	ssyncadd.s32 $0xFFFFC000  }
0x4a: {  	[spmem:s3] =	stream.indirect.scatter.add.f32 [tilespmem:s19], [sflag:$0x2], $0x80, s23, s18, $0xb8;
	[tilespmem:$0x1D900] =	vst v63  }
0x4b: {  	_ =	swait.ge [sflag:s15], $0x4000  }
0x4c: {  	[sflag:s15] =	ssyncset.done $0x0  }
0x4d: {  	[sflag:s15] =	ssyncadd.s32 $0xFFFFC000  }
0x4e: {  	[spmem:s4] =	stream.indirect.scatter.add.f32 [tilespmem:s21], [sflag:$0x2], $0x1, s23, s18, $0xb8;
	[tilespmem:$0x1D900] =	vst v63  }
0x4f: {  	_ =	swait.ge [sflag:s15], $0x80  }
0x50: {  	[sflag:s15] =	ssyncset.done $0x0  }
0x51: {  	[sflag:s15] =	ssyncadd.s32 $0xFFFFFF80  }
0x52: {  	[bflag:$0x0] =	sbarrier.arrive $0xFFFF  }
0x53: {  	[hbm:s11], [sflag:s7] =	dma.local [spmem:s14], $0x2800  }
0x54: {  	s22 =	sadd.s32 $0x1, s22;
	_ =	swait.ge [sflag:s15], $0x2800  }
0x55: {  	p0 =	sne.s32 s22, s13;
	[sflag:s15] =	ssyncset.done $0x0  }
.Ltmp1:
0x56: {  	[sflag:s15] =	ssyncadd.s32 $0xFFFFD800;
	(pc) =	sbr.rel @p0 .LBB2_1-.Ltmp1, $4  }
0x57: {  	[hbm:s12], [sflag:s7] =	dma.local [spmem:s16], $0x50  }
0x58: {  	_ =	swait.ge [sflag:s15], $0x50  }
0x59: {  	[sflag:s15] =	ssyncset.done $0x0  }
0x5a: {  	[sflag:s15] =	ssyncadd.s32 $0xFFFFFFB0  }
0x5b: {  	_ =	sfence.sel $0x180000  }
0x5c: {  	[bflag:$0x0] =	sbarrier.arrive $0xFFFF  }
0x5d: {  	p0 =	sne.s32 s0, $0x0;
	_ =	strace $0x90000050  }
0x5e: {  	s0 =	sadd.s32 @!p0 $0x100000, s2;
	[bflag:$0x2] =	sbarrier.arrive $0xFFFF  }
0x5f: {  	[sflag:s0] =	ssyncadd.tile.s32 @!p0 $0x1;
	_ =	shalt  }
.Lfunc_end2:
_tile_overlayer_lowered:
.L_overlay_start_2:
0x60: {  	(tag) =	ssettag $0x2  }
0x61: {  	s0 =	rddreg [dreg:$0x0];
	s2 =	stileid.u32  }
0x62: {  	s1 =	rddreg [dreg:$0x1];
	p0 =	sne.s32 s2, $0x0  }
0x63: {  	s3 =	rddreg [dreg:$0x2];
	[bflag:$0x3] =	sbarrier.arrive $0xFFFF;
	s2 =	simm.s32 @!p0 $0x1C02  }
0x64: {  	[timem:s3], [sflag:s2] =	dma.local @!p0 [hbm:s0], s1  }
0x65: {  	s0 =	simm.s32 @!p0 $0x2  }
0x66: {  	_ =	swait.ge @!p0 [sflag:s0], s1  }
0x67: {  	s1 =	ssub.s32 @!p0 $0x0, s1;
	[sflag:s0] =	ssyncset.done @!p0 $0x0  }
0x68: {  	[sflag:s0] =	ssyncadd.s32 @!p0 s1  }
0x69: {  	[bflag:$0x3] =	sbarrier.arrive $0xFFFF  }
0x6a: {  	_ =	shalt  }

// kernel: kernel.15.cloned.1.call-start
scs
__scs_entry_jumppad:
0x0: {  	(pc) =	sbr.rel $0x88, $3  }
0x1: {  	(tag) =	ssettag $0x0;
	lr =	simm.s32 $0x1  }
0x2: {  	[smem:$0x3F91] =	sst lr;
	_ =	strace $0xD0000000  }
0x3: {  	_ = 	snop  }
0x4: {  	_ = 	snop  }
0x5: {  	_ = 	snop  }
0x6: {  	_ = 	snop  }
0x7: {  	_ = 	snop  }
__scs_overlays_trampoline_lowered:
0x8: {  	[smem:$0x3FA0] =	sst s0  }
0x9: {  	[smem:$0x3FA1] =	sst s1  }
0xa: {  	[smem:$0x3FA2] =	sst s2  }
0xb: {  	[smem:$0x3FA3] =	sst s3  }
0xc: {  	[smem:$0x3FA4] =	sst s4  }
0xd: {  	[smem:$0x3FA5] =	sst s5  }
0xe: {  	[smem:$0x3FA6] =	sst s6  }
0xf: {  	[smem:$0x3FA7] =	sst s7  }
0x10: {  	[smem:$0x3FA8] =	sst s8  }
0x11: {  	[smem:$0x3FA9] =	sst s9;
	s0 =	simm.s32 @!p0 $0x0  }
0x12: {  	s1 =	sld [smem:$0x3F8F];
	s0 =	simm.s32 @p0 $0x1  }
0x13: {  	[smem:$0x3FAA] =	sst s0;
	s0 =	simm.s32 @!p1 $0x0  }
0x14: {  	s2 =	sld [smem:$0x3F8E];
	s0 =	simm.s32 @p1 $0x1  }
0x15: {  	[smem:$0x3FAB] =	sst s0;
	s0 =	simm.s32 @!p2 $0x0  }
0x16: {  	s3 =	sld [smem:$0x3FDB];
	s0 =	simm.s32 @p2 $0x1  }
0x17: {  	s4 =	simm.s32 $0x1BF5;
	[smem:$0x3FAD] =	sst s0  }
0x18: {  	s0 =	sld [smem:$0x3F90];
	_ =	swait.ge [sflag:s4], $0x0  }
0x19: {  	s7 =	sld [smem:$0x3F91]  }
0x1a: {  	s8 =	sadd.s32 $0xFFFFE003, lr  }
0x1b: {  	s9 =	sadd.s32 $0xFFFFFEF7, lr;
	s5 =	simm.s32 $0xFFFFFFFF;
	p2 =	slt.u32 s8, $0xFFFFF086  }
0x1c: {  	p1 =	slt.u32 s9, $0xF7A;
	s5 =	simm.s32 @!p2 $0x0  }
0x1d: {  	s5 =	simm.s32 @p1 $0x1;
	p0 =	seq.s32 s7, s2  }
0x1e: {  	s7 =	smul.u32 @!p0 $0xF7A, s2;
	p2 =	seq.s32 @!p0 s5, $0x0  }
0x1f: {  	s9 =	smul.u32 $0xF7A, s1;
	s8 =	simm.s32 @!p0 $0x1BF5;
	p2 =	por !p2, p0  }
0x20: {  	[sflag:s8] =	ssyncset.s32 @!p0 $0xFFFFF086;
	s6 =	sadd.s32 @!p0 s3, s7;
	s7 =	simm.s32 @!p0 $0x108  }
0x21: {  	s3 =	sadd.s32 s3, s9;
	s6 =	sadd.s32 @!p0 $0x88, s6;
	s7 =	simm.s32 @p2 $0x1082  }
0x22: {  	[simem:s7], [sflag:s8] =	dma.local @!p0 [hbm:s6], $0xF7A  }
0x23: {  	s9 =	sor.u32 $0xD0000000, s2;
	s6 =	simm.s32 $0x108;
	_ =	swait.ge @!p0 [sflag:s8], $0x0  }
0x24: {  	s3 =	sadd.s32 $0x88, s3;
	s6 =	simm.s32 @!p1 $0x1082;
	[sflag:s4] =	ssyncset.s32 $0xFFFFF086  }
0x25: {  	[simem:s6], [sflag:s4] =	dma.local [hbm:s3], $0xF7A  }
0x26: {  	[smem:$0x3F91] =	sst s1;
	(tag) =	ssettag s2;
	_ =	strace s9  }
0x27: {  	s1 =	sld [smem:$0x3FA1]  }
0x28: {  	s2 =	sld [smem:$0x3FA2]  }
0x29: {  	s4 =	sld [smem:$0x3FA4]  }
0x2a: {  	p0 =	seq.s32 s5, $0x0;
	s5 =	sld [smem:$0x3FA5]  }
0x2b: {  	s6 =	sld [smem:$0x3FA6]  }
0x2c: {  	s7 =	sld [smem:$0x3FA7]  }
0x2d: {  	s3 =	simm.s32 $0x108;
	s8 =	sld [smem:$0x3FA8]  }
0x2e: {  	s3 =	simm.s32 @!p0 $0x1082;
	s9 =	sld [smem:$0x3FA9]  }
0x2f: {  	lr =	sadd.s32 s0, s3;
	s0 =	sld [smem:$0x3FA0]  }
0x30: {  	s3 =	sld [smem:$0x3FA3]  }
0x31: {  	[smem:$0x3FAC] =	sst s10  }
0x32: {  	s10 =	sld [smem:$0x3FAA];
	_ =	sdelay $0x3  }
0x33: {  	p0 =	seq.s32 s10, $0x1;
	s10 =	sld [smem:$0x3FAC];
	_ =	sdelay $0x3  }
0x34: {  	[smem:$0x3FAC] =	sst s10  }
0x35: {  	s10 =	sld [smem:$0x3FAB];
	_ =	sdelay $0x3  }
0x36: {  	p1 =	seq.s32 s10, $0x1;
	s10 =	sld [smem:$0x3FAC];
	_ =	sdelay $0x3  }
0x37: {  	[smem:$0x3FAC] =	sst s10  }
0x38: {  	s10 =	sld [smem:$0x3FAD]  }
0x39: {  	_ = 	snop;
	(pc) =	sbr.ind lr, $3  }
0x3a: {  	_ = 	snop  }
0x3b: {  	_ = 	snop  }
0x3c: {  	p2 =	seq.s32 s10, $0x1;
	s10 =	sld [smem:$0x3FAC]  }
0x3d: {  	_ =	shalt  }
0x3e: {  	_ =	shalt  }
0x3f: {  	_ =	shalt  }
0x40: {  	_ =	shalt  }
0x41: {  	_ =	shalt  }
0x42: {  	_ =	shalt  }
0x43: {  	_ =	shalt  }
0x44: {  	_ =	shalt  }
0x45: {  	_ =	shalt  }
0x46: {  	_ =	shalt  }
0x47: {  	_ =	shalt  }
0x48: {  	_ =	shalt  }
0x49: {  	_ =	shalt  }
0x4a: {  	_ =	shalt  }
0x4b: {  	_ =	shalt  }
0x4c: {  	_ =	shalt  }
0x4d: {  	_ =	shalt  }
0x4e: {  	_ =	shalt  }
0x4f: {  	_ =	shalt  }
0x50: {  	_ =	shalt  }
0x51: {  	_ =	shalt  }
0x52: {  	_ =	shalt  }
0x53: {  	_ =	shalt  }
0x54: {  	_ =	shalt  }
0x55: {  	_ =	shalt  }
0x56: {  	_ =	shalt  }
0x57: {  	_ =	shalt  }
0x58: {  	_ =	shalt  }
0x59: {  	_ =	shalt  }
0x5a: {  	_ =	shalt  }
0x5b: {  	_ =	shalt  }
0x5c: {  	_ =	shalt  }
0x5d: {  	_ =	shalt  }
0x5e: {  	_ =	shalt  }
0x5f: {  	_ =	shalt  }
0x60: {  	_ =	shalt  }
0x61: {  	_ =	shalt  }
0x62: {  	_ =	shalt  }
0x63: {  	_ =	shalt  }
0x64: {  	_ =	shalt  }
0x65: {  	_ =	shalt  }
0x66: {  	_ =	shalt  }
0x67: {  	_ =	shalt  }
0x68: {  	_ =	shalt  }
0x69: {  	_ =	shalt  }
0x6a: {  	_ =	shalt  }
0x6b: {  	_ =	shalt  }
0x6c: {  	_ =	shalt  }
0x6d: {  	_ =	shalt  }
0x6e: {  	_ =	shalt  }
0x6f: {  	_ =	shalt  }
0x70: {  	_ =	shalt  }
0x71: {  	_ =	shalt  }
0x72: {  	_ =	shalt  }
0x73: {  	_ =	shalt  }
0x74: {  	_ =	shalt  }
0x75: {  	_ =	shalt  }
0x76: {  	_ =	shalt  }
0x77: {  	_ =	shalt  }
0x78: {  	_ =	shalt  }
0x79: {  	_ =	shalt  }
0x7a: {  	_ =	shalt  }
0x7b: {  	_ =	shalt  }
0x7c: {  	_ =	shalt  }
0x7d: {  	_ =	shalt  }
0x7e: {  	_ =	shalt  }
0x7f: {  	_ =	shalt  }
0x80: {  	_ =	shalt  }
0x81: {  	_ =	shalt  }
0x82: {  	_ =	shalt  }
0x83: {  	_ =	shalt  }
0x84: {  	_ =	shalt  }
0x85: {  	_ =	shalt  }
0x86: {  	_ =	shalt  }
0x87: {  	_ =	shalt  }
.Lfunc_end0:
.L_simem_size_0:
called_computation.5_lowered:
.L_overlay_start_0:
0x88: {  	s2 =	sld [smem:$0x3FD9]  }
0x89: {  	s3 =	sld [smem:$0x3FFE];
	_ =	sdelay $0x1  }
0x8a: {  	s1 =	srdreg.scid  }
0x8b: {  	s0 =	sand.u32 $0x1, s1  }
0x8c: {  	s16 =	sshll.u32 s0, $0xA;
	s2 =	sadd.s32 s3, s2  }
0x8d: {  	s2 =	sadd.s32 s2, s16  }
0x8e: {  	[smem:$0x3FB8] =	sst s2  }
0x8f: {  	_ = 	snop  }
0x90: {  	(tm) =	ssettm $0x1  }
0x91: {  	s17 =	sld [smem:$0x3FFB];
	_ =	sdelay $0x3  }
0x92: {  	_ =	strace s17  }
0x93: {  	s2 =	sld [smem:$0x3FFC];
	_ =	sdelay $0x3  }
0x94: {  	_ =	strace s2  }
0x95: {  	s2 =	sld [smem:$0x3FFD];
	_ =	sdelay $0x3  }
0x96: {  	_ =	strace s2  }
0x97: {  	_ =	strace $0x8FFFFFFF  }
0x98: {  	s18 =	sld [smem:$0x3FDB];
	_ =	sdelay $0x1  }
0x99: {  	s19 =	simm.s32 $_scs_section_size  }
0x9a: {  	s4 =	simm.s32 $_size__tile_overlayer_lowered;
	s5 =	simm.s32 $_tile_overlayer_lowered  }
0x9b: {  	s22 =	simm.s32 $0x1BFF;
	s21 =	sshll.u32 s5, $0x1;
	s2 =	sadd.s32 s19, s18  }
0x9c: {  	s6 =	simm.s32 $0x0;
	s20 =	sshll.u32 s4, $0x1;
	s4 =	sadd.s32 s21, s2  }
0x9d: {  	[timem:s6], [sflag:s22] =	dma.local [hbm:s4], s20  }
0x9e: {  	_ =	swait.ge [sflag:s22], s20  }
0x9f: {  	s3 =	ssub.s32 $0x0, s20;
	[sflag:s22] =	ssyncset.done $0x0  }
0xa0: {  	[sflag:s22] =	ssyncadd.s32 s3;
	_ =	sdelay $0x1  }
0xa1: {  	s23 =	simm.s32 $0x1B8B  }
0xa2: {  	_ =	swait.ge [sflag:s23], $0x1  }
0xa3: {  	[sflag:s23] =	ssyncset.done $0x0  }
0xa4: {  	s25 =	simm.s32 $0x1B8E;
	s24 =	sld [smem:$0x3FFE];
	[sflag:s23] =	ssyncadd.s32 $0xFFFFFFFF  }
0xa5: {  	s26 =	simm.s32 $execute0_lowered;
	[smem:$0x3FD2] =	sst s25  }
0xa6: {  	s4 =	sshll.u32 s26, $0x1;
	_ =	strace $0x80000052;
	[dreg:$0x1] =	wrdreg $0xFFFFFFFF  }
0xa7: {  	s28 =	simm.s32 $_size_execute0_lowered;
	s2 =	sadd.s32 s2, s4;
	[dreg:$0x0] =	wrdreg $0x0  }
0xa8: {  	s4 =	sshll.u32 s28, $0x1;
	[dreg:$0x2] =	wrdreg s2  }
0xa9: {  	[dreg:$0x3] =	wrdreg s4  }
0xaa: {  	[dreg:$0x4] =	wrdreg $0xC0  }
0xab: {  	_ =	task [dreg:s6], $0x5FFFF  }
0xac: {  	[dreg:$0x1] =	wrdreg $0xFFFFFFFF  }
0xad: {  	[dreg:$0x0] =	wrdreg $0x60  }
0xae: {  	[dreg:$0x2] =	wrdreg s24  }
0xaf: {  	[dreg:$0x3] =	wrdreg $0x66000  }
0xb0: {  	[dreg:$0x4] =	wrdreg $0x9  }
0xb1: {  	_ =	task.clear_ibuf [dreg:s6], $0x5FFFF;
	_ =	strace $0x90000052  }
0xb2: {  	s29 =	simm.s32 $0x9;
	_ =	strace $0x80000054  }
0xb3: {  	_ =	swait.ge [sflag:s29], $0x1  }
0xb4: {  	[sflag:s29] =	ssyncadd.s32 $0xFFFFFFFF  }
0xb5: {  	_ =	strace $0x90000054  }
0xb6: {  	_ =	sfence  }
0xb7: {  	s30 =	sld [smem:$0x0];
	_ =	sdelay $0x2  }
0xb8: {  	s31 =	sshll.u32 s1, $0xD;
	s1 =	sshrl.u32 s1, $0x2  }
0xb9: {  	s3 =	sand.u32 $0x4000, s31;
	s1 =	sadd.s32 s1, s30  }
0xba: {  	s0 =	sor.u32 s3, s0;
	s1 =	sshll.u32 s1, $0x11  }
0xbb: {  	s0 =	sor.u32 s1, s0  }
0xbc: {  	s0 =	sadd.s32 $0x8F2B, s0  }
0xbd: {  	[sflag:s0] =	ssyncadd.remote.s32 $0x1  }
0xbe: {  	_ =	sfence.sel $0xFFFF  }
0xbf: {  	[dreg:$0x0] =	wrdreg $0xFFFFFFFF;
	(pc) =	sbr.abs _section_cstart, $3  }
0xc0: {  	[dreg:$0x1] =	wrdreg $0xFFFFFFFF  }
0xc1: {  	_ =	task.clear_ibuf [dreg:s6], $0x2FFFF;
	_ =	strace $0x9FFFFFFF  }
0xc2: {  	(tm) =	ssettm $0x7FFFFFFF  }
0xc3: {  	_ =	shalt  }
tec
execute0_lowered:
.L_overlay_start_1:
0x0: {  	(tag) =	ssettag $0x1  }
0x1: {  	s1 =	srdreg.scid  }
0x2: {  	s0 =	stileid.u32;
	s6 =	rddreg [dreg:$0x0]  }
0x3: {  	s2 =	rddreg [dreg:$0x1];
	s3 =	simm.s32 $0x0;
	s13 =	simm.s32 $0x2B00  }
0x4: {  	s14 =	simm.s32 $0x80;
	s15 =	simm.s32 $0x5600;
	s16 =	simm.s32 $0x1  }
0x5: {  	s17 =	simm.s32 $0x0;
	s5 =	sand.u32 $0x1, s1;
	s8 =	smul.u32 $0x5000, s0  }
0x6: {  	s28 =	sshll.u32 s0, $0x1;
	[smem:$0x7FF] =	sst s3;
	s9 =	smul.u32 $0xA00, s0  }
0x7: {  	s4 =	sadd.s32 $0x66800, s6;
	s1 =	sor.u32 s5, s28;
	s10 =	smul.u32 $0xA000, s5  }
0x8: {  	s31 =	sshll.u32 s0, $0x6;
	s5 =	ssub.s32 $0x2, s5;
	s7 =	smul.u32 $0x560, s1  }
0x9: {  	s1 =	rddreg [dreg:$0x2];
	_ =	strace $0x80000053;
	s29 =	sshrl.u32 s8, $0x3  }
0xa: {  	s30 =	sshrl.u32 s5, $0x1;
	s12 =	sadd.s32 s8, s2;
	s9 =	sadd.s32 s9, s10  }
0xb: {  	s10 =	ssub.s32 s5, s30;
	s11 =	sadd.s32 s7, s6;
	s7 =	sadd.s32 s29, s6  }
0xc: {  	s9 =	sadd.s32 s9, s6;
	s6 =	sor.u32 $0x1C02, s31;
	s10 =	smax.u32 s10, $0x1  }
0xd: {  	s5 =	sadd.s32 $0x70600, s7;
	s7 =	sadd.s32 $0xD800, s11;
	s8 =	sadd.s32 $0x2C00, s11  }
0xe: {  	s9 =	sadd.s32 $0x7A600, s9;
	s11 =	sshrl.u32 s12, $0x3;
	s12 =	simm.s32 $0x2  }
.LBB2_1:
0xf: {  	[spmem:s11], [sflag:s6] =	dma.local [hbm:s5], $0xA00  }
0x10: {  	_ =	swait.ge [sflag:s12], $0xA00  }
0x11: {  	[sflag:s12] =	ssyncset.done $0x0  }
0x12: {  	[sflag:s12] =	ssyncadd.s32 $0xFFFFF600  }
0x13: {  	[bflag:$0x0] =	sbarrier.arrive $0xFFFF  }
0x14: {  	[tilespmem:s3], [sflag:$0x2] =	stream.linear.gather [hbm4b:s7+s3], $0x2B00, $0x38;
	[tilespmem:$0xB600] =	vst v63  }
0x15: {  	_ =	swait.ge [sflag:s12], $0x2B00  }
0x16: {  	[sflag:s12] =	ssyncset.done $0x0  }
0x17: {  	[sflag:s12] =	ssyncadd.s32 $0xFFFFD500  }
0x18: {  	[tilespmem:s13], [sflag:$0x2] =	stream.linear.gather [hbm4b:s8+s3], $0x2B00, $0x38;
	[tilespmem:$0xB600] =	vst v63  }
0x19: {  	_ =	swait.ge [sflag:s12], $0x2B00  }
0x1a: {  	[sflag:s12] =	ssyncset.done $0x0  }
0x1b: {  	s18 =	simm.s32 $0x0;
	[sflag:s12] =	ssyncadd.s32 $0xFFFFD500  }
0x1c: {  	[tilespmem:s15], [sflag:$0x1] =	stream.indirect.gather [hbm4b:s4+s14], $0x20, s18, s14, $0xb8;
	[tilespmem:$0xB600] =	vst v63  }
0x1d: {  	_ =	swait.ge [sflag:s16], $0x1000  }
0x1e: {  	[sflag:s16] =	ssyncset.done $0x0  }
0x1f: {  	s31 =	simm.s32 $0x2B00;
	[sflag:s16] =	ssyncadd.s32 $0xFFFFF000  }
0x20: {  	[spmem:s2] =	stream.indirect.scatter.add.f32 [tilespmem:s15], [sflag:$0x2], $0x20, s31, s14, $0xb8;
	[tilespmem:$0xB600] =	vst v63  }
0x21: {  	_ =	swait.ge [sflag:s12], $0x1000  }
0x22: {  	s19 =	simm.s32 $0x400;
	s18 =	simm.s32 $0x200;
	[sflag:s12] =	ssyncset.done $0x0  }
.LBB2_2:
0x23: {  	s20 =	sshra.s32 s18, $0x2  }
0x24: {  	[sflag:s12] =	ssyncadd.s32 $0xFFFFF000;
	s18 =	smov.u32 s19;
	s21 =	sadd.s32 $0x200, s19  }
0x25: {  	[tilespmem:s15], [sflag:$0x1] =	stream.indirect.gather [hbm4b:s4+s14], $0x20, s20, s14, $0xb8;
	[tilespmem:$0xB600] =	vst v63  }
0x26: {  	p0 =	sne.s32 s19, $0xAA00;
	_ =	swait.ge [sflag:s16], $0x1000  }
.Ltmp0:
0x27: {  	[sflag:s16] =	ssyncset.done $0x0;
	(pc) =	sbr.rel @p0 .LBB2_2-.Ltmp0, $4  }
0x28: {  	s19 =	sadd.s32 $0x2B00, s20;
	[sflag:s16] =	ssyncadd.s32 $0xFFFFF000  }
0x29: {  	[spmem:s2] =	stream.indirect.scatter.add.f32 [tilespmem:s15], [sflag:$0x2], $0x20, s19, s14, $0xb8;
	[tilespmem:$0xB600] =	vst v63  }
0x2a: {  	_ =	swait.ge [sflag:s12], $0x1000  }
0x2b: {  	s19 =	smov.u32 s21;
	[sflag:s12] =	ssyncset.done $0x0  }
0x2c: {  	s18 =	sshra.s32 s18, $0x2;
	[sflag:s12] =	ssyncadd.s32 $0xFFFFF000  }
0x2d: {  	[tilespmem:s15], [sflag:$0x1] =	stream.indirect.gather [hbm4b:s4+s14], $0x20, s18, s14, $0xb8;
	[tilespmem:$0xB600] =	vst v63  }
0x2e: {  	_ =	swait.ge [sflag:s16], $0x1000  }
0x2f: {  	[sflag:s16] =	ssyncset.done $0x0  }
0x30: {  	s18 =	sadd.s32 $0x2B00, s18;
	[sflag:s16] =	ssyncadd.s32 $0xFFFFF000  }
0x31: {  	[spmem:s2] =	stream.indirect.scatter.add.f32 [tilespmem:s15], [sflag:$0x2], $0x20, s18, s14, $0xb8;
	[tilespmem:$0xB600] =	vst v63  }
0x32: {  	_ =	swait.ge [sflag:s12], $0x1000  }
0x33: {  	s17 =	sadd.s32 $0x1, s17;
	[sflag:s12] =	ssyncset.done $0x0  }
0x34: {  	p0 =	sne.s32 s17, s10;
	[sflag:s12] =	ssyncadd.s32 $0xFFFFF000  }
.Ltmp1:
0x35: {  	[bflag:$0x0] =	sbarrier.arrive $0xFFFF;
	(pc) =	sbr.rel @p0 .LBB2_1-.Ltmp1, $4  }
0x36: {  	[hbm:s9], [sflag:s6] =	dma.local [spmem:s11], $0xA00  }
0x37: {  	_ =	swait.ge [sflag:s12], $0xA00  }
0x38: {  	[sflag:s12] =	ssyncset.done $0x0  }
0x39: {  	[sflag:s12] =	ssyncadd.s32 $0xFFFFF600  }
0x3a: {  	_ =	sfence.sel $0x180000  }
0x3b: {  	[bflag:$0x0] =	sbarrier.arrive $0xFFFF  }
0x3c: {  	p0 =	sne.s32 s0, $0x0;
	_ =	strace $0x90000053  }
0x3d: {  	s0 =	sadd.s32 @!p0 $0x100000, s1;
	[bflag:$0x2] =	sbarrier.arrive $0xFFFF  }
0x3e: {  	[sflag:s0] =	ssyncadd.tile.s32 @!p0 $0x1;
	_ =	shalt  }
.Lfunc_end2:
_tile_overlayer_lowered:
.L_overlay_start_2:
0x3f: {  	(tag) =	ssettag $0x2  }
0x40: {  	s0 =	rddreg [dreg:$0x0];
	s2 =	stileid.u32  }
0x41: {  	s1 =	rddreg [dreg:$0x1];
	p0 =	sne.s32 s2, $0x0  }
0x42: {  	s3 =	rddreg [dreg:$0x2];
	[bflag:$0x3] =	sbarrier.arrive $0xFFFF;
	s2 =	simm.s32 @!p0 $0x1C02  }
0x43: {  	[timem:s3], [sflag:s2] =	dma.local @!p0 [hbm:s0], s1  }
0x44: {  	s0 =	simm.s32 @!p0 $0x2  }
0x45: {  	_ =	swait.ge @!p0 [sflag:s0], s1  }
0x46: {  	s1 =	ssub.s32 @!p0 $0x0, s1;
	[sflag:s0] =	ssyncset.done @!p0 $0x0  }
0x47: {  	[sflag:s0] =	ssyncadd.s32 @!p0 s1  }
0x48: {  	[bflag:$0x3] =	sbarrier.arrive $0xFFFF  }
0x49: {  	_ =	shalt  }

// kernel: kernel.18.cloned.1.call-start
scs
__scs_entry_jumppad:
0x0: {  	(pc) =	sbr.rel $0x88, $3  }
0x1: {  	(tag) =	ssettag $0x0;
	lr =	simm.s32 $0x1  }
0x2: {  	[smem:$0x3F91] =	sst lr;
	_ =	strace $0xD0000000  }
0x3: {  	_ = 	snop  }
0x4: {  	_ = 	snop  }
0x5: {  	_ = 	snop  }
0x6: {  	_ = 	snop  }
0x7: {  	_ = 	snop  }
__scs_overlays_trampoline_lowered:
0x8: {  	[smem:$0x3FA0] =	sst s0  }
0x9: {  	[smem:$0x3FA1] =	sst s1  }
0xa: {  	[smem:$0x3FA2] =	sst s2  }
0xb: {  	[smem:$0x3FA3] =	sst s3  }
0xc: {  	[smem:$0x3FA4] =	sst s4  }
0xd: {  	[smem:$0x3FA5] =	sst s5  }
0xe: {  	[smem:$0x3FA6] =	sst s6  }
0xf: {  	[smem:$0x3FA7] =	sst s7  }
0x10: {  	[smem:$0x3FA8] =	sst s8  }
0x11: {  	[smem:$0x3FA9] =	sst s9;
	s0 =	simm.s32 @!p0 $0x0  }
0x12: {  	s1 =	sld [smem:$0x3F8F];
	s0 =	simm.s32 @p0 $0x1  }
0x13: {  	[smem:$0x3FAA] =	sst s0;
	s0 =	simm.s32 @!p1 $0x0  }
0x14: {  	s2 =	sld [smem:$0x3F8E];
	s0 =	simm.s32 @p1 $0x1  }
0x15: {  	[smem:$0x3FAB] =	sst s0;
	s0 =	simm.s32 @!p2 $0x0  }
0x16: {  	s3 =	sld [smem:$0x3FDB];
	s0 =	simm.s32 @p2 $0x1  }
0x17: {  	s4 =	simm.s32 $0x1BF5;
	[smem:$0x3FAD] =	sst s0  }
0x18: {  	s0 =	sld [smem:$0x3F90];
	_ =	swait.ge [sflag:s4], $0x0  }
0x19: {  	s7 =	sld [smem:$0x3F91]  }
0x1a: {  	s8 =	sadd.s32 $0xFFFFE003, lr  }
0x1b: {  	s9 =	sadd.s32 $0xFFFFFEF7, lr;
	s5 =	simm.s32 $0xFFFFFFFF;
	p2 =	slt.u32 s8, $0xFFFFF086  }
0x1c: {  	p1 =	slt.u32 s9, $0xF7A;
	s5 =	simm.s32 @!p2 $0x0  }
0x1d: {  	s5 =	simm.s32 @p1 $0x1;
	p0 =	seq.s32 s7, s2  }
0x1e: {  	s7 =	smul.u32 @!p0 $0xF7A, s2;
	p2 =	seq.s32 @!p0 s5, $0x0  }
0x1f: {  	s9 =	smul.u32 $0xF7A, s1;
	s8 =	simm.s32 @!p0 $0x1BF5;
	p2 =	por !p2, p0  }
0x20: {  	[sflag:s8] =	ssyncset.s32 @!p0 $0xFFFFF086;
	s6 =	sadd.s32 @!p0 s3, s7;
	s7 =	simm.s32 @!p0 $0x108  }
0x21: {  	s3 =	sadd.s32 s3, s9;
	s6 =	sadd.s32 @!p0 $0x88, s6;
	s7 =	simm.s32 @p2 $0x1082  }
0x22: {  	[simem:s7], [sflag:s8] =	dma.local @!p0 [hbm:s6], $0xF7A  }
0x23: {  	s9 =	sor.u32 $0xD0000000, s2;
	s6 =	simm.s32 $0x108;
	_ =	swait.ge @!p0 [sflag:s8], $0x0  }
0x24: {  	s3 =	sadd.s32 $0x88, s3;
	s6 =	simm.s32 @!p1 $0x1082;
	[sflag:s4] =	ssyncset.s32 $0xFFFFF086  }
0x25: {  	[simem:s6], [sflag:s4] =	dma.local [hbm:s3], $0xF7A  }
0x26: {  	[smem:$0x3F91] =	sst s1;
	(tag) =	ssettag s2;
	_ =	strace s9  }
0x27: {  	s1 =	sld [smem:$0x3FA1]  }
0x28: {  	s2 =	sld [smem:$0x3FA2]  }
0x29: {  	s4 =	sld [smem:$0x3FA4]  }
0x2a: {  	p0 =	seq.s32 s5, $0x0;
	s5 =	sld [smem:$0x3FA5]  }
0x2b: {  	s6 =	sld [smem:$0x3FA6]  }
0x2c: {  	s7 =	sld [smem:$0x3FA7]  }
0x2d: {  	s3 =	simm.s32 $0x108;
	s8 =	sld [smem:$0x3FA8]  }
0x2e: {  	s3 =	simm.s32 @!p0 $0x1082;
	s9 =	sld [smem:$0x3FA9]  }
0x2f: {  	lr =	sadd.s32 s0, s3;
	s0 =	sld [smem:$0x3FA0]  }
0x30: {  	s3 =	sld [smem:$0x3FA3]  }
0x31: {  	[smem:$0x3FAC] =	sst s10  }
0x32: {  	s10 =	sld [smem:$0x3FAA];
	_ =	sdelay $0x3  }
0x33: {  	p0 =	seq.s32 s10, $0x1;
	s10 =	sld [smem:$0x3FAC];
	_ =	sdelay $0x3  }
0x34: {  	[smem:$0x3FAC] =	sst s10  }
0x35: {  	s10 =	sld [smem:$0x3FAB];
	_ =	sdelay $0x3  }
0x36: {  	p1 =	seq.s32 s10, $0x1;
	s10 =	sld [smem:$0x3FAC];
	_ =	sdelay $0x3  }
0x37: {  	[smem:$0x3FAC] =	sst s10  }
0x38: {  	s10 =	sld [smem:$0x3FAD]  }
0x39: {  	_ = 	snop;
	(pc) =	sbr.ind lr, $3  }
0x3a: {  	_ = 	snop  }
0x3b: {  	_ = 	snop  }
0x3c: {  	p2 =	seq.s32 s10, $0x1;
	s10 =	sld [smem:$0x3FAC]  }
0x3d: {  	_ =	shalt  }
0x3e: {  	_ =	shalt  }
0x3f: {  	_ =	shalt  }
0x40: {  	_ =	shalt  }
0x41: {  	_ =	shalt  }
0x42: {  	_ =	shalt  }
0x43: {  	_ =	shalt  }
0x44: {  	_ =	shalt  }
0x45: {  	_ =	shalt  }
0x46: {  	_ =	shalt  }
0x47: {  	_ =	shalt  }
0x48: {  	_ =	shalt  }
0x49: {  	_ =	shalt  }
0x4a: {  	_ =	shalt  }
0x4b: {  	_ =	shalt  }
0x4c: {  	_ =	shalt  }
0x4d: {  	_ =	shalt  }
0x4e: {  	_ =	shalt  }
0x4f: {  	_ =	shalt  }
0x50: {  	_ =	shalt  }
0x51: {  	_ =	shalt  }
0x52: {  	_ =	shalt  }
0x53: {  	_ =	shalt  }
0x54: {  	_ =	shalt  }
0x55: {  	_ =	shalt  }
0x56: {  	_ =	shalt  }
0x57: {  	_ =	shalt  }
0x58: {  	_ =	shalt  }
0x59: {  	_ =	shalt  }
0x5a: {  	_ =	shalt  }
0x5b: {  	_ =	shalt  }
0x5c: {  	_ =	shalt  }
0x5d: {  	_ =	shalt  }
0x5e: {  	_ =	shalt  }
0x5f: {  	_ =	shalt  }
0x60: {  	_ =	shalt  }
0x61: {  	_ =	shalt  }
0x62: {  	_ =	shalt  }
0x63: {  	_ =	shalt  }
0x64: {  	_ =	shalt  }
0x65: {  	_ =	shalt  }
0x66: {  	_ =	shalt  }
0x67: {  	_ =	shalt  }
0x68: {  	_ =	shalt  }
0x69: {  	_ =	shalt  }
0x6a: {  	_ =	shalt  }
0x6b: {  	_ =	shalt  }
0x6c: {  	_ =	shalt  }
0x6d: {  	_ =	shalt  }
0x6e: {  	_ =	shalt  }
0x6f: {  	_ =	shalt  }
0x70: {  	_ =	shalt  }
0x71: {  	_ =	shalt  }
0x72: {  	_ =	shalt  }
0x73: {  	_ =	shalt  }
0x74: {  	_ =	shalt  }
0x75: {  	_ =	shalt  }
0x76: {  	_ =	shalt  }
0x77: {  	_ =	shalt  }
0x78: {  	_ =	shalt  }
0x79: {  	_ =	shalt  }
0x7a: {  	_ =	shalt  }
0x7b: {  	_ =	shalt  }
0x7c: {  	_ =	shalt  }
0x7d: {  	_ =	shalt  }
0x7e: {  	_ =	shalt  }
0x7f: {  	_ =	shalt  }
0x80: {  	_ =	shalt  }
0x81: {  	_ =	shalt  }
0x82: {  	_ =	shalt  }
0x83: {  	_ =	shalt  }
0x84: {  	_ =	shalt  }
0x85: {  	_ =	shalt  }
0x86: {  	_ =	shalt  }
0x87: {  	_ =	shalt  }
.Lfunc_end0:
.L_simem_size_0:
called_computation.6_lowered:
.L_overlay_start_0:
0x88: {  	s2 =	sld [smem:$0x3FD9]  }
0x89: {  	s3 =	sld [smem:$0x3FFE];
	_ =	sdelay $0x1  }
0x8a: {  	s1 =	srdreg.scid  }
0x8b: {  	s0 =	sand.u32 $0x1, s1  }
0x8c: {  	s16 =	sshll.u32 s0, $0xA;
	s2 =	sadd.s32 s3, s2  }
0x8d: {  	s2 =	sadd.s32 s2, s16  }
0x8e: {  	[smem:$0x3FB8] =	sst s2  }
0x8f: {  	_ = 	snop  }
0x90: {  	(tm) =	ssettm $0x1  }
0x91: {  	s17 =	sld [smem:$0x3FFB];
	_ =	sdelay $0x3  }
0x92: {  	_ =	strace s17  }
0x93: {  	s2 =	sld [smem:$0x3FFC];
	_ =	sdelay $0x3  }
0x94: {  	_ =	strace s2  }
0x95: {  	s2 =	sld [smem:$0x3FFD];
	_ =	sdelay $0x3  }
0x96: {  	_ =	strace s2  }
0x97: {  	_ =	strace $0x8FFFFFFF  }
0x98: {  	s18 =	sld [smem:$0x3FDB];
	_ =	sdelay $0x1  }
0x99: {  	s19 =	simm.s32 $_scs_section_size  }
0x9a: {  	s4 =	simm.s32 $_size__tile_overlayer_lowered;
	s5 =	simm.s32 $_tile_overlayer_lowered  }
0x9b: {  	s22 =	simm.s32 $0x1BFF;
	s21 =	sshll.u32 s5, $0x1;
	s2 =	sadd.s32 s19, s18  }
0x9c: {  	s6 =	simm.s32 $0x0;
	s20 =	sshll.u32 s4, $0x1;
	s4 =	sadd.s32 s21, s2  }
0x9d: {  	[timem:s6], [sflag:s22] =	dma.local [hbm:s4], s20  }
0x9e: {  	_ =	swait.ge [sflag:s22], s20  }
0x9f: {  	s3 =	ssub.s32 $0x0, s20;
	[sflag:s22] =	ssyncset.done $0x0  }
0xa0: {  	[sflag:s22] =	ssyncadd.s32 s3;
	_ =	sdelay $0x1  }
0xa1: {  	s23 =	simm.s32 $0x1B8B  }
0xa2: {  	_ =	swait.ge [sflag:s23], $0x1  }
0xa3: {  	[sflag:s23] =	ssyncset.done $0x0  }
0xa4: {  	s25 =	simm.s32 $0x1B8E;
	s24 =	sld [smem:$0x3FFE];
	[sflag:s23] =	ssyncadd.s32 $0xFFFFFFFF  }
0xa5: {  	s26 =	simm.s32 $execute0_lowered;
	[smem:$0x3FD2] =	sst s25  }
0xa6: {  	s4 =	sshll.u32 s26, $0x1;
	_ =	strace $0x80000055;
	[dreg:$0x1] =	wrdreg $0xFFFFFFFF  }
0xa7: {  	s28 =	simm.s32 $_size_execute0_lowered;
	s2 =	sadd.s32 s2, s4;
	[dreg:$0x0] =	wrdreg $0x0  }
0xa8: {  	s4 =	sshll.u32 s28, $0x1;
	[dreg:$0x2] =	wrdreg s2  }
0xa9: {  	[dreg:$0x3] =	wrdreg s4  }
0xaa: {  	[dreg:$0x4] =	wrdreg $0xC0  }
0xab: {  	_ =	task [dreg:s6], $0x5FFFF  }
0xac: {  	[dreg:$0x1] =	wrdreg $0xFFFFFFFF  }
0xad: {  	[dreg:$0x0] =	wrdreg $0x60  }
0xae: {  	[dreg:$0x2] =	wrdreg s24  }
0xaf: {  	[dreg:$0x3] =	wrdreg $0x66000  }
0xb0: {  	[dreg:$0x4] =	wrdreg $0x9  }
0xb1: {  	_ =	task.clear_ibuf [dreg:s6], $0x5FFFF;
	_ =	strace $0x90000055  }
0xb2: {  	s29 =	simm.s32 $0x9;
	_ =	strace $0x80000057  }
0xb3: {  	_ =	swait.ge [sflag:s29], $0x1  }
0xb4: {  	[sflag:s29] =	ssyncadd.s32 $0xFFFFFFFF  }
0xb5: {  	_ =	strace $0x90000057  }
0xb6: {  	_ =	sfence  }
0xb7: {  	s30 =	sld [smem:$0x0];
	_ =	sdelay $0x2  }
0xb8: {  	s31 =	sshll.u32 s1, $0xD;
	s1 =	sshrl.u32 s1, $0x2  }
0xb9: {  	s3 =	sand.u32 $0x4000, s31;
	s1 =	sadd.s32 s1, s30  }
0xba: {  	s0 =	sor.u32 s3, s0;
	s1 =	sshll.u32 s1, $0x11  }
0xbb: {  	s0 =	sor.u32 s1, s0  }
0xbc: {  	s0 =	sadd.s32 $0x8F2B, s0  }
0xbd: {  	[sflag:s0] =	ssyncadd.remote.s32 $0x1  }
0xbe: {  	_ =	sfence.sel $0xFFFF  }
0xbf: {  	[dreg:$0x0] =	wrdreg $0xFFFFFFFF;
	(pc) =	sbr.abs _section_cstart, $3  }
0xc0: {  	[dreg:$0x1] =	wrdreg $0xFFFFFFFF  }
0xc1: {  	_ =	task.clear_ibuf [dreg:s6], $0x2FFFF;
	_ =	strace $0x9FFFFFFF  }
0xc2: {  	(tm) =	ssettm $0x7FFFFFFF  }
0xc3: {  	_ =	shalt  }
tec
execute0_lowered:
.L_overlay_start_1:
0x0: {  	(tag) =	ssettag $0x1  }
0x1: {  	s1 =	srdreg.scid  }
0x2: {  	s0 =	stileid.u32;
	s6 =	rddreg [dreg:$0x0]  }
0x3: {  	s2 =	rddreg [dreg:$0x1];
	s3 =	simm.s32 $0x0;
	s13 =	simm.s32 $0x2B00  }
0x4: {  	s14 =	simm.s32 $0x80;
	s15 =	simm.s32 $0x5600;
	s16 =	simm.s32 $0x1  }
0x5: {  	s17 =	simm.s32 $0x0;
	s5 =	sand.u32 $0x1, s1;
	s8 =	smul.u32 $0x5000, s0  }
0x6: {  	s28 =	sshll.u32 s0, $0x1;
	[smem:$0x7FF] =	sst s3;
	s9 =	smul.u32 $0xA00, s0  }
0x7: {  	s4 =	sadd.s32 $0x66800, s6;
	s1 =	sor.u32 s5, s28;
	s10 =	smul.u32 $0xA000, s5  }
0x8: {  	s31 =	sshll.u32 s0, $0x6;
	s5 =	ssub.s32 $0x2, s5;
	s7 =	smul.u32 $0x560, s1  }
0x9: {  	s1 =	rddreg [dreg:$0x2];
	_ =	strace $0x80000056;
	s29 =	sshrl.u32 s8, $0x3  }
0xa: {  	s30 =	sshrl.u32 s5, $0x1;
	s12 =	sadd.s32 s8, s2;
	s9 =	sadd.s32 s9, s10  }
0xb: {  	s10 =	ssub.s32 s5, s30;
	s11 =	sadd.s32 s7, s6;
	s7 =	sadd.s32 s29, s6  }
0xc: {  	s9 =	sadd.s32 s9, s6;
	s6 =	sor.u32 $0x1C02, s31;
	s10 =	smax.u32 s10, $0x1  }
0xd: {  	s5 =	sadd.s32 $0x70600, s7;
	s7 =	sadd.s32 $0xD800, s11;
	s8 =	sadd.s32 $0x2C00, s11  }
0xe: {  	s9 =	sadd.s32 $0x7A600, s9;
	s11 =	sshrl.u32 s12, $0x3;
	s12 =	simm.s32 $0x2  }
.LBB2_1:
0xf: {  	[spmem:s11], [sflag:s6] =	dma.local [hbm:s5], $0xA00  }
0x10: {  	_ =	swait.ge [sflag:s12], $0xA00  }
0x11: {  	[sflag:s12] =	ssyncset.done $0x0  }
0x12: {  	[sflag:s12] =	ssyncadd.s32 $0xFFFFF600  }
0x13: {  	[bflag:$0x0] =	sbarrier.arrive $0xFFFF  }
0x14: {  	[tilespmem:s3], [sflag:$0x2] =	stream.linear.gather [hbm4b:s7+s3], $0x2B00, $0x38;
	[tilespmem:$0xB600] =	vst v63  }
0x15: {  	_ =	swait.ge [sflag:s12], $0x2B00  }
0x16: {  	[sflag:s12] =	ssyncset.done $0x0  }
0x17: {  	[sflag:s12] =	ssyncadd.s32 $0xFFFFD500  }
0x18: {  	[tilespmem:s13], [sflag:$0x2] =	stream.linear.gather [hbm4b:s8+s3], $0x2B00, $0x38;
	[tilespmem:$0xB600] =	vst v63  }
0x19: {  	_ =	swait.ge [sflag:s12], $0x2B00  }
0x1a: {  	[sflag:s12] =	ssyncset.done $0x0  }
0x1b: {  	s18 =	simm.s32 $0x0;
	[sflag:s12] =	ssyncadd.s32 $0xFFFFD500  }
0x1c: {  	[tilespmem:s15], [sflag:$0x1] =	stream.indirect.gather [hbm4b:s4+s14], $0x20, s18, s14, $0xb8;
	[tilespmem:$0xB600] =	vst v63  }
0x1d: {  	_ =	swait.ge [sflag:s16], $0x1000  }
0x1e: {  	[sflag:s16] =	ssyncset.done $0x0  }
0x1f: {  	s31 =	simm.s32 $0x2B00;
	[sflag:s16] =	ssyncadd.s32 $0xFFFFF000  }
0x20: {  	[spmem:s2] =	stream.indirect.scatter.add.f32 [tilespmem:s15], [sflag:$0x2], $0x20, s31, s14, $0xb8;
	[tilespmem:$0xB600] =	vst v63  }
0x21: {  	_ =	swait.ge [sflag:s12], $0x1000  }
0x22: {  	s19 =	simm.s32 $0x400;
	s18 =	simm.s32 $0x200;
	[sflag:s12] =	ssyncset.done $0x0  }
.LBB2_2:
0x23: {  	s20 =	sshra.s32 s18, $0x2  }
0x24: {  	[sflag:s12] =	ssyncadd.s32 $0xFFFFF000;
	s18 =	smov.u32 s19;
	s21 =	sadd.s32 $0x200, s19  }
0x25: {  	[tilespmem:s15], [sflag:$0x1] =	stream.indirect.gather [hbm4b:s4+s14], $0x20, s20, s14, $0xb8;
	[tilespmem:$0xB600] =	vst v63  }
0x26: {  	p0 =	sne.s32 s19, $0xAA00;
	_ =	swait.ge [sflag:s16], $0x1000  }
.Ltmp0:
0x27: {  	[sflag:s16] =	ssyncset.done $0x0;
	(pc) =	sbr.rel @p0 .LBB2_2-.Ltmp0, $4  }
0x28: {  	s19 =	sadd.s32 $0x2B00, s20;
	[sflag:s16] =	ssyncadd.s32 $0xFFFFF000  }
0x29: {  	[spmem:s2] =	stream.indirect.scatter.add.f32 [tilespmem:s15], [sflag:$0x2], $0x20, s19, s14, $0xb8;
	[tilespmem:$0xB600] =	vst v63  }
0x2a: {  	_ =	swait.ge [sflag:s12], $0x1000  }
0x2b: {  	s19 =	smov.u32 s21;
	[sflag:s12] =	ssyncset.done $0x0  }
0x2c: {  	s18 =	sshra.s32 s18, $0x2;
	[sflag:s12] =	ssyncadd.s32 $0xFFFFF000  }
0x2d: {  	[tilespmem:s15], [sflag:$0x1] =	stream.indirect.gather [hbm4b:s4+s14], $0x20, s18, s14, $0xb8;
	[tilespmem:$0xB600] =	vst v63  }
0x2e: {  	_ =	swait.ge [sflag:s16], $0x1000  }
0x2f: {  	[sflag:s16] =	ssyncset.done $0x0  }
0x30: {  	s18 =	sadd.s32 $0x2B00, s18;
	[sflag:s16] =	ssyncadd.s32 $0xFFFFF000  }
0x31: {  	[spmem:s2] =	stream.indirect.scatter.add.f32 [tilespmem:s15], [sflag:$0x2], $0x20, s18, s14, $0xb8;
	[tilespmem:$0xB600] =	vst v63  }
0x32: {  	_ =	swait.ge [sflag:s12], $0x1000  }
0x33: {  	s17 =	sadd.s32 $0x1, s17;
	[sflag:s12] =	ssyncset.done $0x0  }
0x34: {  	p0 =	sne.s32 s17, s10;
	[sflag:s12] =	ssyncadd.s32 $0xFFFFF000  }
.Ltmp1:
0x35: {  	[bflag:$0x0] =	sbarrier.arrive $0xFFFF;
	(pc) =	sbr.rel @p0 .LBB2_1-.Ltmp1, $4  }
0x36: {  	[hbm:s9], [sflag:s6] =	dma.local [spmem:s11], $0xA00  }
0x37: {  	_ =	swait.ge [sflag:s12], $0xA00  }
0x38: {  	[sflag:s12] =	ssyncset.done $0x0  }
0x39: {  	[sflag:s12] =	ssyncadd.s32 $0xFFFFF600  }
0x3a: {  	_ =	sfence.sel $0x180000  }
0x3b: {  	[bflag:$0x0] =	sbarrier.arrive $0xFFFF  }
0x3c: {  	p0 =	sne.s32 s0, $0x0;
	_ =	strace $0x90000056  }
0x3d: {  	s0 =	sadd.s32 @!p0 $0x100000, s1;
	[bflag:$0x2] =	sbarrier.arrive $0xFFFF  }
0x3e: {  	[sflag:s0] =	ssyncadd.tile.s32 @!p0 $0x1;
	_ =	shalt  }
.Lfunc_end2:
_tile_overlayer_lowered:
.L_overlay_start_2:
0x3f: {  	(tag) =	ssettag $0x2  }
0x40: {  	s0 =	rddreg [dreg:$0x0];
	s2 =	stileid.u32  }
0x41: {  	s1 =	rddreg [dreg:$0x1];
	p0 =	sne.s32 s2, $0x0  }
0x42: {  	s3 =	rddreg [dreg:$0x2];
	[bflag:$0x3] =	sbarrier.arrive $0xFFFF;
	s2 =	simm.s32 @!p0 $0x1C02  }
0x43: {  	[timem:s3], [sflag:s2] =	dma.local @!p0 [hbm:s0], s1  }
0x44: {  	s0 =	simm.s32 @!p0 $0x2  }
0x45: {  	_ =	swait.ge @!p0 [sflag:s0], s1  }
0x46: {  	s1 =	ssub.s32 @!p0 $0x0, s1;
	[sflag:s0] =	ssyncset.done @!p0 $0x0  }
0x47: {  	[sflag:s0] =	ssyncadd.s32 @!p0 s1  }
0x48: {  	[bflag:$0x3] =	sbarrier.arrive $0xFFFF  }
0x49: {  	_ =	shalt  }

// kernel: kernel.21.cloned.1.call-start
scs
__scs_entry_jumppad:
0x0: {  	(pc) =	sbr.rel $0x88, $3  }
0x1: {  	(tag) =	ssettag $0x0;
	lr =	simm.s32 $0x1  }
0x2: {  	[smem:$0x3F91] =	sst lr;
	_ =	strace $0xD0000000  }
0x3: {  	_ = 	snop  }
0x4: {  	_ = 	snop  }
0x5: {  	_ = 	snop  }
0x6: {  	_ = 	snop  }
0x7: {  	_ = 	snop  }
__scs_overlays_trampoline_lowered:
0x8: {  	[smem:$0x3FA0] =	sst s0  }
0x9: {  	[smem:$0x3FA1] =	sst s1  }
0xa: {  	[smem:$0x3FA2] =	sst s2  }
0xb: {  	[smem:$0x3FA3] =	sst s3  }
0xc: {  	[smem:$0x3FA4] =	sst s4  }
0xd: {  	[smem:$0x3FA5] =	sst s5  }
0xe: {  	[smem:$0x3FA6] =	sst s6  }
0xf: {  	[smem:$0x3FA7] =	sst s7  }
0x10: {  	[smem:$0x3FA8] =	sst s8  }
0x11: {  	[smem:$0x3FA9] =	sst s9;
	s0 =	simm.s32 @!p0 $0x0  }
0x12: {  	s1 =	sld [smem:$0x3F8F];
	s0 =	simm.s32 @p0 $0x1  }
0x13: {  	[smem:$0x3FAA] =	sst s0;
	s0 =	simm.s32 @!p1 $0x0  }
0x14: {  	s2 =	sld [smem:$0x3F8E];
	s0 =	simm.s32 @p1 $0x1  }
0x15: {  	[smem:$0x3FAB] =	sst s0;
	s0 =	simm.s32 @!p2 $0x0  }
0x16: {  	s3 =	sld [smem:$0x3FDB];
	s0 =	simm.s32 @p2 $0x1  }
0x17: {  	s4 =	simm.s32 $0x1BF5;
	[smem:$0x3FAD] =	sst s0  }
0x18: {  	s0 =	sld [smem:$0x3F90];
	_ =	swait.ge [sflag:s4], $0x0  }
0x19: {  	s7 =	sld [smem:$0x3F91]  }
0x1a: {  	s8 =	sadd.s32 $0xFFFFE003, lr  }
0x1b: {  	s9 =	sadd.s32 $0xFFFFFEF7, lr;
	s5 =	simm.s32 $0xFFFFFFFF;
	p2 =	slt.u32 s8, $0xFFFFF086  }
0x1c: {  	p1 =	slt.u32 s9, $0xF7A;
	s5 =	simm.s32 @!p2 $0x0  }
0x1d: {  	s5 =	simm.s32 @p1 $0x1;
	p0 =	seq.s32 s7, s2  }
0x1e: {  	s7 =	smul.u32 @!p0 $0xF7A, s2;
	p2 =	seq.s32 @!p0 s5, $0x0  }
0x1f: {  	s9 =	smul.u32 $0xF7A, s1;
	s8 =	simm.s32 @!p0 $0x1BF5;
	p2 =	por !p2, p0  }
0x20: {  	[sflag:s8] =	ssyncset.s32 @!p0 $0xFFFFF086;
	s6 =	sadd.s32 @!p0 s3, s7;
	s7 =	simm.s32 @!p0 $0x108  }
0x21: {  	s3 =	sadd.s32 s3, s9;
	s6 =	sadd.s32 @!p0 $0x88, s6;
	s7 =	simm.s32 @p2 $0x1082  }
0x22: {  	[simem:s7], [sflag:s8] =	dma.local @!p0 [hbm:s6], $0xF7A  }
0x23: {  	s9 =	sor.u32 $0xD0000000, s2;
	s6 =	simm.s32 $0x108;
	_ =	swait.ge @!p0 [sflag:s8], $0x0  }
0x24: {  	s3 =	sadd.s32 $0x88, s3;
	s6 =	simm.s32 @!p1 $0x1082;
	[sflag:s4] =	ssyncset.s32 $0xFFFFF086  }
0x25: {  	[simem:s6], [sflag:s4] =	dma.local [hbm:s3], $0xF7A  }
0x26: {  	[smem:$0x3F91] =	sst s1;
	(tag) =	ssettag s2;
	_ =	strace s9  }
0x27: {  	s1 =	sld [smem:$0x3FA1]  }
0x28: {  	s2 =	sld [smem:$0x3FA2]  }
0x29: {  	s4 =	sld [smem:$0x3FA4]  }
0x2a: {  	p0 =	seq.s32 s5, $0x0;
	s5 =	sld [smem:$0x3FA5]  }
0x2b: {  	s6 =	sld [smem:$0x3FA6]  }
0x2c: {  	s7 =	sld [smem:$0x3FA7]  }
0x2d: {  	s3 =	simm.s32 $0x108;
	s8 =	sld [smem:$0x3FA8]  }
0x2e: {  	s3 =	simm.s32 @!p0 $0x1082;
	s9 =	sld [smem:$0x3FA9]  }
0x2f: {  	lr =	sadd.s32 s0, s3;
	s0 =	sld [smem:$0x3FA0]  }
0x30: {  	s3 =	sld [smem:$0x3FA3]  }
0x31: {  	[smem:$0x3FAC] =	sst s10  }
0x32: {  	s10 =	sld [smem:$0x3FAA];
	_ =	sdelay $0x3  }
0x33: {  	p0 =	seq.s32 s10, $0x1;
	s10 =	sld [smem:$0x3FAC];
	_ =	sdelay $0x3  }
0x34: {  	[smem:$0x3FAC] =	sst s10  }
0x35: {  	s10 =	sld [smem:$0x3FAB];
	_ =	sdelay $0x3  }
0x36: {  	p1 =	seq.s32 s10, $0x1;
	s10 =	sld [smem:$0x3FAC];
	_ =	sdelay $0x3  }
0x37: {  	[smem:$0x3FAC] =	sst s10  }
0x38: {  	s10 =	sld [smem:$0x3FAD]  }
0x39: {  	_ = 	snop;
	(pc) =	sbr.ind lr, $3  }
0x3a: {  	_ = 	snop  }
0x3b: {  	_ = 	snop  }
0x3c: {  	p2 =	seq.s32 s10, $0x1;
	s10 =	sld [smem:$0x3FAC]  }
0x3d: {  	_ =	shalt  }
0x3e: {  	_ =	shalt  }
0x3f: {  	_ =	shalt  }
0x40: {  	_ =	shalt  }
0x41: {  	_ =	shalt  }
0x42: {  	_ =	shalt  }
0x43: {  	_ =	shalt  }
0x44: {  	_ =	shalt  }
0x45: {  	_ =	shalt  }
0x46: {  	_ =	shalt  }
0x47: {  	_ =	shalt  }
0x48: {  	_ =	shalt  }
0x49: {  	_ =	shalt  }
0x4a: {  	_ =	shalt  }
0x4b: {  	_ =	shalt  }
0x4c: {  	_ =	shalt  }
0x4d: {  	_ =	shalt  }
0x4e: {  	_ =	shalt  }
0x4f: {  	_ =	shalt  }
0x50: {  	_ =	shalt  }
0x51: {  	_ =	shalt  }
0x52: {  	_ =	shalt  }
0x53: {  	_ =	shalt  }
0x54: {  	_ =	shalt  }
0x55: {  	_ =	shalt  }
0x56: {  	_ =	shalt  }
0x57: {  	_ =	shalt  }
0x58: {  	_ =	shalt  }
0x59: {  	_ =	shalt  }
0x5a: {  	_ =	shalt  }
0x5b: {  	_ =	shalt  }
0x5c: {  	_ =	shalt  }
0x5d: {  	_ =	shalt  }
0x5e: {  	_ =	shalt  }
0x5f: {  	_ =	shalt  }
0x60: {  	_ =	shalt  }
0x61: {  	_ =	shalt  }
0x62: {  	_ =	shalt  }
0x63: {  	_ =	shalt  }
0x64: {  	_ =	shalt  }
0x65: {  	_ =	shalt  }
0x66: {  	_ =	shalt  }
0x67: {  	_ =	shalt  }
0x68: {  	_ =	shalt  }
0x69: {  	_ =	shalt  }
0x6a: {  	_ =	shalt  }
0x6b: {  	_ =	shalt  }
0x6c: {  	_ =	shalt  }
0x6d: {  	_ =	shalt  }
0x6e: {  	_ =	shalt  }
0x6f: {  	_ =	shalt  }
0x70: {  	_ =	shalt  }
0x71: {  	_ =	shalt  }
0x72: {  	_ =	shalt  }
0x73: {  	_ =	shalt  }
0x74: {  	_ =	shalt  }
0x75: {  	_ =	shalt  }
0x76: {  	_ =	shalt  }
0x77: {  	_ =	shalt  }
0x78: {  	_ =	shalt  }
0x79: {  	_ =	shalt  }
0x7a: {  	_ =	shalt  }
0x7b: {  	_ =	shalt  }
0x7c: {  	_ =	shalt  }
0x7d: {  	_ =	shalt  }
0x7e: {  	_ =	shalt  }
0x7f: {  	_ =	shalt  }
0x80: {  	_ =	shalt  }
0x81: {  	_ =	shalt  }
0x82: {  	_ =	shalt  }
0x83: {  	_ =	shalt  }
0x84: {  	_ =	shalt  }
0x85: {  	_ =	shalt  }
0x86: {  	_ =	shalt  }
0x87: {  	_ =	shalt  }
.Lfunc_end0:
.L_simem_size_0:
called_computation.7_lowered:
.L_overlay_start_0:
0x88: {  	s2 =	sld [smem:$0x3FD9]  }
0x89: {  	s3 =	sld [smem:$0x3FFE];
	_ =	sdelay $0x1  }
0x8a: {  	s1 =	srdreg.scid  }
0x8b: {  	s0 =	sand.u32 $0x1, s1  }
0x8c: {  	s16 =	sshll.u32 s0, $0xA;
	s2 =	sadd.s32 s3, s2  }
0x8d: {  	s2 =	sadd.s32 s2, s16  }
0x8e: {  	[smem:$0x3FB8] =	sst s2  }
0x8f: {  	_ = 	snop  }
0x90: {  	(tm) =	ssettm $0x1  }
0x91: {  	s17 =	sld [smem:$0x3FFB];
	_ =	sdelay $0x3  }
0x92: {  	_ =	strace s17  }
0x93: {  	s2 =	sld [smem:$0x3FFC];
	_ =	sdelay $0x3  }
0x94: {  	_ =	strace s2  }
0x95: {  	s2 =	sld [smem:$0x3FFD];
	_ =	sdelay $0x3  }
0x96: {  	_ =	strace s2  }
0x97: {  	_ =	strace $0x8FFFFFFF  }
0x98: {  	s18 =	sld [smem:$0x3FDB];
	_ =	sdelay $0x1  }
0x99: {  	s19 =	simm.s32 $_scs_section_size  }
0x9a: {  	s4 =	simm.s32 $_size__tile_overlayer_lowered;
	s5 =	simm.s32 $_tile_overlayer_lowered  }
0x9b: {  	s22 =	simm.s32 $0x1BFF;
	s21 =	sshll.u32 s5, $0x1;
	s2 =	sadd.s32 s19, s18  }
0x9c: {  	s6 =	simm.s32 $0x0;
	s20 =	sshll.u32 s4, $0x1;
	s4 =	sadd.s32 s21, s2  }
0x9d: {  	[timem:s6], [sflag:s22] =	dma.local [hbm:s4], s20  }
0x9e: {  	_ =	swait.ge [sflag:s22], s20  }
0x9f: {  	s3 =	ssub.s32 $0x0, s20;
	[sflag:s22] =	ssyncset.done $0x0  }
0xa0: {  	[sflag:s22] =	ssyncadd.s32 s3;
	_ =	sdelay $0x1  }
0xa1: {  	s23 =	simm.s32 $0x1B8B  }
0xa2: {  	_ =	swait.ge [sflag:s23], $0x1  }
0xa3: {  	[sflag:s23] =	ssyncset.done $0x0  }
0xa4: {  	s25 =	simm.s32 $0x1B8E;
	s24 =	sld [smem:$0x3FFE];
	[sflag:s23] =	ssyncadd.s32 $0xFFFFFFFF  }
0xa5: {  	s26 =	simm.s32 $execute0_lowered;
	[smem:$0x3FD2] =	sst s25  }
0xa6: {  	s4 =	sshll.u32 s26, $0x1;
	_ =	strace $0x80000058;
	[dreg:$0x1] =	wrdreg $0xFFFFFFFF  }
0xa7: {  	s28 =	simm.s32 $_size_execute0_lowered;
	s2 =	sadd.s32 s2, s4;
	[dreg:$0x0] =	wrdreg $0x0  }
0xa8: {  	s4 =	sshll.u32 s28, $0x1;
	[dreg:$0x2] =	wrdreg s2  }
0xa9: {  	[dreg:$0x3] =	wrdreg s4  }
0xaa: {  	[dreg:$0x4] =	wrdreg $0xC0  }
0xab: {  	_ =	task [dreg:s6], $0x5FFFF  }
0xac: {  	[dreg:$0x1] =	wrdreg $0xFFFFFFFF  }
0xad: {  	[dreg:$0x0] =	wrdreg $0x60  }
0xae: {  	[dreg:$0x2] =	wrdreg s24  }
0xaf: {  	[dreg:$0x3] =	wrdreg $0x66000  }
0xb0: {  	[dreg:$0x4] =	wrdreg $0x9  }
0xb1: {  	_ =	task.clear_ibuf [dreg:s6], $0x5FFFF;
	_ =	strace $0x90000058  }
0xb2: {  	s29 =	simm.s32 $0x9;
	_ =	strace $0x8000005A  }
0xb3: {  	_ =	swait.ge [sflag:s29], $0x1  }
0xb4: {  	[sflag:s29] =	ssyncadd.s32 $0xFFFFFFFF  }
0xb5: {  	_ =	strace $0x9000005A  }
0xb6: {  	_ =	sfence  }
0xb7: {  	s30 =	sld [smem:$0x0];
	_ =	sdelay $0x2  }
0xb8: {  	s31 =	sshll.u32 s1, $0xD;
	s1 =	sshrl.u32 s1, $0x2  }
0xb9: {  	s3 =	sand.u32 $0x4000, s31;
	s1 =	sadd.s32 s1, s30  }
0xba: {  	s0 =	sor.u32 s3, s0;
	s1 =	sshll.u32 s1, $0x11  }
0xbb: {  	s0 =	sor.u32 s1, s0  }
0xbc: {  	s0 =	sadd.s32 $0x8F2B, s0  }
0xbd: {  	[sflag:s0] =	ssyncadd.remote.s32 $0x1  }
0xbe: {  	_ =	sfence.sel $0xFFFF  }
0xbf: {  	[dreg:$0x0] =	wrdreg $0xFFFFFFFF;
	(pc) =	sbr.abs _section_cstart, $3  }
0xc0: {  	[dreg:$0x1] =	wrdreg $0xFFFFFFFF  }
0xc1: {  	_ =	task.clear_ibuf [dreg:s6], $0x2FFFF;
	_ =	strace $0x9FFFFFFF  }
0xc2: {  	(tm) =	ssettm $0x7FFFFFFF  }
0xc3: {  	_ =	shalt  }
tec
execute0_lowered:
.L_overlay_start_1:
0x0: {  	(tag) =	ssettag $0x1  }
0x1: {  	s1 =	srdreg.scid  }
0x2: {  	s0 =	stileid.u32;
	s6 =	rddreg [dreg:$0x0]  }
0x3: {  	s2 =	rddreg [dreg:$0x1];
	s3 =	simm.s32 $0x0;
	s13 =	simm.s32 $0x2B00  }
0x4: {  	s14 =	simm.s32 $0x80;
	s15 =	simm.s32 $0x5600;
	s16 =	simm.s32 $0x1  }
0x5: {  	s17 =	simm.s32 $0x0;
	s5 =	sand.u32 $0x1, s1;
	s8 =	smul.u32 $0x5000, s0  }
0x6: {  	s28 =	sshll.u32 s0, $0x1;
	[smem:$0x7FF] =	sst s3;
	s9 =	smul.u32 $0xA00, s0  }
0x7: {  	s4 =	sadd.s32 $0x66800, s6;
	s1 =	sor.u32 s5, s28;
	s10 =	smul.u32 $0xA000, s5  }
0x8: {  	s31 =	sshll.u32 s0, $0x6;
	s5 =	ssub.s32 $0x2, s5;
	s7 =	smul.u32 $0x560, s1  }
0x9: {  	s1 =	rddreg [dreg:$0x2];
	_ =	strace $0x80000059;
	s29 =	sshrl.u32 s8, $0x3  }
0xa: {  	s30 =	sshrl.u32 s5, $0x1;
	s12 =	sadd.s32 s8, s2;
	s9 =	sadd.s32 s9, s10  }
0xb: {  	s10 =	ssub.s32 s5, s30;
	s11 =	sadd.s32 s7, s6;
	s7 =	sadd.s32 s29, s6  }
0xc: {  	s9 =	sadd.s32 s9, s6;
	s6 =	sor.u32 $0x1C02, s31;
	s10 =	smax.u32 s10, $0x1  }
0xd: {  	s5 =	sadd.s32 $0x70600, s7;
	s7 =	sadd.s32 $0xD800, s11;
	s8 =	sadd.s32 $0x2C00, s11  }
0xe: {  	s9 =	sadd.s32 $0x7A600, s9;
	s11 =	sshrl.u32 s12, $0x3;
	s12 =	simm.s32 $0x2  }
.LBB2_1:
0xf: {  	[spmem:s11], [sflag:s6] =	dma.local [hbm:s5], $0xA00  }
0x10: {  	_ =	swait.ge [sflag:s12], $0xA00  }
0x11: {  	[sflag:s12] =	ssyncset.done $0x0  }
0x12: {  	[sflag:s12] =	ssyncadd.s32 $0xFFFFF600  }
0x13: {  	[bflag:$0x0] =	sbarrier.arrive $0xFFFF  }
0x14: {  	[tilespmem:s3], [sflag:$0x2] =	stream.linear.gather [hbm4b:s7+s3], $0x2B00, $0x38;
	[tilespmem:$0xB600] =	vst v63  }
0x15: {  	_ =	swait.ge [sflag:s12], $0x2B00  }
0x16: {  	[sflag:s12] =	ssyncset.done $0x0  }
0x17: {  	[sflag:s12] =	ssyncadd.s32 $0xFFFFD500  }
0x18: {  	[tilespmem:s13], [sflag:$0x2] =	stream.linear.gather [hbm4b:s8+s3], $0x2B00, $0x38;
	[tilespmem:$0xB600] =	vst v63  }
0x19: {  	_ =	swait.ge [sflag:s12], $0x2B00  }
0x1a: {  	[sflag:s12] =	ssyncset.done $0x0  }
0x1b: {  	s18 =	simm.s32 $0x0;
	[sflag:s12] =	ssyncadd.s32 $0xFFFFD500  }
0x1c: {  	[tilespmem:s15], [sflag:$0x1] =	stream.indirect.gather [hbm4b:s4+s14], $0x20, s18, s14, $0xb8;
	[tilespmem:$0xB600] =	vst v63  }
0x1d: {  	_ =	swait.ge [sflag:s16], $0x1000  }
0x1e: {  	[sflag:s16] =	ssyncset.done $0x0  }
0x1f: {  	s31 =	simm.s32 $0x2B00;
	[sflag:s16] =	ssyncadd.s32 $0xFFFFF000  }
0x20: {  	[spmem:s2] =	stream.indirect.scatter.add.f32 [tilespmem:s15], [sflag:$0x2], $0x20, s31, s14, $0xb8;
	[tilespmem:$0xB600] =	vst v63  }
0x21: {  	_ =	swait.ge [sflag:s12], $0x1000  }
0x22: {  	s19 =	simm.s32 $0x400;
	s18 =	simm.s32 $0x200;
	[sflag:s12] =	ssyncset.done $0x0  }
.LBB2_2:
0x23: {  	s20 =	sshra.s32 s18, $0x2  }
0x24: {  	[sflag:s12] =	ssyncadd.s32 $0xFFFFF000;
	s18 =	smov.u32 s19;
	s21 =	sadd.s32 $0x200, s19  }
0x25: {  	[tilespmem:s15], [sflag:$0x1] =	stream.indirect.gather [hbm4b:s4+s14], $0x20, s20, s14, $0xb8;
	[tilespmem:$0xB600] =	vst v63  }
0x26: {  	p0 =	sne.s32 s19, $0xAA00;
	_ =	swait.ge [sflag:s16], $0x1000  }
.Ltmp0:
0x27: {  	[sflag:s16] =	ssyncset.done $0x0;
	(pc) =	sbr.rel @p0 .LBB2_2-.Ltmp0, $4  }
0x28: {  	s19 =	sadd.s32 $0x2B00, s20;
	[sflag:s16] =	ssyncadd.s32 $0xFFFFF000  }
0x29: {  	[spmem:s2] =	stream.indirect.scatter.add.f32 [tilespmem:s15], [sflag:$0x2], $0x20, s19, s14, $0xb8;
	[tilespmem:$0xB600] =	vst v63  }
0x2a: {  	_ =	swait.ge [sflag:s12], $0x1000  }
0x2b: {  	s19 =	smov.u32 s21;
	[sflag:s12] =	ssyncset.done $0x0  }
0x2c: {  	s18 =	sshra.s32 s18, $0x2;
	[sflag:s12] =	ssyncadd.s32 $0xFFFFF000  }
0x2d: {  	[tilespmem:s15], [sflag:$0x1] =	stream.indirect.gather [hbm4b:s4+s14], $0x20, s18, s14, $0xb8;
	[tilespmem:$0xB600] =	vst v63  }
0x2e: {  	_ =	swait.ge [sflag:s16], $0x1000  }
0x2f: {  	[sflag:s16] =	ssyncset.done $0x0  }
0x30: {  	s18 =	sadd.s32 $0x2B00, s18;
	[sflag:s16] =	ssyncadd.s32 $0xFFFFF000  }
0x31: {  	[spmem:s2] =	stream.indirect.scatter.add.f32 [tilespmem:s15], [sflag:$0x2], $0x20, s18, s14, $0xb8;
	[tilespmem:$0xB600] =	vst v63  }
0x32: {  	_ =	swait.ge [sflag:s12], $0x1000  }
0x33: {  	s17 =	sadd.s32 $0x1, s17;
	[sflag:s12] =	ssyncset.done $0x0  }
0x34: {  	p0 =	sne.s32 s17, s10;
	[sflag:s12] =	ssyncadd.s32 $0xFFFFF000  }
.Ltmp1:
0x35: {  	[bflag:$0x0] =	sbarrier.arrive $0xFFFF;
	(pc) =	sbr.rel @p0 .LBB2_1-.Ltmp1, $4  }
0x36: {  	[hbm:s9], [sflag:s6] =	dma.local [spmem:s11], $0xA00  }
0x37: {  	_ =	swait.ge [sflag:s12], $0xA00  }
0x38: {  	[sflag:s12] =	ssyncset.done $0x0  }
0x39: {  	[sflag:s12] =	ssyncadd.s32 $0xFFFFF600  }
0x3a: {  	_ =	sfence.sel $0x180000  }
0x3b: {  	[bflag:$0x0] =	sbarrier.arrive $0xFFFF  }
0x3c: {  	p0 =	sne.s32 s0, $0x0;
	_ =	strace $0x90000059  }
0x3d: {  	s0 =	sadd.s32 @!p0 $0x100000, s1;
	[bflag:$0x2] =	sbarrier.arrive $0xFFFF  }
0x3e: {  	[sflag:s0] =	ssyncadd.tile.s32 @!p0 $0x1;
	_ =	shalt  }
.Lfunc_end2:
_tile_overlayer_lowered:
.L_overlay_start_2:
0x3f: {  	(tag) =	ssettag $0x2  }
0x40: {  	s0 =	rddreg [dreg:$0x0];
	s2 =	stileid.u32  }
0x41: {  	s1 =	rddreg [dreg:$0x1];
	p0 =	sne.s32 s2, $0x0  }
0x42: {  	s3 =	rddreg [dreg:$0x2];
	[bflag:$0x3] =	sbarrier.arrive $0xFFFF;
	s2 =	simm.s32 @!p0 $0x1C02  }
0x43: {  	[timem:s3], [sflag:s2] =	dma.local @!p0 [hbm:s0], s1  }
0x44: {  	s0 =	simm.s32 @!p0 $0x2  }
0x45: {  	_ =	swait.ge @!p0 [sflag:s0], s1  }
0x46: {  	s1 =	ssub.s32 @!p0 $0x0, s1;
	[sflag:s0] =	ssyncset.done @!p0 $0x0  }
0x47: {  	[sflag:s0] =	ssyncadd.s32 @!p0 s1  }
0x48: {  	[bflag:$0x3] =	sbarrier.arrive $0xFFFF  }
0x49: {  	_ =	shalt  }

// kernel: sparse-core-data-format-call.1.cloned.1.call-start
scs
called_computation.1_lowered:
.L_overlay_start_0:
0x0: {  	s1 =	sld [smem:$0x3FD9]  }
0x1: {  	s2 =	sld [smem:$0x3FFE];
	_ =	sdelay $0x1  }
0x2: {  	s3 =	srdreg.scid  }
0x3: {  	s0 =	sand.u32 $0x1, s3  }
0x4: {  	s17 =	sshll.u32 s0, $0xA;
	s1 =	sadd.s32 s2, s1  }
0x5: {  	s1 =	sadd.s32 s1, s17  }
0x6: {  	[smem:$0x3FB8] =	sst s1  }
0x7: {  	_ = 	snop  }
0x8: {  	(tm) =	ssettm $0x1  }
0x9: {  	s18 =	sld [smem:$0x3FFB];
	_ =	sdelay $0x3  }
0xa: {  	_ =	strace s18  }
0xb: {  	s1 =	sld [smem:$0x3FFC];
	_ =	sdelay $0x3  }
0xc: {  	_ =	strace s1  }
0xd: {  	s1 =	sld [smem:$0x3FFD];
	_ =	sdelay $0x3  }
0xe: {  	_ =	strace s1  }
0xf: {  	_ =	strace $0x8FFFFFFF  }
0x10: {  	s19 =	sld [smem:$0x3FDB];
	_ =	sdelay $0x1  }
0x11: {  	s20 =	simm.s32 $_scs_section_size  }
0x12: {  	s4 =	simm.s32 $_size__tile_overlayer_lowered;
	s5 =	simm.s32 $_tile_overlayer_lowered  }
0x13: {  	s23 =	simm.s32 $0x1BFF;
	s22 =	sshll.u32 s5, $0x1;
	s1 =	sadd.s32 s20, s19  }
0x14: {  	s6 =	simm.s32 $0x0;
	s21 =	sshll.u32 s4, $0x1;
	s4 =	sadd.s32 s22, s1  }
0x15: {  	[timem:s6], [sflag:s23] =	dma.local [hbm:s4], s21  }
0x16: {  	_ =	swait.ge [sflag:s23], s21  }
0x17: {  	s2 =	ssub.s32 $0x0, s21;
	[sflag:s23] =	ssyncset.done $0x0  }
0x18: {  	[sflag:s23] =	ssyncadd.s32 s2;
	_ =	sdelay $0x1  }
0x19: {  	s24 =	simm.s32 $0x1B8B  }
0x1a: {  	_ =	swait.ge [sflag:s24], $0x1  }
0x1b: {  	[sflag:s24] =	ssyncset.done $0x0  }
0x1c: {  	s26 =	simm.s32 $0x1B8E;
	s25 =	sld [smem:$0x3FFE];
	[sflag:s24] =	ssyncadd.s32 $0xFFFFFFFF  }
0x1d: {  	s27 =	simm.s32 $execute0_lowered;
	[smem:$0x3FD2] =	sst s26  }
0x1e: {  	s4 =	sshll.u32 s27, $0x1;
	_ =	strace $0x80000046;
	[dreg:$0x1] =	wrdreg $0xFFFFFFFF  }
0x1f: {  	s28 =	simm.s32 $_size_execute0_lowered;
	s1 =	sadd.s32 s1, s4;
	[dreg:$0x0] =	wrdreg $0x0  }
0x20: {  	s4 =	sshll.u32 s28, $0x1;
	[dreg:$0x2] =	wrdreg s1  }
0x21: {  	[dreg:$0x3] =	wrdreg s4  }
0x22: {  	[dreg:$0x4] =	wrdreg $0xC0  }
0x23: {  	_ =	task [dreg:s6], $0x5FFFF  }
0x24: {  	[dreg:$0x1] =	wrdreg $0xFFFFFFFF  }
0x25: {  	[dreg:$0x0] =	wrdreg $0x60  }
0x26: {  	[dreg:$0x2] =	wrdreg s25  }
0x27: {  	[dreg:$0x3] =	wrdreg $0x9  }
0x28: {  	_ =	task.clear_ibuf [dreg:s6], $0x4FFFF;
	_ =	strace $0x90000046  }
0x29: {  	s29 =	simm.s32 $0x9;
	_ =	strace $0x80000048  }
0x2a: {  	_ =	swait.ge [sflag:s29], $0x1  }
0x2b: {  	[sflag:s29] =	ssyncadd.s32 $0xFFFFFFFF  }
0x2c: {  	_ =	strace $0x90000048  }
0x2d: {  	_ =	sfence  }
0x2e: {  	s30 =	sld [smem:$0x0];
	_ =	sdelay $0x2  }
0x2f: {  	s31 =	sshll.u32 s3, $0xD;
	s3 =	sshrl.u32 s3, $0x2  }
0x30: {  	s2 =	sand.u32 $0x4000, s31;
	s1 =	sadd.s32 s3, s30  }
0x31: {  	s0 =	sor.u32 s2, s0;
	s1 =	sshll.u32 s1, $0x11  }
0x32: {  	s0 =	sor.u32 s1, s0  }
0x33: {  	s0 =	sadd.s32 $0x8F2B, s0  }
0x34: {  	[sflag:s0] =	ssyncadd.remote.s32 $0x1  }
0x35: {  	_ =	sfence.sel $0xFFFF  }
0x36: {  	[dreg:$0x0] =	wrdreg $0xFFFFFFFF;
	(pc) =	sbr.abs _section_cstart, $3  }
0x37: {  	[dreg:$0x1] =	wrdreg $0xFFFFFFFF  }
0x38: {  	_ =	task.clear_ibuf [dreg:s6], $0x2FFFF;
	_ =	strace $0x9FFFFFFF  }
0x39: {  	(tm) =	ssettm $0x7FFFFFFF  }
tec
execute0_lowered:
.L_overlay_start_1:
0x0: {  	(tag) =	ssettag $0x1  }
0x1: {  	s1 =	rddreg [dreg:$0x0]  }
0x2: {  	s0 =	rddreg [dreg:$0x1]  }
0x3: {  	_ =	strace $0x80000047;
	s4 =	srdreg.scid;
	s6 =	simm.s32 $0x2  }
0x4: {  	s13 =	simm.s32 $0x0;
	p0 =	por $0x0, $0x0;
	s15 =	simm.s32 $0x0  }
0x5: {  	s14 =	simm.s32 $0x0;
	s8 =	simm.s32 $0x0;
	s9 =	simm.s32 $0x0  }
.Ltmp0:
0x6: {  	s10 =	simm.s32 $0x0;
	s12 =	simm.s32 $0x0;
	(pc) =	sbr.rel .LBB1_1-.Ltmp0, $4  }
0x7: {  	s2 =	sadd.s32 $0x16800, s1;
	s3 =	sadd.s32 $0x156800, s1;
	s5 =	sshll.u32 s4, $0x4  }
0x8: {  	s1 =	stileid.u32;
	s4 =	simm.s32 $0x1;
	s5 =	sand.u32 $0x10, s5  }
0x9: {  	s7 =	simm.s32 $0x0;
	[sflag:s4] =	ssyncpa.u1 $0x0;
	s5 =	sor.u32 s1, s5  }
0xa: {  	[sflag:s6] =	ssyncpa.u1 $0x0;
	s6 =	simm.s32 $0x0;
	s11 =	smov.u32 s5  }
.LBB1_5:
0xb: {  	p1 =	slt.u32 s7, $0x2  }
0xc: {  	p2 =	sgt.s32 @!p1 s15, $0x1F  }
0xd: {  	s16 =	smov.u32 s15;
	s17 =	sshra.s32 @!p1 s15, $0x1F;
	p2 =	por !p2, p1  }
0xe: {  	s15 =	sand.u32 @!p1 s17, s15;
	s16 =	simm.s32 @p2 $0x1F  }
0xf: {  	p3 =	sgt.s32 @!p1 s13, $0x948;
	s15 =	ssub.s32 @!p1 s16, s15  }
0x10: {  	p3 =	por !p3, p1;
	s17 =	smov.u32 s13;
	s16 =	sadd.s32 @!p1 $0xFFFFFFE1, s15  }
0x11: {  	s15 =	ssub.s32 @!p1 $0x20, s15;
	p2 =	sgt.s32 @!p1 s16, $0x0;
	s16 =	sshra.s32 @!p1 s13, $0x1F  }
0x12: {  	s13 =	sand.u32 @!p1 s16, s13;
	s16 =	ssub.s32 @!p1 $0x0, s14;
	p2 =	por !p2, p1  }
0x13: {  	s17 =	simm.s32 @p3 $0x948;
	s14 =	smin.u32 @!p1 s14, s16;
	s15 =	simm.s32 @!p2 $0x0  }
0x14: {  	s13 =	ssub.s32 @!p1 s17, s13;
	s17 =	smov.u32 s11;
	p2 =	sgt.s32 @!p1 s14, $0x7F  }
0x15: {  	s16 =	sadd.s32 @!p1 $0xFFFFF6B8, s13;
	s14 =	ssub.s32 @!p1 $0x80, s14;
	p2 =	por !p2, p1  }
0x16: {  	s13 =	ssub.s32 @!p1 $0x9C8, s13;
	p3 =	sgt.s32 @!p1 s16, $0x7F;
	s14 =	simm.s32 @!p2 $0x0  }
0x17: {  	s16 =	sadd.s32 $0x80, s10;
	p2 =	por !p3, p1;
	s14 =	smul.u32 @!p1 s14, s15  }
0x18: {  	s13 =	simm.s32 @!p2 $0x0;
	p2 =	sgt.s32 s16, $0x9C3;
	s15 =	sadd.s32 $0x20, s11  }
0x19: {  	s18 =	smov.u32 s12;
	s17 =	smov.u32 @p2 s15  }
0x1a: {  	s13 =	smul.u32 @!p1 s13, s14;
	p3 =	sgt.s32 s17, $0x1F;
	s14 =	sadd.s32 $0x80, s12  }
0x1b: {  	s7 =	sadd.s32 $0x1, s7;
	p0 =	por !p0, !p0;
	s18 =	smov.u32 @p3 s14  }
0x1c: {  	s19 =	simm.s32 @!p1 $0x2;
	s16 =	simm.s32 @p2 $0x0;
	p2 =	sgt.s32 s18, $0x7F  }
0x1d: {  	s15 =	smov.u32 s8;
	s18 =	simm.s32 @p2 $0x0;
	p2 =	sne.s32 s7, $0x16  }
.Ltmp1:
0x1e: {  	s8 =	smov.u32 s11;
	s17 =	smov.u32 @p3 s5;
	(pc) =	sbr.rel @!p2 .LBB1_6-.Ltmp1, $4  }
0x1f: {  	s14 =	smov.u32 s9;
	s9 =	smov.u32 s12;
	s13 =	sand.u32 @!p1 $0x3FFFFFFF, s13  }
0x20: {  	s11 =	smov.u32 s17;
	_ =	swait.ge @!p1 [sflag:s19], s13;
	s20 =	ssub.s32 @!p1 $0x0, s13  }
0x21: {  	s13 =	smov.u32 s6;
	s6 =	smov.u32 s10;
	[sflag:s19] =	ssyncset.done @!p1 $0x0  }
0x22: {  	s10 =	smov.u32 s16;
	s12 =	smov.u32 s18;
	[sflag:s19] =	ssyncadd.s32 @!p1 s20  }
.LBB1_1:
0x23: {  	p1 =	sgt.u32 s7, $0x13  }
0x24: {  	s16 =	sshrl.u32 @!p1 s11, $0x3  }
0x25: {  	s17 =	sshll.u32 @!p1 s10, $0x3;
	s16 =	smul.u32 @!p1 $0x5000, s16  }
0x26: {  	s18 =	sshll.u32 @!p1 s11, $0x7;
	s17 =	sand.u32 @!p1 $0xFFFFFC00, s17  }
0x27: {  	s16 =	sadd.s32 @!p1 s16, s17;
	s17 =	sand.u32 @!p1 $0x380, s18  }
0x28: {  	s18 =	sand.u32 @!p1 $0x7F, s10;
	s16 =	sor.u32 @!p1 s17, s16  }
0x29: {  	s17 =	sor.u32 @!p1 s18, s16  }
0x2a: {  	s18 =	smulhi.u32 @!p1 $0xCCCCCCCD, s17  }
0x2b: {  	s16 =	smulhi.u32 @!p1 $0xCCCCCCCD, s16  }
0x2c: {  	s18 =	sshrl.u32 @!p1 s18, $0xB  }
0x2d: {  	s16 =	sshrl.u32 @!p1 s16, $0xB;
	s18 =	smul.u32 @!p1 $0xA00, s18  }
0x2e: {  	s19 =	sxor.u32 @!p1 $0xFFFFFFFF, s7;
	s20 =	smul.u32 @!p1 $0x2800, s12;
	s16 =	sand.u32 @!p1 $0x1F, s16  }
0x2f: {  	s19 =	sshll.u32 @!p1 s19, $0xE;
	s16 =	smul.u32 @!p1 $0x140, s16;
	s17 =	ssub.s32 @!p1 s17, s18  }
0x30: {  	s18 =	sand.u32 @!p1 $0x4000, s19;
	s19 =	sadd.s32 @!p1 s2, s20;
	s20 =	sand.u32 @!p1 $0x7, s17  }
0x31: {  	s17 =	sshrl.u32 @!p1 s17, $0x3;
	s16 =	sadd.s32 @!p1 s16, s19;
	s19 =	sshll.u32 @!p1 s20, $0x12  }
0x32: {  	s16 =	sadd.s32 @!p1 s17, s16;
	s17 =	sor.u32 @!p1 $0x80, s19;
	s19 =	simm.s32 @!p1 $0x14000  }
0x33: {  	[tilespmem:s18], [sflag:$0x1] =	stream.strided.gather @!p1 [hbm4b:s16+s17], $0x4000, s19, s17, $0x38;
	[tilespmem:$0x10100] =	vst v63  }
0x34: {  	p1 =	seq.s32 s7, $0x0  }
0x35: {  	p2 =	seq.s32 @!p1 s7, $0x15  }
0x36: {  	p1 =	por p1, p2  }
.Ltmp2:
0x37: {  	_ = 	snop;
	(pc) =	sbr.rel @p1 .LBB1_5-.Ltmp2, $1  }
0x38: {  	_ =	sdelay $0x3  }
0x39: {  	s16 =	simm.s32 $0x1  }
0x3a: {  	_ =	swait.ge [sflag:s4], $0x4000;
	s16 =	simm.s32 @!p0 $0x0  }
0x3b: {  	[sflag:s4] =	ssyncset.done $0x0;
	s17 =	sshll.u32 s16, $0xE  }
0x3c: {  	[sflag:s4] =	ssyncadd.s32 $0xFFFFC000;
	s17 =	sor.u32 $0x40, s17  }
0x3d: {  	s16 =	smul.u32 $0x10200, s16;
	v0 =	vld [tilespmem:s17+$0x30]  }
0x3e: {  	v1 =	vld [tilespmem:s17+$0xFFFFFFD0]  }
0x3f: {  	s16 =	sshrl.u32 s16, $0x2;
	v5 =	vld [tilespmem:s17+$0xFFFFFFE0]  }
0x40: {  	v6 =	vld [tilespmem:s17+$0xFFFFFFF0];
	s19 =	sor.u32 $0x8000, s16  }
0x41: {  	s31 =	sand.u32 $0x1, s7;
	v4 =	vld [tilespmem:s17+$0x0];
	s18 =	sadd.s32 $0x0, s19  }
0x42: {  	v3 =	vld [tilespmem:s17+$0x10];
	s16 =	smul.u32 $0x10200, s31;
	[tilespmem:s18+$0x3870 ss:$0x81] =	vst.msk $0xffff, v0  }
0x43: {  	v2 =	vld [tilespmem:s17+$0x20];
	[tilespmem:s18+$0x810 ss:$0x81] =	vst.msk $0xffff, v1  }
0x44: {  	s16 =	sshrl.u32 s16, $0x2;
	v0 =	vld [tilespmem:s17+$0xFFFFFFC0];
	[tilespmem:s18+$0x1020 ss:$0x81] =	vst.msk $0xffff, v5;
	s17 =	sadd.s32 $0x80, s17  }
0x45: {  	s20 =	simm.s32 $0x4;
	s21 =	simm.s32 $0x8;
	s16 =	sor.u32 $0x8000, s16;
	[tilespmem:s18+$0x1830 ss:$0x81] =	vst.msk $0xffff, v6;
	v1 =	vld [tilespmem:s17+$0x30]  }
.LBB1_3:
0x46: {  	p1 =	sne.s32 s21, $0x1FC;
	v5 =	vld [tilespmem:s17+$0xFFFFFFD0];
	[tilespmem:s18+$0x2040 ss:$0x81] =	vst.msk $0xffff, v4  }
0x47: {  	v6 =	vld [tilespmem:s17+$0xFFFFFFE0];
	[tilespmem:s18+$0x2850 ss:$0x81] =	vst.msk $0xffff, v3  }
0x48: {  	s22 =	sshra.s32 s20, $0x2;
	s20 =	smov.u32 s21;
	v7 =	vld [tilespmem:s17+$0xFFFFFFF0];
	[tilespmem:s18+$0x3060 ss:$0x81] =	vst.msk $0xffff, v2  }
.Ltmp3:
0x49: {  	v4 =	vld [tilespmem:s17+$0x0];
	[tilespmem:s18+$0x0 ss:$0x81] =	vst.msk $0xffff, v0;
	s18 =	sadd.s32 s22, s19;
	(pc) =	sbr.rel @p1 .LBB1_3-.Ltmp3, $4  }
0x4a: {  	v3 =	vld [tilespmem:s17+$0x10];
	[tilespmem:s18+$0x3870 ss:$0x81] =	vst.msk $0xffff, v1  }
0x4b: {  	[tilespmem:s18+$0x810 ss:$0x81] =	vst.msk $0xffff, v5;
	v2 =	vld [tilespmem:s17+$0x20]  }
0x4c: {  	v0 =	vld [tilespmem:s17+$0xFFFFFFC0];
	[tilespmem:s18+$0x1020 ss:$0x81] =	vst.msk $0xffff, v6;
	s17 =	sadd.s32 $0x80, s17  }
0x4d: {  	s21 =	sadd.s32 $0x4, s21;
	v1 =	vld [tilespmem:s17+$0x30];
	[tilespmem:s18+$0x1830 ss:$0x81] =	vst.msk $0xffff, v7  }
0x4e: {  	s21 =	sshll.u32 s6, $0x7  }
0x4f: {  	s22 =	sshll.u32 s9, $0x3;
	p1 =	sgt.s32 s8, $0x1F;
	s27 =	sshra.s32 s8, $0x1F  }
0x50: {  	s20 =	sshra.s32 s20, $0x2;
	s23 =	sand.u32 $0xFFFFFC00, s21;
	s22 =	sand.u32 $0xFFFFFC00, s22  }
0x51: {  	s30 =	ssub.s32 $0x0, s9;
	s21 =	sand.u32 $0x380, s21;
	s22 =	sadd.s32 s22, s23  }
0x52: {  	[tilespmem:s18+$0x2040 ss:$0x81] =	vst.msk $0xffff, v4;
	s31 =	sshra.s32 s6, $0x1F;
	s21 =	sor.u32 s21, s22;
	s22 =	smov.u32 s8  }
0x53: {  	s19 =	sadd.s32 s20, s19;
	[tilespmem:s18+$0x2850 ss:$0x81] =	vst.msk $0xffff, v3;
	s23 =	sand.u32 s27, s8;
	s22 =	simm.s32 @!p1 $0x1F  }
0x54: {  	v5 =	vld [tilespmem:s17+$0xFFFFFFD0];
	[tilespmem:s18+$0x3060 ss:$0x81] =	vst.msk $0xffff, v2;
	s27 =	smul.u32 $0x9C80, s8;
	s21 =	sshrl.u32 s21, $0x7;
	s22 =	ssub.s32 s22, s23  }
0x55: {  	v58 =	vld [tilespmem:s17+$0xFFFFFFE0];
	[tilespmem:s18+$0x0 ss:$0x81] =	vst.msk $0xffff, v0;
	s18 =	sand.u32 s31, s6;
	s24 =	smulhi.u32 $0x1A2C2A9, s21;
	s28 =	sadd.s32 $0xFFFFFFE1, s22  }
0x56: {  	v59 =	vld [tilespmem:s17+$0xFFFFFFF0];
	s20 =	ssub.s32 $0x20, s22;
	s22 =	smov.u32 s6;
	p1 =	sgt.s32 s28, $0x0  }
0x57: {  	v60 =	vld [tilespmem:s17+$0x0];
	s29 =	sshrl.u32 s24, $0x4;
	s20 =	simm.s32 @p1 $0x0;
	p1 =	sgt.s32 s6, $0x948  }
0x58: {  	v61 =	vld [tilespmem:s17+$0x10];
	[tilespmem:s19+$0x3870 ss:$0x81] =	vst.msk $0xffff, v1;
	s24 =	smin.u32 s9, s30;
	s28 =	sshrl.u32 s9, $0x3;
	s22 =	simm.s32 @!p1 $0x948  }
0x59: {  	v62 =	vld [tilespmem:s17+$0x20];
	[tilespmem:s19+$0x810 ss:$0x81] =	vst.msk $0xffff, v5;
	p1 =	sgt.s32 s24, $0x7F;
	s24 =	ssub.s32 $0x80, s24;
	s18 =	ssub.s32 s22, s18  }
0x5a: {  	v63 =	vld [tilespmem:s17+$0xFFFFFFC0];
	[tilespmem:s19+$0x1020 ss:$0x81] =	vst.msk $0xffff, v58;
	s23 =	smul.u32 $0x9C8, s29;
	s24 =	simm.s32 @p1 $0x0;
	s26 =	sadd.s32 $0xFFFFF6B8, s18  }
0x5b: {  	[tilespmem:s19+$0x1830 ss:$0x81] =	vst.msk $0xffff, v59;
	s25 =	smul.u32 s24, s20;
	s18 =	ssub.s32 $0x9C8, s18;
	p1 =	sgt.s32 s26, $0x7F  }
.Ltmp4:
0x5c: {  	[tilespmem:s19+$0x2040 ss:$0x81] =	vst.msk $0xffff, v60;
	s29 =	sand.u32 $0xF, s28;
	s18 =	simm.s32 @p1 $0x0;
	(pc) =	sbr.rel .LBB1_5-.Ltmp4, $4  }
0x5d: {  	[tilespmem:s19+$0x2850 ss:$0x81] =	vst.msk $0xffff, v61;
	s21 =	ssub.s32 s21, s23;
	s20 =	sadd.s32 s3, s27;
	s17 =	smul.u32 s18, s25  }
0x5e: {  	[tilespmem:s19+$0x3060 ss:$0x81] =	vst.msk $0xffff, v62;
	s30 =	sshll.u32 s21, $0x4;
	s18 =	sadd.s32 s29, s20  }
0x5f: {  	s31 =	sand.u32 $0x7, s9;
	[tilespmem:s19+$0x0 ss:$0x81] =	vst.msk $0xffff, v63;
	s18 =	sadd.s32 s30, s18;
	s17 =	sand.u32 $0x3FFFFFFF, s17  }
0x60: {  	[hbm4b:s18+s31] =	stream.linear.scatter [tilespmem:s16], [sflag:$0x2], s17, $0x20;
	[tilespmem:$0x10100] =	vst v63  }
.LBB1_6:
0x61: {  	_ =	sfence.sel $0x180000  }
0x62: {  	s2 =	simm.s32 $0x1;
	[bflag:$0x0] =	sbarrier.arrive $0xFFFF  }
0x63: {  	s31 =	simm.s32 $0x2;
	[sflag:s2] =	ssyncpa.u1 $0x1  }
0x64: {  	[sflag:s31] =	ssyncpa.u1 $0x1  }
0x65: {  	p0 =	sne.s32 s1, $0x0;
	_ =	strace $0x90000047  }
0x66: {  	s0 =	sadd.s32 @!p0 $0x100000, s0;
	[bflag:$0x2] =	sbarrier.arrive $0xFFFF  }
0x67: {  	[sflag:s0] =	ssyncadd.tile.s32 @!p0 $0x1;
	_ =	shalt  }
.Lfunc_end1:
_tile_overlayer_lowered:
.L_overlay_start_2:
0x68: {  	(tag) =	ssettag $0x2  }
0x69: {  	s0 =	rddreg [dreg:$0x0];
	s2 =	stileid.u32  }
0x6a: {  	s1 =	rddreg [dreg:$0x1];
	p0 =	sne.s32 s2, $0x0  }
0x6b: {  	s3 =	rddreg [dreg:$0x2];
	[bflag:$0x3] =	sbarrier.arrive $0xFFFF;
	s2 =	simm.s32 @!p0 $0x1C01  }
0x6c: {  	[timem:s3], [sflag:s2] =	dma.local @!p0 [hbm:s0], s1  }
0x6d: {  	s0 =	simm.s32 @!p0 $0x1  }
0x6e: {  	_ =	swait.ge @!p0 [sflag:s0], s1  }
0x6f: {  	s1 =	ssub.s32 @!p0 $0x0, s1;
	[sflag:s0] =	ssyncset.done @!p0 $0x0  }
0x70: {  	[sflag:s0] =	ssyncadd.s32 @!p0 s1  }
0x71: {  	[bflag:$0x3] =	sbarrier.arrive $0xFFFF  }
0x72: {  	_ =	shalt  }

// kernel: sparse-core-data-format-call.cloned.1.call-start
scs
called_computation_lowered:
.L_overlay_start_0:
0x0: {  	s1 =	sld [smem:$0x3FD9]  }
0x1: {  	s2 =	sld [smem:$0x3FFE];
	_ =	sdelay $0x1  }
0x2: {  	s3 =	srdreg.scid  }
0x3: {  	s0 =	sand.u32 $0x1, s3  }
0x4: {  	s17 =	sshll.u32 s0, $0xA;
	s1 =	sadd.s32 s2, s1  }
0x5: {  	s1 =	sadd.s32 s1, s17  }
0x6: {  	[smem:$0x3FB8] =	sst s1  }
0x7: {  	_ = 	snop  }
0x8: {  	(tm) =	ssettm $0x1  }
0x9: {  	s18 =	sld [smem:$0x3FFB];
	_ =	sdelay $0x3  }
0xa: {  	_ =	strace s18  }
0xb: {  	s1 =	sld [smem:$0x3FFC];
	_ =	sdelay $0x3  }
0xc: {  	_ =	strace s1  }
0xd: {  	s1 =	sld [smem:$0x3FFD];
	_ =	sdelay $0x3  }
0xe: {  	_ =	strace s1  }
0xf: {  	_ =	strace $0x8FFFFFFF  }
0x10: {  	s19 =	sld [smem:$0x3FDB];
	_ =	sdelay $0x1  }
0x11: {  	s20 =	simm.s32 $_scs_section_size  }
0x12: {  	s4 =	simm.s32 $_size__tile_overlayer_lowered;
	s5 =	simm.s32 $_tile_overlayer_lowered  }
0x13: {  	s23 =	simm.s32 $0x1BFF;
	s22 =	sshll.u32 s5, $0x1;
	s1 =	sadd.s32 s20, s19  }
0x14: {  	s6 =	simm.s32 $0x0;
	s21 =	sshll.u32 s4, $0x1;
	s4 =	sadd.s32 s22, s1  }
0x15: {  	[timem:s6], [sflag:s23] =	dma.local [hbm:s4], s21  }
0x16: {  	_ =	swait.ge [sflag:s23], s21  }
0x17: {  	s2 =	ssub.s32 $0x0, s21;
	[sflag:s23] =	ssyncset.done $0x0  }
0x18: {  	[sflag:s23] =	ssyncadd.s32 s2;
	_ =	sdelay $0x1  }
0x19: {  	s24 =	simm.s32 $0x1B8B  }
0x1a: {  	_ =	swait.ge [sflag:s24], $0x1  }
0x1b: {  	[sflag:s24] =	ssyncset.done $0x0  }
0x1c: {  	s26 =	simm.s32 $0x1B8E;
	s25 =	sld [smem:$0x3FFE];
	[sflag:s24] =	ssyncadd.s32 $0xFFFFFFFF  }
0x1d: {  	s27 =	simm.s32 $execute0_lowered;
	[smem:$0x3FD2] =	sst s26  }
0x1e: {  	s4 =	sshll.u32 s27, $0x1;
	_ =	strace $0x80000049;
	[dreg:$0x1] =	wrdreg $0xFFFFFFFF  }
0x1f: {  	s28 =	simm.s32 $_size_execute0_lowered;
	s1 =	sadd.s32 s1, s4;
	[dreg:$0x0] =	wrdreg $0x0  }
0x20: {  	s4 =	sshll.u32 s28, $0x1;
	[dreg:$0x2] =	wrdreg s1  }
0x21: {  	[dreg:$0x3] =	wrdreg s4  }
0x22: {  	[dreg:$0x4] =	wrdreg $0xC0  }
0x23: {  	_ =	task [dreg:s6], $0x5FFFF  }
0x24: {  	[dreg:$0x1] =	wrdreg $0xFFFFFFFF  }
0x25: {  	[dreg:$0x0] =	wrdreg $0x60  }
0x26: {  	[dreg:$0x2] =	wrdreg s25  }
0x27: {  	[dreg:$0x3] =	wrdreg $0x9  }
0x28: {  	_ =	task.clear_ibuf [dreg:s6], $0x4FFFF;
	_ =	strace $0x90000049  }
0x29: {  	s29 =	simm.s32 $0x9;
	_ =	strace $0x8000004B  }
0x2a: {  	_ =	swait.ge [sflag:s29], $0x1  }
0x2b: {  	[sflag:s29] =	ssyncadd.s32 $0xFFFFFFFF  }
0x2c: {  	_ =	strace $0x9000004B  }
0x2d: {  	_ =	sfence  }
0x2e: {  	s30 =	sld [smem:$0x0];
	_ =	sdelay $0x2  }
0x2f: {  	s31 =	sshll.u32 s3, $0xD;
	s3 =	sshrl.u32 s3, $0x2  }
0x30: {  	s2 =	sand.u32 $0x4000, s31;
	s1 =	sadd.s32 s3, s30  }
0x31: {  	s0 =	sor.u32 s2, s0;
	s1 =	sshll.u32 s1, $0x11  }
0x32: {  	s0 =	sor.u32 s1, s0  }
0x33: {  	s0 =	sadd.s32 $0x8F2B, s0  }
0x34: {  	[sflag:s0] =	ssyncadd.remote.s32 $0x1  }
0x35: {  	_ =	sfence.sel $0xFFFF  }
0x36: {  	[dreg:$0x0] =	wrdreg $0xFFFFFFFF;
	(pc) =	sbr.abs _section_cstart, $3  }
0x37: {  	[dreg:$0x1] =	wrdreg $0xFFFFFFFF  }
0x38: {  	_ =	task.clear_ibuf [dreg:s6], $0x2FFFF;
	_ =	strace $0x9FFFFFFF  }
0x39: {  	(tm) =	ssettm $0x7FFFFFFF  }
tec
execute0_lowered:
.L_overlay_start_1:
0x0: {  	(tag) =	ssettag $0x1  }
0x1: {  	s0 =	srdreg.scid  }
0x2: {  	s6 =	rddreg [dreg:$0x0];
	s7 =	simm.s32 $0x1;
	s8 =	simm.s32 $0x2  }
0x3: {  	s15 =	simm.s32 $0x0;
	s9 =	simm.s32 $0x271000;
	s1 =	sshll.u32 s0, $0x4  }
0x4: {  	s10 =	simm.s32 $0x0;
	s0 =	stileid.u32;
	s1 =	sand.u32 $0x10, s1  }
0x5: {  	s16 =	simm.s32 $0x0;
	s17 =	simm.s32 $0x0;
	s1 =	sor.u32 s0, s1  }
0x6: {  	s12 =	simm.s32 $0x0;
	s13 =	simm.s32 $0x0;
	s2 =	sshll.u32 s1, $0x2  }
0x7: {  	s14 =	simm.s32 $0x0;
	s3 =	sadd.s32 $0x156800, s6;
	s5 =	ssub.s32 $0x9C4, s2  }
.Ltmp0:
0x8: {  	s6 =	sadd.s32 $0x16800, s6;
	s4 =	sand.u32 $0x7C, s5;
	(pc) =	sbr.rel .LBB1_1-.Ltmp0, $4  }
0x9: {  	s1 =	rddreg [dreg:$0x1];
	_ =	strace $0x8000004A;
	p0 =	sne.s32 s4, $0x0  }
0xa: {  	s5 =	sshrl.u32 s5, $0x7;
	s4 =	simm.s32 $0x1;
	s7 =	simm.s32 @!p0 $0x0  }
0xb: {  	s11 =	smov.u32 s2;
	[sflag:s4] =	ssyncpa.u1 $0x0;
	s5 =	sadd.s32 s7, s5  }
0xc: {  	[sflag:s8] =	ssyncpa.u1 $0x0;
	s8 =	simm.s32 $0x1000;
	s7 =	sadd.s32 $0x1, s5  }
.LBB1_9:
0xd: {  	s18 =	sadd.s32 $0x80, s11  }
0xe: {  	s15 =	sadd.s32 $0x8, s12;
	s19 =	smov.u32 s12;
	p1 =	sgt.s32 s18, $0x9C3  }
0xf: {  	s19 =	smov.u32 @p1 s15  }
0x10: {  	s21 =	smov.u32 s13;
	s15 =	sadd.s32 $0x4, s13;
	p2 =	sgt.s32 s19, $0x7  }
0x11: {  	s21 =	smov.u32 @p2 s15  }
0x12: {  	s18 =	smov.u32 @p1 s2;
	p1 =	sgt.s32 s21, $0x3  }
0x13: {  	p0 =	slt.u32 s14, $0x2;
	s21 =	simm.s32 @p1 $0x0;
	p1 =	sne.s32 s14, s7  }
.Ltmp1:
0x14: {  	s20 =	simm.s32 @!p0 $0x2;
	(pc) =	sbr.rel @!p1 .LBB1_10-.Ltmp1, $4  }
0x15: {  	s16 =	smov.u32 s12;
	s17 =	smov.u32 s13;
	_ =	swait.ge @!p0 [sflag:s20], $0x4000  }
0x16: {  	s10 =	sadd.s32 $0x4000, s10;
	[sflag:s20] =	ssyncset.done @!p0 $0x0;
	s19 =	simm.s32 @p2 $0x0  }
0x17: {  	s15 =	smov.u32 s11;
	[sflag:s20] =	ssyncadd.s32 @!p0 $0xFFFFC000;
	s11 =	smov.u32 s18  }
0x18: {  	s12 =	smov.u32 s19;
	s14 =	sadd.s32 $0x1, s14;
	s13 =	smov.u32 s21  }
.LBB1_1:
0x19: {  	p0 =	sge.u32 s14, s5  }
0x1a: {  	s18 =	sand.u32 @!p0 $0x1FFFFFF, s11  }
0x1b: {  	s19 =	smulhi.u32 @!p0 $0x1A2C2A9, s18  }
0x1c: {  	s20 =	smul.u32 @!p0 $0x4E400, s13  }
0x1d: {  	s22 =	smul.u32 @!p0 $0x9C80, s12;
	s19 =	sshrl.u32 @!p0 s19, $0x4  }
0x1e: {  	s19 =	smul.u32 @!p0 $0x9C8, s19  }
0x1f: {  	s31 =	sadd.s32 $0xFFFFFFFF, s14;
	s20 =	sadd.s32 @!p0 s3, s20  }
0x20: {  	s21 =	sxor.u32 @!p0 $0xFFFFFFFF, s14;
	s20 =	sadd.s32 @!p0 s22, s20;
	s18 =	ssub.s32 @!p0 s18, s19  }
0x21: {  	s19 =	sshll.u32 @!p0 s21, $0xE;
	s21 =	simm.s32 @!p0 $0x4E400;
	s18 =	sshll.u32 @!p0 s18, $0x4  }
0x22: {  	s19 =	sand.u32 @!p0 $0x4000, s19;
	s18 =	sadd.s32 @!p0 s18, s20;
	s20 =	simm.s32 @!p0 $0x200  }
0x23: {  	[tilespmem:s19], [sflag:$0x1] =	stream.strided.gather @!p0 [hbm4b:s18+s20], $0x4000, s21, s20, $0x38;
	[tilespmem:$0x10000] =	vst v63  }
0x24: {  	p0 =	sge.u32 s31, s5  }
.Ltmp2:
0x25: {  	_ = 	snop;
	(pc) =	sbr.rel @p0 .LBB1_9-.Ltmp2, $1  }
0x26: {  	_ =	sdelay $0x3  }
0x27: {  	s18 =	sand.u32 $0x4000, s10  }
0x28: {  	_ =	swait.ge [sflag:s4], $0x4000;
	s21 =	sshll.u32 s14, $0xE;
	s19 =	sor.u32 $0x8040, s18  }
0x29: {  	s20 =	sor.u32 $0x40, s18;
	[sflag:s4] =	ssyncset.done $0x0;
	s31 =	sand.u32 $0x4000, s21  }
0x2a: {  	s21 =	simm.s32 $0x0;
	[sflag:s4] =	ssyncadd.s32 $0xFFFFC000;
	s18 =	sor.u32 $0x8000, s31  }
.LBB1_3:
0x2b: {  	s22 =	smov.u32 s20;
	s23 =	smov.u32 s19;
	s24 =	simm.s32 $0x0  }
.LBB1_4:
0x2c: {  	v0 =	vmov s22;
	_ =	sdelay $0x3  }
0x2d: {  	s26 =	simm.s32 $0x0  }
0x2e: {  	v6 =	vld.idx.msk [tilespmem:v0+s26+$0x30 ss:$0x1], $0xffff  }
0x2f: {  	v7 =	vld.idx.msk [tilespmem:v0+s26+$0xFFFFFFC0 ss:$0x1], $0xffff  }
0x30: {  	v5 =	vld.idx.msk [tilespmem:v0+s26+$0xFFFFFFD0 ss:$0x1], $0xffff  }
0x31: {  	v4 =	vld.idx.msk [tilespmem:v0+s26+$0xFFFFFFE0 ss:$0x1], $0xffff  }
0x32: {  	v3 =	vld.idx.msk [tilespmem:v0+s26+$0xFFFFFFF0 ss:$0x1], $0xffff  }
0x33: {  	v1 =	vld.idx.msk [tilespmem:v0+s26+$0x0 ss:$0x1], $0xffff  }
0x34: {  	v2 =	vld.idx.msk [tilespmem:v0+s26+$0x10 ss:$0x1], $0xffff;
	[tilespmem:s23+$0x30] =	vst v6  }
0x35: {  	s25 =	simm.s32 $0x80;
	s27 =	simm.s32 $0x400;
	[tilespmem:s23+$0xFFFFFFC0] =	vst v7;
	v6 =	vld.idx.msk [tilespmem:v0+s26+$0x20 ss:$0x1], $0xffff;
	s26 =	smov.u32 s23  }
.LBB1_5:
0x36: {  	p0 =	sne.s32 s27, $0x600;
	v7 =	vld.idx.msk [tilespmem:v0+s25+$0x30 ss:$0x1], $0xffff;
	[tilespmem:s26+$0xFFFFFFD0] =	vst v5  }
0x37: {  	v8 =	vld.idx.msk [tilespmem:v0+s25+$0xFFFFFFC0 ss:$0x1], $0xffff;
	[tilespmem:s26+$0xFFFFFFE0] =	vst v4  }
0x38: {  	v5 =	vld.idx.msk [tilespmem:v0+s25+$0xFFFFFFD0 ss:$0x1], $0xffff;
	[tilespmem:s26+$0xFFFFFFF0] =	vst v3  }
.Ltmp3:
0x39: {  	v4 =	vld.idx.msk [tilespmem:v0+s25+$0xFFFFFFE0 ss:$0x1], $0xffff;
	[tilespmem:s26+$0x0] =	vst v1;
	(pc) =	sbr.rel @p0 .LBB1_5-.Ltmp3, $4  }
0x3a: {  	v3 =	vld.idx.msk [tilespmem:v0+s25+$0xFFFFFFF0 ss:$0x1], $0xffff;
	[tilespmem:s26+$0x10] =	vst v2  }
0x3b: {  	v1 =	vld.idx.msk [tilespmem:v0+s25+$0x0 ss:$0x1], $0xffff;
	[tilespmem:s26+$0x20] =	vst v6;
	s26 =	sadd.s32 $0x400, s26  }
0x3c: {  	v2 =	vld.idx.msk [tilespmem:v0+s25+$0x10 ss:$0x1], $0xffff;
	[tilespmem:s26+$0x30] =	vst v7  }
0x3d: {  	[tilespmem:s26+$0xFFFFFFC0] =	vst v8;
	v6 =	vld.idx.msk [tilespmem:v0+s25+$0x20 ss:$0x1], $0xffff;
	s25 =	sshra.s32 s27, $0x2;
	s27 =	sadd.s32 $0x200, s27  }
0x3e: {  	_ =	sdelay $0x2  }
0x3f: {  	[tilespmem:s26+$0xFFFFFFD0] =	vst v5  }
0x40: {  	v56 =	vld.idx.msk [tilespmem:v0+s25+$0x30 ss:$0x1], $0xffff;
	[tilespmem:s26+$0xFFFFFFE0] =	vst v4  }
0x41: {  	v57 =	vld.idx.msk [tilespmem:v0+s25+$0xFFFFFFC0 ss:$0x1], $0xffff;
	[tilespmem:s26+$0xFFFFFFF0] =	vst v3  }
0x42: {  	v58 =	vld.idx.msk [tilespmem:v0+s25+$0xFFFFFFD0 ss:$0x1], $0xffff;
	[tilespmem:s26+$0x0] =	vst v1  }
0x43: {  	v59 =	vld.idx.msk [tilespmem:v0+s25+$0xFFFFFFE0 ss:$0x1], $0xffff;
	[tilespmem:s26+$0x10] =	vst v2  }
0x44: {  	v60 =	vld.idx.msk [tilespmem:v0+s25+$0xFFFFFFF0 ss:$0x1], $0xffff;
	s31 =	sadd.s32 $0x400, s26;
	[tilespmem:s26+$0x20] =	vst v6  }
0x45: {  	v61 =	vld.idx.msk [tilespmem:v0+s25+$0x0 ss:$0x1], $0xffff;
	[tilespmem:s31+$0x30] =	vst v56  }
0x46: {  	v62 =	vld.idx.msk [tilespmem:v0+s25+$0x10 ss:$0x1], $0xffff;
	s24 =	sadd.s32 $0x1, s24;
	[tilespmem:s31+$0xFFFFFFC0] =	vst v57  }
0x47: {  	v63 =	vld.idx.msk [tilespmem:v0+s25+$0x20 ss:$0x1], $0xffff;
	p0 =	sne.s32 s24, $0x8;
	[tilespmem:s31+$0xFFFFFFD0] =	vst v58  }
.Ltmp4:
0x48: {  	[tilespmem:s31+$0xFFFFFFE0] =	vst v59;
	(pc) =	sbr.rel @p0 .LBB1_4-.Ltmp4, $4  }
0x49: {  	[tilespmem:s31+$0xFFFFFFF0] =	vst v60  }
0x4a: {  	[tilespmem:s31+$0x0] =	vst v61  }
0x4b: {  	[tilespmem:s31+$0x10] =	vst v62  }
0x4c: {  	s23 =	sadd.s32 $0x80, s23;
	s22 =	sadd.s32 $0x200, s22;
	[tilespmem:s31+$0x20] =	vst v63  }
0x4d: {  	s21 =	sadd.s32 $0x1, s21  }
0x4e: {  	p0 =	sne.s32 s21, $0x4  }
.Ltmp5:
0x4f: {  	_ = 	snop;
	(pc) =	sbr.rel @p0 .LBB1_3-.Ltmp5, $2  }
0x50: {  	_ =	sdelay $0x2  }
0x51: {  	s19 =	sadd.s32 $0x1000, s19;
	s20 =	sadd.s32 $0x1000, s20  }
0x52: {  	s17 =	smul.u32 $0x4E200, s17  }
.Ltmp6:
0x53: {  	_ = 	snop;
	(pc) =	sbr.rel .LBB1_9-.Ltmp6, $4  }
0x54: {  	s15 =	sshll.u32 s15, $0x7;
	s16 =	sshll.u32 s16, $0x4;
	s17 =	sadd.s32 s6, s17  }
0x55: {  	s16 =	sand.u32 $0x70, s16;
	s15 =	sadd.s32 s15, s17  }
0x56: {  	s15 =	sadd.s32 s16, s15  }
0x57: {  	[hbm4b:s15+s8] =	stream.strided.scatter [tilespmem:s18], [sflag:$0x2], $0x4000, s9, s8, $0x38;
	[tilespmem:$0x10000] =	vst v63  }
.LBB1_10:
0x58: {  	_ =	sfence.sel $0x180000  }
0x59: {  	s2 =	simm.s32 $0x1;
	[bflag:$0x0] =	sbarrier.arrive $0xFFFF  }
0x5a: {  	s31 =	simm.s32 $0x2;
	[sflag:s2] =	ssyncpa.u1 $0x1  }
0x5b: {  	[sflag:s31] =	ssyncpa.u1 $0x1  }
0x5c: {  	p0 =	sne.s32 s0, $0x0;
	_ =	strace $0x9000004A  }
0x5d: {  	s0 =	sadd.s32 @!p0 $0x100000, s1;
	[bflag:$0x2] =	sbarrier.arrive $0xFFFF  }
0x5e: {  	[sflag:s0] =	ssyncadd.tile.s32 @!p0 $0x1;
	_ =	shalt  }
.Lfunc_end1:
_tile_overlayer_lowered:
.L_overlay_start_2:
0x5f: {  	(tag) =	ssettag $0x2  }
0x60: {  	s0 =	rddreg [dreg:$0x0];
	s2 =	stileid.u32  }
0x61: {  	s1 =	rddreg [dreg:$0x1];
	p0 =	sne.s32 s2, $0x0  }
0x62: {  	s3 =	rddreg [dreg:$0x2];
	[bflag:$0x3] =	sbarrier.arrive $0xFFFF;
	s2 =	simm.s32 @!p0 $0x1C01  }
0x63: {  	[timem:s3], [sflag:s2] =	dma.local @!p0 [hbm:s0], s1  }
0x64: {  	s0 =	simm.s32 @!p0 $0x1  }
0x65: {  	_ =	swait.ge @!p0 [sflag:s0], s1  }
0x66: {  	s1 =	ssub.s32 @!p0 $0x0, s1;
	[sflag:s0] =	ssyncset.done @!p0 $0x0  }
0x67: {  	[sflag:s0] =	ssyncadd.s32 @!p0 s1  }
0x68: {  	[bflag:$0x3] =	sbarrier.arrive $0xFFFF  }
0x69: {  	_ =	shalt  }

</sc_bundles>
